<compile_context>
chip_gen: v7x
topology: tpu7x:2x2x1
jax: 0.10.2.dev20260603
libtpu: 0.0.44.dev20260713+nightly
codegen_flags: <defaults>
</compile_context>

<pallas_src>
import functools

import jax
import jax.numpy as jnp
from jax import lax
from jax.experimental import pallas as pl
from jax.experimental.pallas import tpu as pltpu
from jax.experimental.pallas import tpu_sc as plsc

B, S, H, W = 4, 2, 512, 512
K = 8
N = H * W
BN = B * N
DELTA_PUSH = 20.0
W_PULL, W_PUSH, W_PEN, W_BEN = 1.0, 1.0, 1.0, 5.0

BH = 64
R = H // BH



def _dense_body(off_x, off_y, nr_x, nr_y, gr_x, gr_y, lab,
                misc_out, sx_out, sy_out, cnt_out,
                acc_misc, acc_sx, acc_sy, acc_cnt):
    b = pl.program_id(0)
    r = pl.program_id(1)

    @pl.when(jnp.logical_and(b == 0, r == 0))
    def _init():
        acc_misc[...] = jnp.zeros_like(acc_misc)

    @pl.when(r == 0)
    def _init_batch():
        acc_sx[...] = jnp.zeros_like(acc_sx)
        acc_sy[...] = jnp.zeros_like(acc_sy)
        acc_cnt[...] = jnp.zeros_like(acc_cnt)

    ox = off_x[0, 0]
    oy = off_y[0, 0]
    nx = nr_x[0, 0]
    ny = nr_y[0, 0]
    gx_ = gr_x[0, 0]
    gy_ = gr_y[0, 0]
    labs = lab[0]

    col = lax.broadcasted_iota(jnp.int32, (BH, W), 1).astype(jnp.float32)
    row = (lax.broadcasted_iota(jnp.int32, (BH, W), 0) + r * BH).astype(jnp.float32)
    ex = col + ox
    ey = row + oy

    fg = (labs > 0).astype(jnp.float32)

    d2 = (ex - nx) ** 2 + (ey - ny) ** 2 + 1e-8
    dist = jnp.sqrt(d2)
    acc_misc[0:1, :] += jnp.sum(dist * fg, axis=0, keepdims=True)

    off_n = jnp.sqrt(ox * ox + oy * oy + 1e-12)
    grad_n = jnp.sqrt(gx_ * gx_ + gy_ * gy_ + 1e-12)
    cos = (ox * gx_ + oy * gy_) / (off_n * grad_n + 1e-8)
    acc_misc[1:2, :] += jnp.sum((1.0 - cos) * fg, axis=0, keepdims=True)

    acc_misc[2:3, :] += jnp.sum(fg, axis=0, keepdims=True)

    for k in range(K):
        m = (labs == k).astype(jnp.float32)
        acc_sx[k:k + 1, :] += jnp.sum(m * ex, axis=0, keepdims=True)
        acc_sy[k:k + 1, :] += jnp.sum(m * ey, axis=0, keepdims=True)
        acc_cnt[k:k + 1, :] += jnp.sum(m, axis=0, keepdims=True)

    @pl.when(r == R - 1)
    def _flush_batch():
        sx_out[0] = acc_sx[...]
        sy_out[0] = acc_sy[...]
        cnt_out[0] = acc_cnt[...]

    @pl.when(jnp.logical_and(b == B - 1, r == R - 1))
    def _flush():
        misc_out[...] = acc_misc[...]


def _dense_terms(offsets, gt_labels, gt_nr_skel, gt_dt_grad):
    grid = (B, R)
    blk4 = (1, 1, BH, W)

    def chan(c):
        return pl.BlockSpec(blk4, lambda b, r, c=c: (b, c, r, 0))

    lab_spec = pl.BlockSpec((1, BH, W), lambda b, r: (b, r, 0))

    out_shapes = [
        jax.ShapeDtypeStruct((8, W), jnp.float32),
        jax.ShapeDtypeStruct((B, K, W), jnp.float32),
        jax.ShapeDtypeStruct((B, K, W), jnp.float32),
        jax.ShapeDtypeStruct((B, K, W), jnp.float32),
    ]
    out_specs = [
        pl.BlockSpec((8, W), lambda b, r: (0, 0)),
        pl.BlockSpec((1, K, W), lambda b, r: (b, 0, 0)),
        pl.BlockSpec((1, K, W), lambda b, r: (b, 0, 0)),
        pl.BlockSpec((1, K, W), lambda b, r: (b, 0, 0)),
    ]
    return pl.pallas_call(
        _dense_body,
        grid=grid,
        in_specs=[chan(0), chan(1), chan(0), chan(1), chan(0), chan(1), lab_spec],
        out_specs=out_specs,
        out_shape=out_shapes,
        scratch_shapes=[
            pltpu.VMEM((8, W), jnp.float32),
            pltpu.VMEM((K, W), jnp.float32),
            pltpu.VMEM((K, W), jnp.float32),
            pltpu.VMEM((K, W), jnp.float32),
        ],
    )(offsets, offsets, gt_nr_skel, gt_nr_skel, gt_dt_grad, gt_dt_grad, gt_labels)



NTILES = 32
PPT = BN // NTILES
BLOCK = 2048
NB = PPT // BLOCK
GR = 128
NG = BLOCK // GR
NL = GR // 16


def _sc_benefit_body(qref, offref, labref, outref, *s):
    offx = s[0:2]
    offy = s[2:4]
    lab = s[4:6]
    idx = (s[6:10], s[10:14])
    cbuf = (s[14:18], s[18:22])
    wx = s[22:24]
    wya = s[24:26]
    wyb = s[26:28]
    acc_v = s[28]
    simg = s[29]
    sem_in = s[30]
    sem_g = s[31]

    cid = lax.axis_index("c")
    sid = lax.axis_index("s")
    wid = cid * 16 + sid
    base = wid * PPT
    b = lax.shift_right_logical(base, 18)
    bN = lax.shift_left(b, 18)
    f0_tile = base - bN
    off_base_tile = base + bN
    slab = 2 * N + 1024
    simg_base = cid * slab + lax.shift_left(jnp.bitwise_and(b, 1), 18)

    lanes = lax.iota(jnp.int32, 16)

    def inflow(ib, q):
        @pl.when(ib < NB)
        def _():
            blk = ib * BLOCK
            ox_start = pl.multiple_of(off_base_tile + blk, 8)
            oy_start = pl.multiple_of(off_base_tile + N + blk, 8)
            lb_start = pl.multiple_of(base + blk, 8)
            pltpu.async_copy(offref.at[pl.ds(ox_start, BLOCK)], offx[q], sem_in)
            pltpu.async_copy(offref.at[pl.ds(oy_start, BLOCK)], offy[q], sem_in)
            pltpu.async_copy(labref.at[pl.ds(lb_start, BLOCK)], lab[q], sem_in)

    def wait_in(q):
        pltpu.make_async_copy(offref.at[pl.ds(0, BLOCK)], offx[q], sem_in).wait()
        pltpu.make_async_copy(offref.at[pl.ds(0, BLOCK)], offy[q], sem_in).wait()
        pltpu.make_async_copy(labref.at[pl.ds(0, BLOCK)], lab[q], sem_in).wait()

    def pass1(ib, q):
        f_blk = f0_tile + ib * BLOCK
        offx_v, offy_v, lab_v = offx[q], offy[q], lab[q]
        idx0_v, idx1_v, idx2_v, idx3_v = idx[q]
        wx_v, wya_v, wyb_v = wx[q], wya[q], wyb[q]

        @plsc.parallel_loop(0, BLOCK // 16, unroll=4)
        def p1(g):
            l = g * 16
            ig = lax.shift_right_logical(g, 3)
            j = jnp.bitwise_and(g, NL - 1)
            ox = offx_v[pl.ds(l, 16)]
            oy = offy_v[pl.ds(l, 16)]
            lb = lab_v[pl.ds(l, 16)]
            f = f_blk + l + lanes
            xi = jnp.bitwise_and(f, W - 1)
            yi = lax.shift_right_logical(f, 9)
            px = xi.astype(jnp.float32) + ox
            py = yi.astype(jnp.float32) + oy
            px = jnp.minimum(jnp.maximum(px, 0.0), float(W - 1))
            py = jnp.minimum(jnp.maximum(py, 0.0), float(H - 1))
            x0 = px.astype(jnp.int32)
            y0 = py.astype(jnp.int32)
            wx1 = px - x0.astype(jnp.float32)
            wy1 = py - y0.astype(jnp.float32)
            fgm = jnp.where(lb > 0, 1.0, 0.0)
            gidx = simg_base + lax.shift_left(y0, 9) + x0
            sl16 = pl.ds(j * 16, 16)
            idx0_v[ig, sl16] = gidx
            idx1_v[ig, sl16] = gidx + 1
            idx2_v[ig, sl16] = gidx + W
            idx3_v[ig, sl16] = gidx + (W + 1)
            l_sl = pl.ds(l, 16)
            wx_v[l_sl] = wx1
            wya_v[l_sl] = (1.0 - wy1) * fgm
            wyb_v[l_sl] = wy1 * fgm

    def fire(q):
        idx0_v, idx1_v, idx2_v, idx3_v = idx[q]
        c0_v, c1_v, c2_v, c3_v = cbuf[q]

        def f1(ig, carry):
            dst = pl.ds(ig * GR, GR)
            pltpu.async_copy(simg.at[idx0_v.at[ig]], c0_v.at[dst], sem_g)
            pltpu.async_copy(simg.at[idx1_v.at[ig]], c1_v.at[dst], sem_g)
            pltpu.async_copy(simg.at[idx2_v.at[ig]], c2_v.at[dst], sem_g)
            pltpu.async_copy(simg.at[idx3_v.at[ig]], c3_v.at[dst], sem_g)
            return carry

        lax.fori_loop(0, NG, f1, 0)

    def drain_g(q):
        for cv in cbuf[q]:
            pltpu.make_async_copy(offref.at[pl.ds(0, BLOCK)], cv, sem_g).wait()

    def pass2(q, acc):
        c0_v, c1_v, c2_v, c3_v = cbuf[q]
        wx_v, wya_v, wyb_v = wx[q], wya[q], wyb[q]

        @plsc.parallel_loop(0, BLOCK // 16, unroll=4, carry=acc)
        def p2(j, acc):
            sl = pl.ds(j * 16, 16)
            wx1 = wx_v[sl]
            wx0 = 1.0 - wx1
            top = c0_v[sl] * wx0 + c1_v[sl] * wx1
            bot = c2_v[sl] * wx0 + c3_v[sl] * wx1
            return acc + top * wya_v[sl] + bot * wyb_v[sl]

        return p2

    acc = jnp.zeros((16,), jnp.float32)

    inflow(0, 0)

    @pl.when(sid == 0)
    def _stage():
        src_start = pl.multiple_of(cid * (2 * N), 8)
        dst_start = pl.multiple_of(cid * slab, 8)
        pltpu.sync_copy(qref.at[pl.ds(src_start, slab)],
                        simg.at[pl.ds(dst_start, slab)])

    plsc.subcore_barrier()

    wait_in(0)
    pass1(0, 0)
    fire(0)
    inflow(1, 1)

    def pair(k, acc):
        ibB = 2 * k + 1
        wait_in(1)
        pass1(ibB, 1)
        fire(1)
        inflow(ibB + 1, 0)
        drain_g(0)
        acc = pass2(0, acc)
        ibA = 2 * k + 2

        @pl.when(ibA < NB)
        def _():
            wait_in(0)
            pass1(ibA, 0)
            fire(0)

        inflow(ibA + 1, 1)
        drain_g(1)
        acc = pass2(1, acc)
        return acc

    acc = lax.fori_loop(0, NB // 2, pair, acc)

    acc_v[...] = acc
    pltpu.sync_copy(acc_v, outref.at[wid])


def _sc_benefit(img_pad, offs_flat, labels_flat):
    mesh = plsc.VectorSubcoreMesh(core_axis_name="c", subcore_axis_name="s")
    scratch = []
    for _ in range(2):
        scratch.append(pltpu.VMEM((BLOCK,), jnp.float32))
    for _ in range(2):
        scratch.append(pltpu.VMEM((BLOCK,), jnp.float32))
    for _ in range(2):
        scratch.append(pltpu.VMEM((BLOCK,), jnp.int32))
    for _ in range(8):
        scratch.append(pltpu.VMEM((NG, GR), jnp.int32))
    for _ in range(8):
        scratch.append(pltpu.VMEM((BLOCK,), jnp.float32))
    for _ in range(6):
        scratch.append(pltpu.VMEM((BLOCK,), jnp.float32))
    scratch.append(pltpu.VMEM((16,), jnp.float32))
    scratch.append(pltpu.VMEM_SHARED((BN + 1024,), jnp.float32))
    scratch.append(pltpu.SemaphoreType.DMA)
    scratch.append(pltpu.SemaphoreType.DMA)
    fn = functools.partial(
        pl.kernel, mesh=mesh,
        out_type=jax.ShapeDtypeStruct((NTILES, 16), jnp.float32),
        scratch_types=scratch,
    )(_sc_benefit_body)
    return fn(img_pad, offs_flat, labels_flat)




def kernel(offsets, gt_labels, gt_nr_skel, gt_dt_norm, gt_dt_grad):
    misc, sx, sy, cnt = _dense_terms(offsets, gt_labels, gt_nr_skel, gt_dt_grad)

    img_pad = jnp.concatenate(
        [gt_dt_norm.reshape(BN), jnp.zeros((1024,), jnp.float32)])
    partials = _sc_benefit(img_pad,
                           offsets.reshape(B * S * N),
                           gt_labels.reshape(BN).astype(jnp.int32))

    pull_sum = jnp.sum(misc[0])
    pen_sum = jnp.sum(misc[1])
    fg_sum = jnp.sum(misc[2])
    n_fg = jnp.maximum(fg_sum, 1.0)

    sums_x = jnp.sum(sx, axis=-1)
    sums_y = jnp.sum(sy, axis=-1)
    cnts = jnp.sum(cnt, axis=-1)

    mu = jnp.stack([sums_x, sums_y], axis=-1) / jnp.maximum(cnts, 1.0)[..., None]
    valid = ((cnts > 0) & (jnp.arange(K)[None, :] > 0)).astype(jnp.float32)
    dmu = jnp.sqrt(jnp.sum((mu[:, :, None, :] - mu[:, None, :, :]) ** 2, axis=-1) + 1e-8)
    pm = valid[:, :, None] * valid[:, None, :] * (1.0 - jnp.eye(K)[None])
    hinge = jnp.maximum(DELTA_PUSH - dmu, 0.0) ** 2
    l_push = jnp.sum(hinge * pm) / jnp.maximum(jnp.sum(pm), 1.0)

    ben_sum = fg_sum - jnp.sum(partials)

    l_pull = pull_sum / n_fg
    l_pen = pen_sum / n_fg
    l_ben = ben_sum / n_fg
    total = W_PULL * l_pull + W_PUSH * l_push + W_PEN * l_pen + W_BEN * l_ben
    return total, l_pull, l_push, l_pen, l_ben

# --- scband reference (transcript-rebuilt; emitter-appended) ---
"""Pipeline reference for scband-skeleton-embedding-loss-10565619548450 (READ-ONLY COPY).

The authoritative reference and input builder live on the scoring server;
editing this copy changes nothing except your own understanding.
"""

import jax, jax.numpy as jnp
import numpy as np

B, S, H, W = 4, 2, 512, 512
K = 8
DELTA_PUSH = 20.0
W_PULL, W_PUSH, W_PEN, W_BEN = 1.0, 1.0, 1.0, 5.0


def setup_inputs(seed: int = 0):
    key = jax.random.key(seed)
    k1, k2, k3, k4, k5 = jax.random.split(key, 5)
    offsets = jax.random.normal(k1, (B, S, H, W), jnp.float32)
    gt_labels = jax.random.randint(k2, (B, H, W), 0, K)
    gt_nr_skel = jax.random.uniform(k3, (B, S, H, W), jnp.float32) * (W - 1)
    gt_dt_norm = jax.random.uniform(k4, (B, 1, H, W), jnp.float32)
    gt_dt_grad = jax.random.normal(k5, (B, S, H, W), jnp.float32)
    return {"offsets": offsets, "gt_labels": gt_labels, "gt_nr_skel": gt_nr_skel,
            "gt_dt_norm": gt_dt_norm, "gt_dt_grad": gt_dt_grad}


def _bilinear(img, x, y):
    Hh, Ww = img.shape
    x = jnp.clip(x, 0.0, Ww - 1.0)
    y = jnp.clip(y, 0.0, Hh - 1.0)
    x0 = jnp.floor(x).astype(jnp.int32)
    y0 = jnp.floor(y).astype(jnp.int32)
    x1 = jnp.clip(x0 + 1, 0, Ww - 1)
    y1 = jnp.clip(y0 + 1, 0, Hh - 1)
    wx1 = x - x0.astype(jnp.float32)
    wx0 = 1.0 - wx1
    wy1 = y - y0.astype(jnp.float32)
    wy0 = 1.0 - wy1
    return (img[y0, x0] * wx0 * wy0 + img[y0, x1] * wx1 * wy0 +
            img[y1, x0] * wx0 * wy1 + img[y1, x1] * wx1 * wy1)


def _loss_terms(offsets, gt_nr_skel, gt_dt_norm, gt_dt_grad, gt_labels):
    gy, gx = jnp.meshgrid(jnp.arange(H, dtype=jnp.float32),
                          jnp.arange(W, dtype=jnp.float32), indexing='ij')
    coords = jnp.stack([gx, gy], 0)[None]  # (x, y) order, [1, 2, H, W]
    e = coords + offsets                    # embeddings [B, S, H, W]
    fg = (gt_labels > 0).astype(jnp.float32)
    n_fg = jnp.maximum(fg.sum(), 1.0)
    # L_pull: L2 between embedding and nearest GT skeleton point
    dist = jnp.sqrt(jnp.sum((e - gt_nr_skel) ** 2, axis=1) + 1e-8)
    l_pull = jnp.sum(dist * fg) / n_fg
    # L_push: pairwise margin on per-instance mean embeddings
    e_flat = e.transpose(0, 2, 3, 1).reshape(-1, S)
    ids = (gt_labels + jnp.arange(B)[:, None, None] * K).reshape(-1)
    sums = jax.ops.segment_sum(e_flat, ids, num_segments=B * K)
    cnts = jax.ops.segment_sum(jnp.ones((B * H * W,), jnp.float32), ids, num_segments=B * K)
    mu = (sums / jnp.maximum(cnts, 1.0)[:, None]).reshape(B, K, S)
    valid = ((cnts.reshape(B, K) > 0) & (jnp.arange(K)[None, :] > 0)).astype(jnp.float32)
    dmu = jnp.sqrt(jnp.sum((mu[:, :, None, :] - mu[:, None, :, :]) ** 2, axis=-1) + 1e-8)
    pm = valid[:, :, None] * valid[:, None, :] * (1.0 - jnp.eye(K)[None])
    hinge = jnp.maximum(DELTA_PUSH - dmu, 0.0) ** 2
    l_push = jnp.sum(hinge * pm) / jnp.maximum(pm.sum(), 1.0)
    # L_penalty: cosine alignment between offset and DT gradient
    off_n = jnp.sqrt(jnp.sum(offsets ** 2, axis=1) + 1e-12)
    grad_n = jnp.sqrt(jnp.sum(gt_dt_grad ** 2, axis=1) + 1e-12)
    cos = jnp.sum(offsets * gt_dt_grad, axis=1) / (off_n * grad_n + 1e-8)
    l_pen = jnp.sum((1.0 - cos) * fg) / n_fg
    # L_benefit: bilinear sample of normalised DT at the embedding location
    sampled = jax.vmap(_bilinear)(gt_dt_norm[:, 0], e[:, 0], e[:, 1])
    l_ben = jnp.sum((1.0 - sampled) * fg) / n_fg
    total = W_PULL * l_pull + W_PUSH * l_push + W_PEN * l_pen + W_BEN * l_ben
    return total, l_pull, l_push, l_pen, l_ben


def reference(offsets, gt_labels, gt_nr_skel, gt_dt_norm, gt_dt_grad):
    return _loss_terms(offsets, gt_nr_skel, gt_dt_norm, gt_dt_grad, gt_labels)

if __name__ == "__main__":
    import jax
    _d = setup_inputs()
    print(jax.jit(kernel)(*tuple(_d.values())))

</pallas_src>

<mosaic_0001>
#map = affine_map<(d0, d1) -> (0)>
#map1 = affine_map<(d0, d1) -> (0, 0)>
module attributes {stable_mosaic.version = 14 : i64} {
  func.func @_sc_benefit_body(%arg0: i32, %arg1: i32, %arg2: memref<1049600xf32, #tpu.memory_space<hbm>>, %arg3: memref<2097152xf32, #tpu.memory_space<hbm>>, %arg4: memref<1048576xi32, #tpu.memory_space<hbm>>, %arg5: memref<32x16xf32, #tpu.memory_space<hbm>>, %arg6: memref<2048xf32, #tpu.memory_space<vmem>>, %arg7: memref<2048xf32, #tpu.memory_space<vmem>>, %arg8: memref<2048xf32, #tpu.memory_space<vmem>>, %arg9: memref<2048xf32, #tpu.memory_space<vmem>>, %arg10: memref<2048xi32, #tpu.memory_space<vmem>>, %arg11: memref<2048xi32, #tpu.memory_space<vmem>>, %arg12: memref<16x128xi32, #tpu.memory_space<vmem>>, %arg13: memref<16x128xi32, #tpu.memory_space<vmem>>, %arg14: memref<16x128xi32, #tpu.memory_space<vmem>>, %arg15: memref<16x128xi32, #tpu.memory_space<vmem>>, %arg16: memref<16x128xi32, #tpu.memory_space<vmem>>, %arg17: memref<16x128xi32, #tpu.memory_space<vmem>>, %arg18: memref<16x128xi32, #tpu.memory_space<vmem>>, %arg19: memref<16x128xi32, #tpu.memory_space<vmem>>, %arg20: memref<2048xf32, #tpu.memory_space<vmem>>, %arg21: memref<2048xf32, #tpu.memory_space<vmem>>, %arg22: memref<2048xf32, #tpu.memory_space<vmem>>, %arg23: memref<2048xf32, #tpu.memory_space<vmem>>, %arg24: memref<2048xf32, #tpu.memory_space<vmem>>, %arg25: memref<2048xf32, #tpu.memory_space<vmem>>, %arg26: memref<2048xf32, #tpu.memory_space<vmem>>, %arg27: memref<2048xf32, #tpu.memory_space<vmem>>, %arg28: memref<2048xf32, #tpu.memory_space<vmem>>, %arg29: memref<2048xf32, #tpu.memory_space<vmem>>, %arg30: memref<2048xf32, #tpu.memory_space<vmem>>, %arg31: memref<2048xf32, #tpu.memory_space<vmem>>, %arg32: memref<2048xf32, #tpu.memory_space<vmem>>, %arg33: memref<2048xf32, #tpu.memory_space<vmem>>, %arg34: memref<16xf32, #tpu.memory_space<vmem>>, %arg35: memref<1049600xf32, #tpu.memory_space<vmem_shared>>, %arg36: memref<!tpu.dma_semaphore, #tpu.memory_space<semaphore_mem>>, %arg37: memref<!tpu.dma_semaphore, #tpu.memory_space<semaphore_mem>>) attributes {dimension_semantics = [#tpu.dimension_semantics<core_parallel>, #tpu.dimension_semantics<subcore_parallel>], iteration_bounds = array<i64: 2, 16>, scalar_prefetch = 0 : i64, scratch_operands = 32 : i64, tpu.core_type = #tpu.core_type<sc_vector_subcore>, window_params = [{transform_indices = #map}, {transform_indices = #map}, {transform_indices = #map}, {transform_indices = #map1}]} {
    %mul3A = arith.constant 16 : i32
    %mul3A_0 = arith.muli %arg0, %mul3A : i32
    %add3A = arith.addi %mul3A_0, %arg1 : i32
    %mul3A_1 = arith.constant 32768 : i32
    %mul3A_2 = arith.muli %add3A, %mul3A_1 : i32
    %shift_right_logical3A = arith.constant 18 : i32
    %shift_right_logical3A_3 = arith.shrui %mul3A_2, %shift_right_logical3A : i32
    %shift_left3A = arith.constant 18 : i32
    %shift_left3A_4 = arith.shli %shift_right_logical3A_3, %shift_left3A : i32
    %sub3A = arith.subi %mul3A_2, %shift_left3A_4 : i32
    %add3A_5 = arith.addi %mul3A_2, %shift_left3A_4 : i32
    %mul3A_6 = arith.constant 525312 : i32
    %mul3A_7 = arith.muli %arg0, %mul3A_6 : i32
    %and3A = arith.constant 1 : i32
    %and3A_8 = arith.andi %shift_right_logical3A_3, %and3A : i32
    %shift_left3A_9 = arith.constant 18 : i32
    %shift_left3A_10 = arith.shli %and3A_8, %shift_left3A_9 : i32
    %add3A_11 = arith.addi %mul3A_7, %shift_left3A_10 : i32
    %iota3A = tpu.iota {dimensions = array<i32: 0>} : vector<16xi32>
    %broadcast_in_dim3A = arith.constant 0.000000e+00 : f32
    %broadcast_in_dim3A_12 = vector.broadcast %broadcast_in_dim3A : f32 to vector<16xf32>
    %add3A_13 = arith.constant 0 : i32
    %add3A_14 = arith.addi %add3A_5, %add3A_13 : i32
    %multiple_of3A = tpu.assume_multiple %add3A_14, 8 : i32
    %add3A_15 = arith.constant 262144 : i32
    %add3A_16 = arith.addi %add3A_5, %add3A_15 : i32
    %add3A_17 = arith.constant 0 : i32
    %add3A_18 = arith.addi %add3A_16, %add3A_17 : i32
    %multiple_of3A_19 = tpu.assume_multiple %add3A_18, 8 : i32
    %add3A_20 = arith.constant 0 : i32
    %add3A_21 = arith.addi %mul3A_2, %add3A_20 : i32
    %multiple_of3A_22 = tpu.assume_multiple %add3A_21, 8 : i32
    %dma_start3A = tpu.memref_slice %arg3[%multiple_of3A] : memref<2097152xf32, #tpu.memory_space<hbm>> -> memref<2048xf32, #tpu.memory_space<hbm>>
    %dma_start3A_23 = tpu.memref_slice %arg3[%multiple_of3A] : memref<2097152xf32, #tpu.memory_space<hbm>> -> memref<2048xf32, #tpu.memory_space<hbm>>
    tpu.enqueue_dma source(%dma_start3A_23 : memref<2048xf32, #tpu.memory_space<hbm>>) target(%arg6 : memref<2048xf32, #tpu.memory_space<vmem>>) target_semaphore(%arg36 : memref<!tpu.dma_semaphore, #tpu.memory_space<semaphore_mem>>)
    %dma_start3A_24 = tpu.memref_slice %arg3[%multiple_of3A_19] : memref<2097152xf32, #tpu.memory_space<hbm>> -> memref<2048xf32, #tpu.memory_space<hbm>>
    %dma_start3A_25 = tpu.memref_slice %arg3[%multiple_of3A_19] : memref<2097152xf32, #tpu.memory_space<hbm>> -> memref<2048xf32, #tpu.memory_space<hbm>>
    tpu.enqueue_dma source(%dma_start3A_25 : memref<2048xf32, #tpu.memory_space<hbm>>) target(%arg8 : memref<2048xf32, #tpu.memory_space<vmem>>) target_semaphore(%arg36 : memref<!tpu.dma_semaphore, #tpu.memory_space<semaphore_mem>>)
    %dma_start3A_26 = tpu.memref_slice %arg4[%multiple_of3A_22] : memref<1048576xi32, #tpu.memory_space<hbm>> -> memref<2048xi32, #tpu.memory_space<hbm>>
    %dma_start3A_27 = tpu.memref_slice %arg4[%multiple_of3A_22] : memref<1048576xi32, #tpu.memory_space<hbm>> -> memref<2048xi32, #tpu.memory_space<hbm>>
    tpu.enqueue_dma source(%dma_start3A_27 : memref<2048xi32, #tpu.memory_space<hbm>>) target(%arg10 : memref<2048xi32, #tpu.memory_space<vmem>>) target_semaphore(%arg36 : memref<!tpu.dma_semaphore, #tpu.memory_space<semaphore_mem>>)
    %eq3A = arith.constant 0 : i32
    %eq3A_28 = arith.cmpi eq, %arg1, %eq3A : i32
    %convert_element_type3A = arith.extui %eq3A_28 : i1 to i32
    %cond3A = arith.constant 0 : i32
    %cond3A_29 = arith.cmpi ne, %convert_element_type3A, %cond3A : i32
    scf.if %cond3A_29 {
      %mul3A_76 = arith.constant 524288 : i32
      %mul3A_77 = arith.muli %arg0, %mul3A_76 : i32
      %multiple_of3A_78 = tpu.assume_multiple %mul3A_77, 8 : i32
      %mul3A_79 = arith.constant 525312 : i32
      %mul3A_80 = arith.muli %arg0, %mul3A_79 : i32
      %multiple_of3A_81 = tpu.assume_multiple %mul3A_80, 8 : i32
      "tpu.region"() ({
        %run_scoped3A = tpu.sem_alloc : memref<!tpu.dma_semaphore, #tpu.memory_space<semaphore_mem>>
        %dma_start3A_82 = tpu.memref_slice %arg35[%multiple_of3A_81] : memref<1049600xf32, #tpu.memory_space<vmem_shared>> -> memref<525312xf32, #tpu.memory_space<vmem_shared>>
        %dma_start3A_83 = tpu.memref_slice %arg2[%multiple_of3A_78] : memref<1049600xf32, #tpu.memory_space<hbm>> -> memref<525312xf32, #tpu.memory_space<hbm>>
        tpu.enqueue_dma source(%dma_start3A_83 : memref<525312xf32, #tpu.memory_space<hbm>>) target(%dma_start3A_82 : memref<525312xf32, #tpu.memory_space<vmem_shared>>) target_semaphore(%run_scoped3A : memref<!tpu.dma_semaphore, #tpu.memory_space<semaphore_mem>>)
        %dma_wait3A_84 = tpu.memref_slice %arg35[%multiple_of3A_81] : memref<1049600xf32, #tpu.memory_space<vmem_shared>> -> memref<525312xf32, #tpu.memory_space<vmem_shared>>
        %dma_wait3A_85 = tpu.memref_slice %arg2[%multiple_of3A_78] : memref<1049600xf32, #tpu.memory_space<hbm>> -> memref<525312xf32, #tpu.memory_space<hbm>>
        tpu.wait_dma2 semaphore(%run_scoped3A : memref<!tpu.dma_semaphore, #tpu.memory_space<semaphore_mem>>) src(%dma_wait3A_85 : memref<525312xf32, #tpu.memory_space<hbm>>) dst(%dma_wait3A_84 : memref<525312xf32, #tpu.memory_space<vmem_shared>>)
        tpu.yield
      }) : () -> ()
    } else {
    }
    %barrier3A = arith.constant 0 : index
    tpu.barrier barrier_id(%barrier3A)
    %dma_wait3A = arith.constant 0 : i32
    %dma_wait3A_30 = tpu.memref_slice %arg3[%dma_wait3A] : memref<2097152xf32, #tpu.memory_space<hbm>> -> memref<2048xf32, #tpu.memory_space<hbm>>
    %dma_wait3A_31 = arith.constant 0 : i32
    %dma_wait3A_32 = tpu.memref_slice %arg3[%dma_wait3A_31] : memref<2097152xf32, #tpu.memory_space<hbm>> -> memref<2048xf32, #tpu.memory_space<hbm>>
    tpu.wait_dma2 semaphore(%arg36 : memref<!tpu.dma_semaphore, #tpu.memory_space<semaphore_mem>>) src(%dma_wait3A_32 : memref<2048xf32, #tpu.memory_space<hbm>>) dst(%arg6 : memref<2048xf32, #tpu.memory_space<vmem>>)
    %dma_wait3A_33 = arith.constant 0 : i32
    %dma_wait3A_34 = tpu.memref_slice %arg3[%dma_wait3A_33] : memref<2097152xf32, #tpu.memory_space<hbm>> -> memref<2048xf32, #tpu.memory_space<hbm>>
    %dma_wait3A_35 = arith.constant 0 : i32
    %dma_wait3A_36 = tpu.memref_slice %arg3[%dma_wait3A_35] : memref<2097152xf32, #tpu.memory_space<hbm>> -> memref<2048xf32, #tpu.memory_space<hbm>>
    tpu.wait_dma2 semaphore(%arg36 : memref<!tpu.dma_semaphore, #tpu.memory_space<semaphore_mem>>) src(%dma_wait3A_36 : memref<2048xf32, #tpu.memory_space<hbm>>) dst(%arg8 : memref<2048xf32, #tpu.memory_space<vmem>>)
    %dma_wait3A_37 = arith.constant 0 : i32
    %dma_wait3A_38 = tpu.memref_slice %arg4[%dma_wait3A_37] : memref<1048576xi32, #tpu.memory_space<hbm>> -> memref<2048xi32, #tpu.memory_space<hbm>>
    %dma_wait3A_39 = arith.constant 0 : i32
    %dma_wait3A_40 = tpu.memref_slice %arg4[%dma_wait3A_39] : memref<1048576xi32, #tpu.memory_space<hbm>> -> memref<2048xi32, #tpu.memory_space<hbm>>
    tpu.wait_dma2 semaphore(%arg36 : memref<!tpu.dma_semaphore, #tpu.memory_space<semaphore_mem>>) src(%dma_wait3A_40 : memref<2048xi32, #tpu.memory_space<hbm>>) dst(%arg10 : memref<2048xi32, #tpu.memory_space<vmem>>)
    %add3A_41 = arith.constant 0 : i32
    %add3A_42 = arith.addi %sub3A, %add3A_41 : i32
    %parallel_loop3A = arith.constant 0 : i32
    %parallel_loop3A_43 = arith.constant 128 : i32
    %parallel_loop3A_44 = arith.constant 1 : i32
    scf.for %parallel_loop3A_76 = %parallel_loop3A to %parallel_loop3A_43 step %parallel_loop3A_44  : i32 {
      %parallel_loop3A_77 = arith.constant 16 : i32
      %parallel_loop3A_78 = arith.muli %parallel_loop3A_76, %parallel_loop3A_77 : i32
      %parallel_loop3A_79 = arith.constant 3 : i32
      %parallel_loop3A_80 = arith.shrui %parallel_loop3A_76, %parallel_loop3A_79 : i32
      %parallel_loop3A_81 = arith.constant 7 : i32
      %parallel_loop3A_82 = arith.andi %parallel_loop3A_76, %parallel_loop3A_81 : i32
      %parallel_loop3A_83 = arith.index_cast %parallel_loop3A_78 : i32 to index
      %parallel_loop3A_84 = tpu.vector_load %arg6[%parallel_loop3A_83] {strides = array<i32>} : memref<2048xf32, #tpu.memory_space<vmem>>, vector<16xf32>,
      %parallel_loop3A_85 = vector.shape_cast %parallel_loop3A_84 : vector<16xf32> to vector<16xf32>
      %parallel_loop3A_86 = arith.index_cast %parallel_loop3A_78 : i32 to index
      %parallel_loop3A_87 = tpu.vector_load %arg8[%parallel_loop3A_86] {strides = array<i32>} : memref<2048xf32, #tpu.memory_space<vmem>>, vector<16xf32>,
      %parallel_loop3A_88 = vector.shape_cast %parallel_loop3A_87 : vector<16xf32> to vector<16xf32>
      %parallel_loop3A_89 = arith.index_cast %parallel_loop3A_78 : i32 to index
      %parallel_loop3A_90 = tpu.vector_load %arg10[%parallel_loop3A_89] {strides = array<i32>} : memref<2048xi32, #tpu.memory_space<vmem>>, vector<16xi32>,
      %parallel_loop3A_91 = vector.shape_cast %parallel_loop3A_90 : vector<16xi32> to vector<16xi32>
      %parallel_loop3A_92 = arith.addi %add3A_42, %parallel_loop3A_78 : i32
      %parallel_loop3A_93 = vector.broadcast %parallel_loop3A_92 : i32 to vector<16xi32>
      %parallel_loop3A_94 = arith.addi %parallel_loop3A_93, %iota3A : vector<16xi32>
      %parallel_loop3A_95 = arith.constant 511 : i32
      %parallel_loop3A_96 = vector.broadcast %parallel_loop3A_95 : i32 to vector<16xi32>
      %parallel_loop3A_97 = arith.andi %parallel_loop3A_94, %parallel_loop3A_96 : vector<16xi32>
      %parallel_loop3A_98 = arith.constant 9 : i32
      %parallel_loop3A_99 = vector.broadcast %parallel_loop3A_98 : i32 to vector<16xi32>
      %parallel_loop3A_100 = arith.shrui %parallel_loop3A_94, %parallel_loop3A_99 : vector<16xi32>
      %parallel_loop3A_101 = arith.sitofp %parallel_loop3A_97 : vector<16xi32> to vector<16xf32>
      %parallel_loop3A_102 = arith.addf %parallel_loop3A_101, %parallel_loop3A_85 : vector<16xf32>
      %parallel_loop3A_103 = arith.sitofp %parallel_loop3A_100 : vector<16xi32> to vector<16xf32>
      %parallel_loop3A_104 = arith.addf %parallel_loop3A_103, %parallel_loop3A_88 : vector<16xf32>
      %parallel_loop3A_105 = arith.constant 0.000000e+00 : f32
      %parallel_loop3A_106 = vector.broadcast %parallel_loop3A_105 : f32 to vector<16xf32>
      %parallel_loop3A_107 = arith.maximumf %parallel_loop3A_102, %parallel_loop3A_106 : vector<16xf32>
      %parallel_loop3A_108 = arith.constant 5.110000e+02 : f32
      %parallel_loop3A_109 = vector.broadcast %parallel_loop3A_108 : f32 to vector<16xf32>
      %parallel_loop3A_110 = arith.minimumf %parallel_loop3A_107, %parallel_loop3A_109 : vector<16xf32>
      %parallel_loop3A_111 = arith.constant 0.000000e+00 : f32
      %parallel_loop3A_112 = vector.broadcast %parallel_loop3A_111 : f32 to vector<16xf32>
      %parallel_loop3A_113 = arith.maximumf %parallel_loop3A_104, %parallel_loop3A_112 : vector<16xf32>
      %parallel_loop3A_114 = arith.constant 5.110000e+02 : f32
      %parallel_loop3A_115 = vector.broadcast %parallel_loop3A_114 : f32 to vector<16xf32>
      %parallel_loop3A_116 = arith.minimumf %parallel_loop3A_113, %parallel_loop3A_115 : vector<16xf32>
      %parallel_loop3A_117 = arith.fptosi %parallel_loop3A_110 : vector<16xf32> to vector<16xi32>
      %parallel_loop3A_118 = arith.fptosi %parallel_loop3A_116 : vector<16xf32> to vector<16xi32>
      %parallel_loop3A_119 = arith.sitofp %parallel_loop3A_117 : vector<16xi32> to vector<16xf32>
      %parallel_loop3A_120 = arith.subf %parallel_loop3A_110, %parallel_loop3A_119 : vector<16xf32>
      %parallel_loop3A_121 = arith.sitofp %parallel_loop3A_118 : vector<16xi32> to vector<16xf32>
      %parallel_loop3A_122 = arith.subf %parallel_loop3A_116, %parallel_loop3A_121 : vector<16xf32>
      %parallel_loop3A_123 = arith.constant 0 : i32
      %parallel_loop3A_124 = vector.broadcast %parallel_loop3A_123 : i32 to vector<16xi32>
      %parallel_loop3A_125 = arith.cmpi sgt, %parallel_loop3A_91, %parallel_loop3A_124 : vector<16xi32>
      %parallel_loop3A_126 = arith.constant 1.000000e+00 : f32
      %parallel_loop3A_127 = arith.constant 0.000000e+00 : f32
      %parallel_loop3A_128 = vector.broadcast %parallel_loop3A_126 : f32 to vector<16xf32>
      %parallel_loop3A_129 = vector.broadcast %parallel_loop3A_127 : f32 to vector<16xf32>
      %parallel_loop3A_130 = arith.select %parallel_loop3A_125, %parallel_loop3A_128, %parallel_loop3A_129 : vector<16xi1>, vector<16xf32>
      %parallel_loop3A_131 = arith.constant 9 : i32
      %parallel_loop3A_132 = vector.broadcast %parallel_loop3A_131 : i32 to vector<16xi32>
      %parallel_loop3A_133 = arith.shli %parallel_loop3A_118, %parallel_loop3A_132 : vector<16xi32>
      %parallel_loop3A_134 = vector.broadcast %add3A_11 : i32 to vector<16xi32>
      %parallel_loop3A_135 = arith.addi %parallel_loop3A_134, %parallel_loop3A_133 : vector<16xi32>
      %parallel_loop3A_136 = arith.addi %parallel_loop3A_135, %parallel_loop3A_117 : vector<16xi32>
      %parallel_loop3A_137 = arith.constant 16 : i32
      %parallel_loop3A_138 = arith.muli %parallel_loop3A_82, %parallel_loop3A_137 : i32
      %parallel_loop3A_139 = arith.index_cast %parallel_loop3A_80 : i32 to index
      %parallel_loop3A_140 = arith.index_cast %parallel_loop3A_138 : i32 to index
      %parallel_loop3A_141 = tpu.vector_load %arg12[%parallel_loop3A_139, %parallel_loop3A_140] {strides = array<i32>} : memref<16x128xi32, #tpu.memory_space<vmem>>, vector<1x16xi32>,
      %parallel_loop3A_142 = vector.shape_cast %parallel_loop3A_141 : vector<1x16xi32> to vector<16xi32>
      %parallel_loop3A_143 = vector.shape_cast %parallel_loop3A_136 : vector<16xi32> to vector<1x16xi32>
      tpu.vector_store %arg12[%parallel_loop3A_139, %parallel_loop3A_140], %parallel_loop3A_143 {strides = array<i32>} : memref<16x128xi32, #tpu.memory_space<vmem>>, vector<1x16xi32>,
      %parallel_loop3A_144 = arith.constant 1 : i32
      %parallel_loop3A_145 = vector.broadcast %parallel_loop3A_144 : i32 to vector<16xi32>
      %parallel_loop3A_146 = arith.addi %parallel_loop3A_136, %parallel_loop3A_145 : vector<16xi32>
      %parallel_loop3A_147 = arith.index_cast %parallel_loop3A_80 : i32 to index
      %parallel_loop3A_148 = arith.index_cast %parallel_loop3A_138 : i32 to index
      %parallel_loop3A_149 = tpu.vector_load %arg13[%parallel_loop3A_147, %parallel_loop3A_148] {strides = array<i32>} : memref<16x128xi32, #tpu.memory_space<vmem>>, vector<1x16xi32>,
      %parallel_loop3A_150 = vector.shape_cast %parallel_loop3A_149 : vector<1x16xi32> to vector<16xi32>
      %parallel_loop3A_151 = vector.shape_cast %parallel_loop3A_146 : vector<16xi32> to vector<1x16xi32>
      tpu.vector_store %arg13[%parallel_loop3A_147, %parallel_loop3A_148], %parallel_loop3A_151 {strides = array<i32>} : memref<16x128xi32, #tpu.memory_space<vmem>>, vector<1x16xi32>,
      %parallel_loop3A_152 = arith.constant 512 : i32
      %parallel_loop3A_153 = vector.broadcast %parallel_loop3A_152 : i32 to vector<16xi32>
      %parallel_loop3A_154 = arith.addi %parallel_loop3A_136, %parallel_loop3A_153 : vector<16xi32>
      %parallel_loop3A_155 = arith.index_cast %parallel_loop3A_80 : i32 to index
      %parallel_loop3A_156 = arith.index_cast %parallel_loop3A_138 : i32 to index
      %parallel_loop3A_157 = tpu.vector_load %arg14[%parallel_loop3A_155, %parallel_loop3A_156] {strides = array<i32>} : memref<16x128xi32, #tpu.memory_space<vmem>>, vector<1x16xi32>,
      %parallel_loop3A_158 = vector.shape_cast %parallel_loop3A_157 : vector<1x16xi32> to vector<16xi32>
      %parallel_loop3A_159 = vector.shape_cast %parallel_loop3A_154 : vector<16xi32> to vector<1x16xi32>
      tpu.vector_store %arg14[%parallel_loop3A_155, %parallel_loop3A_156], %parallel_loop3A_159 {strides = array<i32>} : memref<16x128xi32, #tpu.memory_space<vmem>>, vector<1x16xi32>,
      %parallel_loop3A_160 = arith.constant 513 : i32
      %parallel_loop3A_161 = vector.broadcast %parallel_loop3A_160 : i32 to vector<16xi32>
      %parallel_loop3A_162 = arith.addi %parallel_loop3A_136, %parallel_loop3A_161 : vector<16xi32>
      %parallel_loop3A_163 = arith.index_cast %parallel_loop3A_80 : i32 to index
      %parallel_loop3A_164 = arith.index_cast %parallel_loop3A_138 : i32 to index
      %parallel_loop3A_165 = tpu.vector_load %arg15[%parallel_loop3A_163, %parallel_loop3A_164] {strides = array<i32>} : memref<16x128xi32, #tpu.memory_space<vmem>>, vector<1x16xi32>,
      %parallel_loop3A_166 = vector.shape_cast %parallel_loop3A_165 : vector<1x16xi32> to vector<16xi32>
      %parallel_loop3A_167 = vector.shape_cast %parallel_loop3A_162 : vector<16xi32> to vector<1x16xi32>
      tpu.vector_store %arg15[%parallel_loop3A_163, %parallel_loop3A_164], %parallel_loop3A_167 {strides = array<i32>} : memref<16x128xi32, #tpu.memory_space<vmem>>, vector<1x16xi32>,
      %parallel_loop3A_168 = arith.index_cast %parallel_loop3A_78 : i32 to index
      %parallel_loop3A_169 = tpu.vector_load %arg28[%parallel_loop3A_168] {strides = array<i32>} : memref<2048xf32, #tpu.memory_space<vmem>>, vector<16xf32>,
      %parallel_loop3A_170 = vector.shape_cast %parallel_loop3A_169 : vector<16xf32> to vector<16xf32>
      %parallel_loop3A_171 = vector.shape_cast %parallel_loop3A_120 : vector<16xf32> to vector<16xf32>
      tpu.vector_store %arg28[%parallel_loop3A_168], %parallel_loop3A_171 {strides = array<i32>} : memref<2048xf32, #tpu.memory_space<vmem>>, vector<16xf32>,
      %parallel_loop3A_172 = arith.constant 1.000000e+00 : f32
      %parallel_loop3A_173 = vector.broadcast %parallel_loop3A_172 : f32 to vector<16xf32>
      %parallel_loop3A_174 = arith.subf %parallel_loop3A_173, %parallel_loop3A_122 : vector<16xf32>
      %parallel_loop3A_175 = arith.mulf %parallel_loop3A_174, %parallel_loop3A_130 : vector<16xf32>
      %parallel_loop3A_176 = arith.index_cast %parallel_loop3A_78 : i32 to index
      %parallel_loop3A_177 = tpu.vector_load %arg30[%parallel_loop3A_176] {strides = array<i32>} : memref<2048xf32, #tpu.memory_space<vmem>>, vector<16xf32>,
      %parallel_loop3A_178 = vector.shape_cast %parallel_loop3A_177 : vector<16xf32> to vector<16xf32>
      %parallel_loop3A_179 = vector.shape_cast %parallel_loop3A_175 : vector<16xf32> to vector<16xf32>
      tpu.vector_store %arg30[%parallel_loop3A_176], %parallel_loop3A_179 {strides = array<i32>} : memref<2048xf32, #tpu.memory_space<vmem>>, vector<16xf32>,
      %parallel_loop3A_180 = arith.mulf %parallel_loop3A_122, %parallel_loop3A_130 : vector<16xf32>
      %parallel_loop3A_181 = arith.index_cast %parallel_loop3A_78 : i32 to index
      %parallel_loop3A_182 = tpu.vector_load %arg32[%parallel_loop3A_181] {strides = array<i32>} : memref<2048xf32, #tpu.memory_space<vmem>>, vector<16xf32>,
      %parallel_loop3A_183 = vector.shape_cast %parallel_loop3A_182 : vector<16xf32> to vector<16xf32>
      %parallel_loop3A_184 = vector.shape_cast %parallel_loop3A_180 : vector<16xf32> to vector<16xf32>
      tpu.vector_store %arg32[%parallel_loop3A_181], %parallel_loop3A_184 {strides = array<i32>} : memref<2048xf32, #tpu.memory_space<vmem>>, vector<16xf32>,
    } {sc.loop_unroll_factor = 4 : i64, sc.parallel_access}
    %scan3A = arith.constant 0 : i32
    %scan3A_45 = arith.constant 0 : i32
    %scan3A_46 = arith.constant 16 : i32
    %scan3A_47 = arith.addi %scan3A_45, %scan3A_46 : i32
    %scan3A_48 = arith.constant 1 : i32
    scf.for %scan3A_76 = %scan3A_45 to %scan3A_47 step %scan3A_48  : i32 {
      %mul3A_77 = arith.constant 128 : i32
      %mul3A_78 = arith.muli %scan3A_76, %mul3A_77 : i32
      %dma_start3A_79 = tpu.memref_slice %arg20[%mul3A_78] : memref<2048xf32, #tpu.memory_space<vmem>> -> memref<128xf32, #tpu.memory_space<vmem>>
      %dma_start3A_80 = arith.constant 0 : i32
      %dma_start3A_81 = tpu.memref_slice %arg12[%scan3A_76, %dma_start3A_80] : memref<16x128xi32, #tpu.memory_space<vmem>> -> memref<1x128xi32, #tpu.memory_space<vmem>>
      %dma_start3A_82 = tpu.memref_squeeze %dma_start3A_81 : memref<1x128xi32, #tpu.memory_space<vmem>> -> memref<128xi32, #tpu.memory_space<vmem>>
      %dma_start3A_83 = arith.constant 0 : i32
      %dma_start3A_84 = tpu.memref_slice %arg35[%dma_start3A_83] : memref<1049600xf32, #tpu.memory_space<vmem_shared>> -> memref<1049600xf32, #tpu.memory_space<vmem_shared>>
      tpu.enqueue_indirect_dma source(%dma_start3A_84 : memref<1049600xf32, #tpu.memory_space<vmem_shared>>) target(%dma_start3A_79 : memref<128xf32, #tpu.memory_space<vmem>>) offsets(%dma_start3A_82 : memref<128xi32, #tpu.memory_space<vmem>>) semaphore(%arg37 : memref<!tpu.dma_semaphore, #tpu.memory_space<semaphore_mem>>)
      %dma_start3A_85 = tpu.memref_slice %arg21[%mul3A_78] : memref<2048xf32, #tpu.memory_space<vmem>> -> memref<128xf32, #tpu.memory_space<vmem>>
      %dma_start3A_86 = arith.constant 0 : i32
      %dma_start3A_87 = tpu.memref_slice %arg13[%scan3A_76, %dma_start3A_86] : memref<16x128xi32, #tpu.memory_space<vmem>> -> memref<1x128xi32, #tpu.memory_space<vmem>>
      %dma_start3A_88 = tpu.memref_squeeze %dma_start3A_87 : memref<1x128xi32, #tpu.memory_space<vmem>> -> memref<128xi32, #tpu.memory_space<vmem>>
      %dma_start3A_89 = arith.constant 0 : i32
      %dma_start3A_90 = tpu.memref_slice %arg35[%dma_start3A_89] : memref<1049600xf32, #tpu.memory_space<vmem_shared>> -> memref<1049600xf32, #tpu.memory_space<vmem_shared>>
      tpu.enqueue_indirect_dma source(%dma_start3A_90 : memref<1049600xf32, #tpu.memory_space<vmem_shared>>) target(%dma_start3A_85 : memref<128xf32, #tpu.memory_space<vmem>>) offsets(%dma_start3A_88 : memref<128xi32, #tpu.memory_space<vmem>>) semaphore(%arg37 : memref<!tpu.dma_semaphore, #tpu.memory_space<semaphore_mem>>)
      %dma_start3A_91 = tpu.memref_slice %arg22[%mul3A_78] : memref<2048xf32, #tpu.memory_space<vmem>> -> memref<128xf32, #tpu.memory_space<vmem>>
      %dma_start3A_92 = arith.constant 0 : i32
      %dma_start3A_93 = tpu.memref_slice %arg14[%scan3A_76, %dma_start3A_92] : memref<16x128xi32, #tpu.memory_space<vmem>> -> memref<1x128xi32, #tpu.memory_space<vmem>>
      %dma_start3A_94 = tpu.memref_squeeze %dma_start3A_93 : memref<1x128xi32, #tpu.memory_space<vmem>> -> memref<128xi32, #tpu.memory_space<vmem>>
      %dma_start3A_95 = arith.constant 0 : i32
      %dma_start3A_96 = tpu.memref_slice %arg35[%dma_start3A_95] : memref<1049600xf32, #tpu.memory_space<vmem_shared>> -> memref<1049600xf32, #tpu.memory_space<vmem_shared>>
      tpu.enqueue_indirect_dma source(%dma_start3A_96 : memref<1049600xf32, #tpu.memory_space<vmem_shared>>) target(%dma_start3A_91 : memref<128xf32, #tpu.memory_space<vmem>>) offsets(%dma_start3A_94 : memref<128xi32, #tpu.memory_space<vmem>>) semaphore(%arg37 : memref<!tpu.dma_semaphore, #tpu.memory_space<semaphore_mem>>)
      %dma_start3A_97 = tpu.memref_slice %arg23[%mul3A_78] : memref<2048xf32, #tpu.memory_space<vmem>> -> memref<128xf32, #tpu.memory_space<vmem>>
      %dma_start3A_98 = arith.constant 0 : i32
      %dma_start3A_99 = tpu.memref_slice %arg15[%scan3A_76, %dma_start3A_98] : memref<16x128xi32, #tpu.memory_space<vmem>> -> memref<1x128xi32, #tpu.memory_space<vmem>>
      %dma_start3A_100 = tpu.memref_squeeze %dma_start3A_99 : memref<1x128xi32, #tpu.memory_space<vmem>> -> memref<128xi32, #tpu.memory_space<vmem>>
      %dma_start3A_101 = arith.constant 0 : i32
      %dma_start3A_102 = tpu.memref_slice %arg35[%dma_start3A_101] : memref<1049600xf32, #tpu.memory_space<vmem_shared>> -> memref<1049600xf32, #tpu.memory_space<vmem_shared>>
      tpu.enqueue_indirect_dma source(%dma_start3A_102 : memref<1049600xf32, #tpu.memory_space<vmem_shared>>) target(%dma_start3A_97 : memref<128xf32, #tpu.memory_space<vmem>>) offsets(%dma_start3A_100 : memref<128xi32, #tpu.memory_space<vmem>>) semaphore(%arg37 : memref<!tpu.dma_semaphore, #tpu.memory_space<semaphore_mem>>)
    }
    %scan3A_49 = arith.constant 16 : i32
    %add3A_50 = arith.constant 2048 : i32
    %add3A_51 = arith.addi %add3A_5, %add3A_50 : i32
    %multiple_of3A_52 = tpu.assume_multiple %add3A_51, 8 : i32
    %add3A_53 = arith.constant 262144 : i32
    %add3A_54 = arith.addi %add3A_5, %add3A_53 : i32
    %add3A_55 = arith.constant 2048 : i32
    %add3A_56 = arith.addi %add3A_54, %add3A_55 : i32
    %multiple_of3A_57 = tpu.assume_multiple %add3A_56, 8 : i32
    %add3A_58 = arith.constant 2048 : i32
    %add3A_59 = arith.addi %mul3A_2, %add3A_58 : i32
    %multiple_of3A_60 = tpu.assume_multiple %add3A_59, 8 : i32
    %dma_start3A_61 = tpu.memref_slice %arg3[%multiple_of3A_52] : memref<2097152xf32, #tpu.memory_space<hbm>> -> memref<2048xf32, #tpu.memory_space<hbm>>
    %dma_start3A_62 = tpu.memref_slice %arg3[%multiple_of3A_52] : memref<2097152xf32, #tpu.memory_space<hbm>> -> memref<2048xf32, #tpu.memory_space<hbm>>
    tpu.enqueue_dma source(%dma_start3A_62 : memref<2048xf32, #tpu.memory_space<hbm>>) target(%arg7 : memref<2048xf32, #tpu.memory_space<vmem>>) target_semaphore(%arg36 : memref<!tpu.dma_semaphore, #tpu.memory_space<semaphore_mem>>)
    %dma_start3A_63 = tpu.memref_slice %arg3[%multiple_of3A_57] : memref<2097152xf32, #tpu.memory_space<hbm>> -> memref<2048xf32, #tpu.memory_space<hbm>>
    %dma_start3A_64 = tpu.memref_slice %arg3[%multiple_of3A_57] : memref<2097152xf32, #tpu.memory_space<hbm>> -> memref<2048xf32, #tpu.memory_space<hbm>>
    tpu.enqueue_dma source(%dma_start3A_64 : memref<2048xf32, #tpu.memory_space<hbm>>) target(%arg9 : memref<2048xf32, #tpu.memory_space<vmem>>) target_semaphore(%arg36 : memref<!tpu.dma_semaphore, #tpu.memory_space<semaphore_mem>>)
    %dma_start3A_65 = tpu.memref_slice %arg4[%multiple_of3A_60] : memref<1048576xi32, #tpu.memory_space<hbm>> -> memref<2048xi32, #tpu.memory_space<hbm>>
    %dma_start3A_66 = tpu.memref_slice %arg4[%multiple_of3A_60] : memref<1048576xi32, #tpu.memory_space<hbm>> -> memref<2048xi32, #tpu.memory_space<hbm>>
    tpu.enqueue_dma source(%dma_start3A_66 : memref<2048xi32, #tpu.memory_space<hbm>>) target(%arg11 : memref<2048xi32, #tpu.memory_space<vmem>>) target_semaphore(%arg36 : memref<!tpu.dma_semaphore, #tpu.memory_space<semaphore_mem>>)
    %scan3A_67 = arith.constant 0 : i32
    %scan3A_68 = arith.constant 8 : i32
    %scan3A_69 = arith.addi %scan3A_67, %scan3A_68 : i32
    %scan3A_70 = arith.constant 1 : i32
    %scan3A_71 = scf.for %scan3A_76 = %scan3A_67 to %scan3A_69 step %scan3A_70 iter_args(%scan3A_77 = %broadcast_in_dim3A_12) -> (vector<16xf32>)  : i32 {
      %mul3A_78 = arith.constant 2 : i32
      %mul3A_79 = arith.muli %mul3A_78, %scan3A_76 : i32
      %add3A_80 = arith.constant 1 : i32
      %add3A_81 = arith.addi %mul3A_79, %add3A_80 : i32
      %dma_wait3A_82 = arith.constant 0 : i32
      %dma_wait3A_83 = tpu.memref_slice %arg3[%dma_wait3A_82] : memref<2097152xf32, #tpu.memory_space<hbm>> -> memref<2048xf32, #tpu.memory_space<hbm>>
      %dma_wait3A_84 = arith.constant 0 : i32
      %dma_wait3A_85 = tpu.memref_slice %arg3[%dma_wait3A_84] : memref<2097152xf32, #tpu.memory_space<hbm>> -> memref<2048xf32, #tpu.memory_space<hbm>>
      tpu.wait_dma2 semaphore(%arg36 : memref<!tpu.dma_semaphore, #tpu.memory_space<semaphore_mem>>) src(%dma_wait3A_85 : memref<2048xf32, #tpu.memory_space<hbm>>) dst(%arg7 : memref<2048xf32, #tpu.memory_space<vmem>>)
      %dma_wait3A_86 = arith.constant 0 : i32
      %dma_wait3A_87 = tpu.memref_slice %arg3[%dma_wait3A_86] : memref<2097152xf32, #tpu.memory_space<hbm>> -> memref<2048xf32, #tpu.memory_space<hbm>>
      %dma_wait3A_88 = arith.constant 0 : i32
      %dma_wait3A_89 = tpu.memref_slice %arg3[%dma_wait3A_88] : memref<2097152xf32, #tpu.memory_space<hbm>> -> memref<2048xf32, #tpu.memory_space<hbm>>
      tpu.wait_dma2 semaphore(%arg36 : memref<!tpu.dma_semaphore, #tpu.memory_space<semaphore_mem>>) src(%dma_wait3A_89 : memref<2048xf32, #tpu.memory_space<hbm>>) dst(%arg9 : memref<2048xf32, #tpu.memory_space<vmem>>)
      %dma_wait3A_90 = arith.constant 0 : i32
      %dma_wait3A_91 = tpu.memref_slice %arg4[%dma_wait3A_90] : memref<1048576xi32, #tpu.memory_space<hbm>> -> memref<2048xi32, #tpu.memory_space<hbm>>
      %dma_wait3A_92 = arith.constant 0 : i32
      %dma_wait3A_93 = tpu.memref_slice %arg4[%dma_wait3A_92] : memref<1048576xi32, #tpu.memory_space<hbm>> -> memref<2048xi32, #tpu.memory_space<hbm>>
      tpu.wait_dma2 semaphore(%arg36 : memref<!tpu.dma_semaphore, #tpu.memory_space<semaphore_mem>>) src(%dma_wait3A_93 : memref<2048xi32, #tpu.memory_space<hbm>>) dst(%arg11 : memref<2048xi32, #tpu.memory_space<vmem>>)
      %mul3A_94 = arith.constant 2048 : i32
      %mul3A_95 = arith.muli %add3A_81, %mul3A_94 : i32
      %add3A_96 = arith.addi %sub3A, %mul3A_95 : i32
      %parallel_loop3A_97 = arith.constant 0 : i32
      %parallel_loop3A_98 = arith.constant 128 : i32
      %parallel_loop3A_99 = arith.constant 1 : i32
      scf.for %parallel_loop3A_168 = %parallel_loop3A_97 to %parallel_loop3A_98 step %parallel_loop3A_99  : i32 {
        %parallel_loop3A_169 = arith.constant 16 : i32
        %parallel_loop3A_170 = arith.muli %parallel_loop3A_168, %parallel_loop3A_169 : i32
        %parallel_loop3A_171 = arith.constant 3 : i32
        %parallel_loop3A_172 = arith.shrui %parallel_loop3A_168, %parallel_loop3A_171 : i32
        %parallel_loop3A_173 = arith.constant 7 : i32
        %parallel_loop3A_174 = arith.andi %parallel_loop3A_168, %parallel_loop3A_173 : i32
        %parallel_loop3A_175 = arith.index_cast %parallel_loop3A_170 : i32 to index
        %parallel_loop3A_176 = tpu.vector_load %arg7[%parallel_loop3A_175] {strides = array<i32>} : memref<2048xf32, #tpu.memory_space<vmem>>, vector<16xf32>,
        %parallel_loop3A_177 = vector.shape_cast %parallel_loop3A_176 : vector<16xf32> to vector<16xf32>
        %parallel_loop3A_178 = arith.index_cast %parallel_loop3A_170 : i32 to index
        %parallel_loop3A_179 = tpu.vector_load %arg9[%parallel_loop3A_178] {strides = array<i32>} : memref<2048xf32, #tpu.memory_space<vmem>>, vector<16xf32>,
        %parallel_loop3A_180 = vector.shape_cast %parallel_loop3A_179 : vector<16xf32> to vector<16xf32>
        %parallel_loop3A_181 = arith.index_cast %parallel_loop3A_170 : i32 to index
        %parallel_loop3A_182 = tpu.vector_load %arg11[%parallel_loop3A_181] {strides = array<i32>} : memref<2048xi32, #tpu.memory_space<vmem>>, vector<16xi32>,
        %parallel_loop3A_183 = vector.shape_cast %parallel_loop3A_182 : vector<16xi32> to vector<16xi32>
        %parallel_loop3A_184 = arith.addi %add3A_96, %parallel_loop3A_170 : i32
        %parallel_loop3A_185 = vector.broadcast %parallel_loop3A_184 : i32 to vector<16xi32>
        %parallel_loop3A_186 = arith.addi %parallel_loop3A_185, %iota3A : vector<16xi32>
        %parallel_loop3A_187 = arith.constant 511 : i32
        %parallel_loop3A_188 = vector.broadcast %parallel_loop3A_187 : i32 to vector<16xi32>
        %parallel_loop3A_189 = arith.andi %parallel_loop3A_186, %parallel_loop3A_188 : vector<16xi32>
        %parallel_loop3A_190 = arith.constant 9 : i32
        %parallel_loop3A_191 = vector.broadcast %parallel_loop3A_190 : i32 to vector<16xi32>
        %parallel_loop3A_192 = arith.shrui %parallel_loop3A_186, %parallel_loop3A_191 : vector<16xi32>
        %parallel_loop3A_193 = arith.sitofp %parallel_loop3A_189 : vector<16xi32> to vector<16xf32>
        %parallel_loop3A_194 = arith.addf %parallel_loop3A_193, %parallel_loop3A_177 : vector<16xf32>
        %parallel_loop3A_195 = arith.sitofp %parallel_loop3A_192 : vector<16xi32> to vector<16xf32>
        %parallel_loop3A_196 = arith.addf %parallel_loop3A_195, %parallel_loop3A_180 : vector<16xf32>
        %parallel_loop3A_197 = arith.constant 0.000000e+00 : f32
        %parallel_loop3A_198 = vector.broadcast %parallel_loop3A_197 : f32 to vector<16xf32>
        %parallel_loop3A_199 = arith.maximumf %parallel_loop3A_194, %parallel_loop3A_198 : vector<16xf32>
        %parallel_loop3A_200 = arith.constant 5.110000e+02 : f32
        %parallel_loop3A_201 = vector.broadcast %parallel_loop3A_200 : f32 to vector<16xf32>
        %parallel_loop3A_202 = arith.minimumf %parallel_loop3A_199, %parallel_loop3A_201 : vector<16xf32>
        %parallel_loop3A_203 = arith.constant 0.000000e+00 : f32
        %parallel_loop3A_204 = vector.broadcast %parallel_loop3A_203 : f32 to vector<16xf32>
        %parallel_loop3A_205 = arith.maximumf %parallel_loop3A_196, %parallel_loop3A_204 : vector<16xf32>
        %parallel_loop3A_206 = arith.constant 5.110000e+02 : f32
        %parallel_loop3A_207 = vector.broadcast %parallel_loop3A_206 : f32 to vector<16xf32>
        %parallel_loop3A_208 = arith.minimumf %parallel_loop3A_205, %parallel_loop3A_207 : vector<16xf32>
        %parallel_loop3A_209 = arith.fptosi %parallel_loop3A_202 : vector<16xf32> to vector<16xi32>
        %parallel_loop3A_210 = arith.fptosi %parallel_loop3A_208 : vector<16xf32> to vector<16xi32>
        %parallel_loop3A_211 = arith.sitofp %parallel_loop3A_209 : vector<16xi32> to vector<16xf32>
        %parallel_loop3A_212 = arith.subf %parallel_loop3A_202, %parallel_loop3A_211 : vector<16xf32>
        %parallel_loop3A_213 = arith.sitofp %parallel_loop3A_210 : vector<16xi32> to vector<16xf32>
        %parallel_loop3A_214 = arith.subf %parallel_loop3A_208, %parallel_loop3A_213 : vector<16xf32>
        %parallel_loop3A_215 = arith.constant 0 : i32
        %parallel_loop3A_216 = vector.broadcast %parallel_loop3A_215 : i32 to vector<16xi32>
        %parallel_loop3A_217 = arith.cmpi sgt, %parallel_loop3A_183, %parallel_loop3A_216 : vector<16xi32>
        %parallel_loop3A_218 = arith.constant 1.000000e+00 : f32
        %parallel_loop3A_219 = arith.constant 0.000000e+00 : f32
        %parallel_loop3A_220 = vector.broadcast %parallel_loop3A_218 : f32 to vector<16xf32>
        %parallel_loop3A_221 = vector.broadcast %parallel_loop3A_219 : f32 to vector<16xf32>
        %parallel_loop3A_222 = arith.select %parallel_loop3A_217, %parallel_loop3A_220, %parallel_loop3A_221 : vector<16xi1>, vector<16xf32>
        %parallel_loop3A_223 = arith.constant 9 : i32
        %parallel_loop3A_224 = vector.broadcast %parallel_loop3A_223 : i32 to vector<16xi32>
        %parallel_loop3A_225 = arith.shli %parallel_loop3A_210, %parallel_loop3A_224 : vector<16xi32>
        %parallel_loop3A_226 = vector.broadcast %add3A_11 : i32 to vector<16xi32>
        %parallel_loop3A_227 = arith.addi %parallel_loop3A_226, %parallel_loop3A_225 : vector<16xi32>
        %parallel_loop3A_228 = arith.addi %parallel_loop3A_227, %parallel_loop3A_209 : vector<16xi32>
        %parallel_loop3A_229 = arith.constant 16 : i32
        %parallel_loop3A_230 = arith.muli %parallel_loop3A_174, %parallel_loop3A_229 : i32
        %parallel_loop3A_231 = arith.index_cast %parallel_loop3A_172 : i32 to index
        %parallel_loop3A_232 = arith.index_cast %parallel_loop3A_230 : i32 to index
        %parallel_loop3A_233 = tpu.vector_load %arg16[%parallel_loop3A_231, %parallel_loop3A_232] {strides = array<i32>} : memref<16x128xi32, #tpu.memory_space<vmem>>, vector<1x16xi32>,
        %parallel_loop3A_234 = vector.shape_cast %parallel_loop3A_233 : vector<1x16xi32> to vector<16xi32>
        %parallel_loop3A_235 = vector.shape_cast %parallel_loop3A_228 : vector<16xi32> to vector<1x16xi32>
        tpu.vector_store %arg16[%parallel_loop3A_231, %parallel_loop3A_232], %parallel_loop3A_235 {strides = array<i32>} : memref<16x128xi32, #tpu.memory_space<vmem>>, vector<1x16xi32>,
        %parallel_loop3A_236 = arith.constant 1 : i32
        %parallel_loop3A_237 = vector.broadcast %parallel_loop3A_236 : i32 to vector<16xi32>
        %parallel_loop3A_238 = arith.addi %parallel_loop3A_228, %parallel_loop3A_237 : vector<16xi32>
        %parallel_loop3A_239 = arith.index_cast %parallel_loop3A_172 : i32 to index
        %parallel_loop3A_240 = arith.index_cast %parallel_loop3A_230 : i32 to index
        %parallel_loop3A_241 = tpu.vector_load %arg17[%parallel_loop3A_239, %parallel_loop3A_240] {strides = array<i32>} : memref<16x128xi32, #tpu.memory_space<vmem>>, vector<1x16xi32>,
        %parallel_loop3A_242 = vector.shape_cast %parallel_loop3A_241 : vector<1x16xi32> to vector<16xi32>
        %parallel_loop3A_243 = vector.shape_cast %parallel_loop3A_238 : vector<16xi32> to vector<1x16xi32>
        tpu.vector_store %arg17[%parallel_loop3A_239, %parallel_loop3A_240], %parallel_loop3A_243 {strides = array<i32>} : memref<16x128xi32, #tpu.memory_space<vmem>>, vector<1x16xi32>,
        %parallel_loop3A_244 = arith.constant 512 : i32
        %parallel_loop3A_245 = vector.broadcast %parallel_loop3A_244 : i32 to vector<16xi32>
        %parallel_loop3A_246 = arith.addi %parallel_loop3A_228, %parallel_loop3A_245 : vector<16xi32>
        %parallel_loop3A_247 = arith.index_cast %parallel_loop3A_172 : i32 to index
        %parallel_loop3A_248 = arith.index_cast %parallel_loop3A_230 : i32 to index
        %parallel_loop3A_249 = tpu.vector_load %arg18[%parallel_loop3A_247, %parallel_loop3A_248] {strides = array<i32>} : memref<16x128xi32, #tpu.memory_space<vmem>>, vector<1x16xi32>,
        %parallel_loop3A_250 = vector.shape_cast %parallel_loop3A_249 : vector<1x16xi32> to vector<16xi32>
        %parallel_loop3A_251 = vector.shape_cast %parallel_loop3A_246 : vector<16xi32> to vector<1x16xi32>
        tpu.vector_store %arg18[%parallel_loop3A_247, %parallel_loop3A_248], %parallel_loop3A_251 {strides = array<i32>} : memref<16x128xi32, #tpu.memory_space<vmem>>, vector<1x16xi32>,
        %parallel_loop3A_252 = arith.constant 513 : i32
        %parallel_loop3A_253 = vector.broadcast %parallel_loop3A_252 : i32 to vector<16xi32>
        %parallel_loop3A_254 = arith.addi %parallel_loop3A_228, %parallel_loop3A_253 : vector<16xi32>
        %parallel_loop3A_255 = arith.index_cast %parallel_loop3A_172 : i32 to index
        %parallel_loop3A_256 = arith.index_cast %parallel_loop3A_230 : i32 to index
        %parallel_loop3A_257 = tpu.vector_load %arg19[%parallel_loop3A_255, %parallel_loop3A_256] {strides = array<i32>} : memref<16x128xi32, #tpu.memory_space<vmem>>, vector<1x16xi32>,
        %parallel_loop3A_258 = vector.shape_cast %parallel_loop3A_257 : vector<1x16xi32> to vector<16xi32>
        %parallel_loop3A_259 = vector.shape_cast %parallel_loop3A_254 : vector<16xi32> to vector<1x16xi32>
        tpu.vector_store %arg19[%parallel_loop3A_255, %parallel_loop3A_256], %parallel_loop3A_259 {strides = array<i32>} : memref<16x128xi32, #tpu.memory_space<vmem>>, vector<1x16xi32>,
        %parallel_loop3A_260 = arith.index_cast %parallel_loop3A_170 : i32 to index
        %parallel_loop3A_261 = tpu.vector_load %arg29[%parallel_loop3A_260] {strides = array<i32>} : memref<2048xf32, #tpu.memory_space<vmem>>, vector<16xf32>,
        %parallel_loop3A_262 = vector.shape_cast %parallel_loop3A_261 : vector<16xf32> to vector<16xf32>
        %parallel_loop3A_263 = vector.shape_cast %parallel_loop3A_212 : vector<16xf32> to vector<16xf32>
        tpu.vector_store %arg29[%parallel_loop3A_260], %parallel_loop3A_263 {strides = array<i32>} : memref<2048xf32, #tpu.memory_space<vmem>>, vector<16xf32>,
        %parallel_loop3A_264 = arith.constant 1.000000e+00 : f32
        %parallel_loop3A_265 = vector.broadcast %parallel_loop3A_264 : f32 to vector<16xf32>
        %parallel_loop3A_266 = arith.subf %parallel_loop3A_265, %parallel_loop3A_214 : vector<16xf32>
        %parallel_loop3A_267 = arith.mulf %parallel_loop3A_266, %parallel_loop3A_222 : vector<16xf32>
        %parallel_loop3A_268 = arith.index_cast %parallel_loop3A_170 : i32 to index
        %parallel_loop3A_269 = tpu.vector_load %arg31[%parallel_loop3A_268] {strides = array<i32>} : memref<2048xf32, #tpu.memory_space<vmem>>, vector<16xf32>,
        %parallel_loop3A_270 = vector.shape_cast %parallel_loop3A_269 : vector<16xf32> to vector<16xf32>
        %parallel_loop3A_271 = vector.shape_cast %parallel_loop3A_267 : vector<16xf32> to vector<16xf32>
        tpu.vector_store %arg31[%parallel_loop3A_268], %parallel_loop3A_271 {strides = array<i32>} : memref<2048xf32, #tpu.memory_space<vmem>>, vector<16xf32>,
        %parallel_loop3A_272 = arith.mulf %parallel_loop3A_214, %parallel_loop3A_222 : vector<16xf32>
        %parallel_loop3A_273 = arith.index_cast %parallel_loop3A_170 : i32 to index
        %parallel_loop3A_274 = tpu.vector_load %arg33[%parallel_loop3A_273] {strides = array<i32>} : memref<2048xf32, #tpu.memory_space<vmem>>, vector<16xf32>,
        %parallel_loop3A_275 = vector.shape_cast %parallel_loop3A_274 : vector<16xf32> to vector<16xf32>
        %parallel_loop3A_276 = vector.shape_cast %parallel_loop3A_272 : vector<16xf32> to vector<16xf32>
        tpu.vector_store %arg33[%parallel_loop3A_273], %parallel_loop3A_276 {strides = array<i32>} : memref<2048xf32, #tpu.memory_space<vmem>>, vector<16xf32>,
      } {sc.loop_unroll_factor = 4 : i64, sc.parallel_access}
      %scan3A_100 = arith.constant 0 : i32
      %scan3A_101 = arith.constant 0 : i32
      %scan3A_102 = arith.constant 16 : i32
      %scan3A_103 = arith.addi %scan3A_101, %scan3A_102 : i32
      %scan3A_104 = arith.constant 1 : i32
      scf.for %scan3A_168 = %scan3A_101 to %scan3A_103 step %scan3A_104  : i32 {
        %mul3A_169 = arith.constant 128 : i32
        %mul3A_170 = arith.muli %scan3A_168, %mul3A_169 : i32
        %dma_start3A_171 = tpu.memref_slice %arg24[%mul3A_170] : memref<2048xf32, #tpu.memory_space<vmem>> -> memref<128xf32, #tpu.memory_space<vmem>>
        %dma_start3A_172 = arith.constant 0 : i32
        %dma_start3A_173 = tpu.memref_slice %arg16[%scan3A_168, %dma_start3A_172] : memref<16x128xi32, #tpu.memory_space<vmem>> -> memref<1x128xi32, #tpu.memory_space<vmem>>
        %dma_start3A_174 = tpu.memref_squeeze %dma_start3A_173 : memref<1x128xi32, #tpu.memory_space<vmem>> -> memref<128xi32, #tpu.memory_space<vmem>>
        %dma_start3A_175 = arith.constant 0 : i32
        %dma_start3A_176 = tpu.memref_slice %arg35[%dma_start3A_175] : memref<1049600xf32, #tpu.memory_space<vmem_shared>> -> memref<1049600xf32, #tpu.memory_space<vmem_shared>>
        tpu.enqueue_indirect_dma source(%dma_start3A_176 : memref<1049600xf32, #tpu.memory_space<vmem_shared>>) target(%dma_start3A_171 : memref<128xf32, #tpu.memory_space<vmem>>) offsets(%dma_start3A_174 : memref<128xi32, #tpu.memory_space<vmem>>) semaphore(%arg37 : memref<!tpu.dma_semaphore, #tpu.memory_space<semaphore_mem>>)
        %dma_start3A_177 = tpu.memref_slice %arg25[%mul3A_170] : memref<2048xf32, #tpu.memory_space<vmem>> -> memref<128xf32, #tpu.memory_space<vmem>>
        %dma_start3A_178 = arith.constant 0 : i32
        %dma_start3A_179 = tpu.memref_slice %arg17[%scan3A_168, %dma_start3A_178] : memref<16x128xi32, #tpu.memory_space<vmem>> -> memref<1x128xi32, #tpu.memory_space<vmem>>
        %dma_start3A_180 = tpu.memref_squeeze %dma_start3A_179 : memref<1x128xi32, #tpu.memory_space<vmem>> -> memref<128xi32, #tpu.memory_space<vmem>>
        %dma_start3A_181 = arith.constant 0 : i32
        %dma_start3A_182 = tpu.memref_slice %arg35[%dma_start3A_181] : memref<1049600xf32, #tpu.memory_space<vmem_shared>> -> memref<1049600xf32, #tpu.memory_space<vmem_shared>>
        tpu.enqueue_indirect_dma source(%dma_start3A_182 : memref<1049600xf32, #tpu.memory_space<vmem_shared>>) target(%dma_start3A_177 : memref<128xf32, #tpu.memory_space<vmem>>) offsets(%dma_start3A_180 : memref<128xi32, #tpu.memory_space<vmem>>) semaphore(%arg37 : memref<!tpu.dma_semaphore, #tpu.memory_space<semaphore_mem>>)
        %dma_start3A_183 = tpu.memref_slice %arg26[%mul3A_170] : memref<2048xf32, #tpu.memory_space<vmem>> -> memref<128xf32, #tpu.memory_space<vmem>>
        %dma_start3A_184 = arith.constant 0 : i32
        %dma_start3A_185 = tpu.memref_slice %arg18[%scan3A_168, %dma_start3A_184] : memref<16x128xi32, #tpu.memory_space<vmem>> -> memref<1x128xi32, #tpu.memory_space<vmem>>
        %dma_start3A_186 = tpu.memref_squeeze %dma_start3A_185 : memref<1x128xi32, #tpu.memory_space<vmem>> -> memref<128xi32, #tpu.memory_space<vmem>>
        %dma_start3A_187 = arith.constant 0 : i32
        %dma_start3A_188 = tpu.memref_slice %arg35[%dma_start3A_187] : memref<1049600xf32, #tpu.memory_space<vmem_shared>> -> memref<1049600xf32, #tpu.memory_space<vmem_shared>>
        tpu.enqueue_indirect_dma source(%dma_start3A_188 : memref<1049600xf32, #tpu.memory_space<vmem_shared>>) target(%dma_start3A_183 : memref<128xf32, #tpu.memory_space<vmem>>) offsets(%dma_start3A_186 : memref<128xi32, #tpu.memory_space<vmem>>) semaphore(%arg37 : memref<!tpu.dma_semaphore, #tpu.memory_space<semaphore_mem>>)
        %dma_start3A_189 = tpu.memref_slice %arg27[%mul3A_170] : memref<2048xf32, #tpu.memory_space<vmem>> -> memref<128xf32, #tpu.memory_space<vmem>>
        %dma_start3A_190 = arith.constant 0 : i32
        %dma_start3A_191 = tpu.memref_slice %arg19[%scan3A_168, %dma_start3A_190] : memref<16x128xi32, #tpu.memory_space<vmem>> -> memref<1x128xi32, #tpu.memory_space<vmem>>
        %dma_start3A_192 = tpu.memref_squeeze %dma_start3A_191 : memref<1x128xi32, #tpu.memory_space<vmem>> -> memref<128xi32, #tpu.memory_space<vmem>>
        %dma_start3A_193 = arith.constant 0 : i32
        %dma_start3A_194 = tpu.memref_slice %arg35[%dma_start3A_193] : memref<1049600xf32, #tpu.memory_space<vmem_shared>> -> memref<1049600xf32, #tpu.memory_space<vmem_shared>>
        tpu.enqueue_indirect_dma source(%dma_start3A_194 : memref<1049600xf32, #tpu.memory_space<vmem_shared>>) target(%dma_start3A_189 : memref<128xf32, #tpu.memory_space<vmem>>) offsets(%dma_start3A_192 : memref<128xi32, #tpu.memory_space<vmem>>) semaphore(%arg37 : memref<!tpu.dma_semaphore, #tpu.memory_space<semaphore_mem>>)
      }
      %scan3A_105 = arith.constant 16 : i32
      %add3A_106 = arith.constant 1 : i32
      %add3A_107 = arith.addi %add3A_81, %add3A_106 : i32
      %lt3A = arith.constant 16 : i32
      %lt3A_108 = arith.cmpi slt, %add3A_107, %lt3A : i32
      %convert_element_type3A_109 = arith.extui %lt3A_108 : i1 to i32
      %cond3A_110 = arith.constant 0 : i32
      %cond3A_111 = arith.cmpi ne, %convert_element_type3A_109, %cond3A_110 : i32
      scf.if %cond3A_111 {
        %mul3A_168 = arith.constant 2048 : i32
        %mul3A_169 = arith.muli %add3A_107, %mul3A_168 : i32
        %add3A_170 = arith.addi %add3A_5, %mul3A_169 : i32
        %multiple_of3A_171 = tpu.assume_multiple %add3A_170, 8 : i32
        %add3A_172 = arith.constant 262144 : i32
        %add3A_173 = arith.addi %add3A_5, %add3A_172 : i32
        %add3A_174 = arith.addi %add3A_173, %mul3A_169 : i32
        %multiple_of3A_175 = tpu.assume_multiple %add3A_174, 8 : i32
        %add3A_176 = arith.addi %mul3A_2, %mul3A_169 : i32
        %multiple_of3A_177 = tpu.assume_multiple %add3A_176, 8 : i32
        %dma_start3A_178 = tpu.memref_slice %arg3[%multiple_of3A_171] : memref<2097152xf32, #tpu.memory_space<hbm>> -> memref<2048xf32, #tpu.memory_space<hbm>>
        %dma_start3A_179 = tpu.memref_slice %arg3[%multiple_of3A_171] : memref<2097152xf32, #tpu.memory_space<hbm>> -> memref<2048xf32, #tpu.memory_space<hbm>>
        tpu.enqueue_dma source(%dma_start3A_179 : memref<2048xf32, #tpu.memory_space<hbm>>) target(%arg6 : memref<2048xf32, #tpu.memory_space<vmem>>) target_semaphore(%arg36 : memref<!tpu.dma_semaphore, #tpu.memory_space<semaphore_mem>>)
        %dma_start3A_180 = tpu.memref_slice %arg3[%multiple_of3A_175] : memref<2097152xf32, #tpu.memory_space<hbm>> -> memref<2048xf32, #tpu.memory_space<hbm>>
        %dma_start3A_181 = tpu.memref_slice %arg3[%multiple_of3A_175] : memref<2097152xf32, #tpu.memory_space<hbm>> -> memref<2048xf32, #tpu.memory_space<hbm>>
        tpu.enqueue_dma source(%dma_start3A_181 : memref<2048xf32, #tpu.memory_space<hbm>>) target(%arg8 : memref<2048xf32, #tpu.memory_space<vmem>>) target_semaphore(%arg36 : memref<!tpu.dma_semaphore, #tpu.memory_space<semaphore_mem>>)
        %dma_start3A_182 = tpu.memref_slice %arg4[%multiple_of3A_177] : memref<1048576xi32, #tpu.memory_space<hbm>> -> memref<2048xi32, #tpu.memory_space<hbm>>
        %dma_start3A_183 = tpu.memref_slice %arg4[%multiple_of3A_177] : memref<1048576xi32, #tpu.memory_space<hbm>> -> memref<2048xi32, #tpu.memory_space<hbm>>
        tpu.enqueue_dma source(%dma_start3A_183 : memref<2048xi32, #tpu.memory_space<hbm>>) target(%arg10 : memref<2048xi32, #tpu.memory_space<vmem>>) target_semaphore(%arg36 : memref<!tpu.dma_semaphore, #tpu.memory_space<semaphore_mem>>)
      } else {
      }
      %dma_wait3A_112 = arith.constant 0 : i32
      %dma_wait3A_113 = tpu.memref_slice %arg3[%dma_wait3A_112] : memref<2097152xf32, #tpu.memory_space<hbm>> -> memref<2048xf32, #tpu.memory_space<hbm>>
      %dma_wait3A_114 = arith.constant 0 : i32
      %dma_wait3A_115 = tpu.memref_slice %arg3[%dma_wait3A_114] : memref<2097152xf32, #tpu.memory_space<hbm>> -> memref<2048xf32, #tpu.memory_space<hbm>>
      tpu.wait_dma2 semaphore(%arg37 : memref<!tpu.dma_semaphore, #tpu.memory_space<semaphore_mem>>) src(%dma_wait3A_115 : memref<2048xf32, #tpu.memory_space<hbm>>) dst(%arg20 : memref<2048xf32, #tpu.memory_space<vmem>>)
      %dma_wait3A_116 = arith.constant 0 : i32
      %dma_wait3A_117 = tpu.memref_slice %arg3[%dma_wait3A_116] : memref<2097152xf32, #tpu.memory_space<hbm>> -> memref<2048xf32, #tpu.memory_space<hbm>>
      %dma_wait3A_118 = arith.constant 0 : i32
      %dma_wait3A_119 = tpu.memref_slice %arg3[%dma_wait3A_118] : memref<2097152xf32, #tpu.memory_space<hbm>> -> memref<2048xf32, #tpu.memory_space<hbm>>
      tpu.wait_dma2 semaphore(%arg37 : memref<!tpu.dma_semaphore, #tpu.memory_space<semaphore_mem>>) src(%dma_wait3A_119 : memref<2048xf32, #tpu.memory_space<hbm>>) dst(%arg21 : memref<2048xf32, #tpu.memory_space<vmem>>)
      %dma_wait3A_120 = arith.constant 0 : i32
      %dma_wait3A_121 = tpu.memref_slice %arg3[%dma_wait3A_120] : memref<2097152xf32, #tpu.memory_space<hbm>> -> memref<2048xf32, #tpu.memory_space<hbm>>
      %dma_wait3A_122 = arith.constant 0 : i32
      %dma_wait3A_123 = tpu.memref_slice %arg3[%dma_wait3A_122] : memref<2097152xf32, #tpu.memory_space<hbm>> -> memref<2048xf32, #tpu.memory_space<hbm>>
      tpu.wait_dma2 semaphore(%arg37 : memref<!tpu.dma_semaphore, #tpu.memory_space<semaphore_mem>>) src(%dma_wait3A_123 : memref<2048xf32, #tpu.memory_space<hbm>>) dst(%arg22 : memref<2048xf32, #tpu.memory_space<vmem>>)
      %dma_wait3A_124 = arith.constant 0 : i32
      %dma_wait3A_125 = tpu.memref_slice %arg3[%dma_wait3A_124] : memref<2097152xf32, #tpu.memory_space<hbm>> -> memref<2048xf32, #tpu.memory_space<hbm>>
      %dma_wait3A_126 = arith.constant 0 : i32
      %dma_wait3A_127 = tpu.memref_slice %arg3[%dma_wait3A_126] : memref<2097152xf32, #tpu.memory_space<hbm>> -> memref<2048xf32, #tpu.memory_space<hbm>>
      tpu.wait_dma2 semaphore(%arg37 : memref<!tpu.dma_semaphore, #tpu.memory_space<semaphore_mem>>) src(%dma_wait3A_127 : memref<2048xf32, #tpu.memory_space<hbm>>) dst(%arg23 : memref<2048xf32, #tpu.memory_space<vmem>>)
      %parallel_loop3A_128 = arith.constant 0 : i32
      %parallel_loop3A_129 = arith.constant 128 : i32
      %parallel_loop3A_130 = arith.constant 1 : i32
      %parallel_loop3A_131 = scf.for %parallel_loop3A_168 = %parallel_loop3A_128 to %parallel_loop3A_129 step %parallel_loop3A_130 iter_args(%parallel_loop3A_169 = %scan3A_77) -> (vector<16xf32>)  : i32 {
        %parallel_loop3A_170 = arith.constant 16 : i32
        %parallel_loop3A_171 = arith.muli %parallel_loop3A_168, %parallel_loop3A_170 : i32
        %parallel_loop3A_172 = arith.index_cast %parallel_loop3A_171 : i32 to index
        %parallel_loop3A_173 = tpu.vector_load %arg28[%parallel_loop3A_172] {strides = array<i32>} : memref<2048xf32, #tpu.memory_space<vmem>>, vector<16xf32>,
        %parallel_loop3A_174 = vector.shape_cast %parallel_loop3A_173 : vector<16xf32> to vector<16xf32>
        %parallel_loop3A_175 = arith.constant 1.000000e+00 : f32
        %parallel_loop3A_176 = vector.broadcast %parallel_loop3A_175 : f32 to vector<16xf32>
        %parallel_loop3A_177 = arith.subf %parallel_loop3A_176, %parallel_loop3A_174 : vector<16xf32>
        %parallel_loop3A_178 = arith.index_cast %parallel_loop3A_171 : i32 to index
        %parallel_loop3A_179 = tpu.vector_load %arg20[%parallel_loop3A_178] {strides = array<i32>} : memref<2048xf32, #tpu.memory_space<vmem>>, vector<16xf32>,
        %parallel_loop3A_180 = vector.shape_cast %parallel_loop3A_179 : vector<16xf32> to vector<16xf32>
        %parallel_loop3A_181 = arith.mulf %parallel_loop3A_180, %parallel_loop3A_177 : vector<16xf32>
        %parallel_loop3A_182 = arith.index_cast %parallel_loop3A_171 : i32 to index
        %parallel_loop3A_183 = tpu.vector_load %arg21[%parallel_loop3A_182] {strides = array<i32>} : memref<2048xf32, #tpu.memory_space<vmem>>, vector<16xf32>,
        %parallel_loop3A_184 = vector.shape_cast %parallel_loop3A_183 : vector<16xf32> to vector<16xf32>
        %parallel_loop3A_185 = arith.mulf %parallel_loop3A_184, %parallel_loop3A_174 : vector<16xf32>
        %parallel_loop3A_186 = arith.addf %parallel_loop3A_181, %parallel_loop3A_185 : vector<16xf32>
        %parallel_loop3A_187 = arith.index_cast %parallel_loop3A_171 : i32 to index
        %parallel_loop3A_188 = tpu.vector_load %arg22[%parallel_loop3A_187] {strides = array<i32>} : memref<2048xf32, #tpu.memory_space<vmem>>, vector<16xf32>,
        %parallel_loop3A_189 = vector.shape_cast %parallel_loop3A_188 : vector<16xf32> to vector<16xf32>
        %parallel_loop3A_190 = arith.mulf %parallel_loop3A_189, %parallel_loop3A_177 : vector<16xf32>
        %parallel_loop3A_191 = arith.index_cast %parallel_loop3A_171 : i32 to index
        %parallel_loop3A_192 = tpu.vector_load %arg23[%parallel_loop3A_191] {strides = array<i32>} : memref<2048xf32, #tpu.memory_space<vmem>>, vector<16xf32>,
        %parallel_loop3A_193 = vector.shape_cast %parallel_loop3A_192 : vector<16xf32> to vector<16xf32>
        %parallel_loop3A_194 = arith.mulf %parallel_loop3A_193, %parallel_loop3A_174 : vector<16xf32>
        %parallel_loop3A_195 = arith.addf %parallel_loop3A_190, %parallel_loop3A_194 : vector<16xf32>
        %parallel_loop3A_196 = arith.index_cast %parallel_loop3A_171 : i32 to index
        %parallel_loop3A_197 = tpu.vector_load %arg30[%parallel_loop3A_196] {strides = array<i32>} : memref<2048xf32, #tpu.memory_space<vmem>>, vector<16xf32>,
        %parallel_loop3A_198 = vector.shape_cast %parallel_loop3A_197 : vector<16xf32> to vector<16xf32>
        %parallel_loop3A_199 = arith.mulf %parallel_loop3A_186, %parallel_loop3A_198 : vector<16xf32>
        %parallel_loop3A_200 = arith.addf %parallel_loop3A_169, %parallel_loop3A_199 : vector<16xf32>
        %parallel_loop3A_201 = arith.index_cast %parallel_loop3A_171 : i32 to index
        %parallel_loop3A_202 = tpu.vector_load %arg32[%parallel_loop3A_201] {strides = array<i32>} : memref<2048xf32, #tpu.memory_space<vmem>>, vector<16xf32>,
        %parallel_loop3A_203 = vector.shape_cast %parallel_loop3A_202 : vector<16xf32> to vector<16xf32>
        %parallel_loop3A_204 = arith.mulf %parallel_loop3A_195, %parallel_loop3A_203 : vector<16xf32>
        %parallel_loop3A_205 = arith.addf %parallel_loop3A_200, %parallel_loop3A_204 : vector<16xf32>
        scf.yield %parallel_loop3A_205 : vector<16xf32>
      } {sc.loop_unroll_factor = 4 : i64, sc.parallel_access}
      %mul3A_132 = arith.constant 2 : i32
      %mul3A_133 = arith.muli %mul3A_132, %scan3A_76 : i32
      %add3A_134 = arith.constant 2 : i32
      %add3A_135 = arith.addi %mul3A_133, %add3A_134 : i32
      %lt3A_136 = arith.constant 16 : i32
      %lt3A_137 = arith.cmpi slt, %add3A_135, %lt3A_136 : i32
      %convert_element_type3A_138 = arith.extui %lt3A_137 : i1 to i32
      %cond3A_139 = arith.constant 0 : i32
      %cond3A_140 = arith.cmpi ne, %convert_element_type3A_138, %cond3A_139 : i32
      scf.if %cond3A_140 {
        %dma_wait3A_168 = arith.constant 0 : i32
        %dma_wait3A_169 = tpu.memref_slice %arg3[%dma_wait3A_168] : memref<2097152xf32, #tpu.memory_space<hbm>> -> memref<2048xf32, #tpu.memory_space<hbm>>
        %dma_wait3A_170 = arith.constant 0 : i32
        %dma_wait3A_171 = tpu.memref_slice %arg3[%dma_wait3A_170] : memref<2097152xf32, #tpu.memory_space<hbm>> -> memref<2048xf32, #tpu.memory_space<hbm>>
        tpu.wait_dma2 semaphore(%arg36 : memref<!tpu.dma_semaphore, #tpu.memory_space<semaphore_mem>>) src(%dma_wait3A_171 : memref<2048xf32, #tpu.memory_space<hbm>>) dst(%arg6 : memref<2048xf32, #tpu.memory_space<vmem>>)
        %dma_wait3A_172 = arith.constant 0 : i32
        %dma_wait3A_173 = tpu.memref_slice %arg3[%dma_wait3A_172] : memref<2097152xf32, #tpu.memory_space<hbm>> -> memref<2048xf32, #tpu.memory_space<hbm>>
        %dma_wait3A_174 = arith.constant 0 : i32
        %dma_wait3A_175 = tpu.memref_slice %arg3[%dma_wait3A_174] : memref<2097152xf32, #tpu.memory_space<hbm>> -> memref<2048xf32, #tpu.memory_space<hbm>>
        tpu.wait_dma2 semaphore(%arg36 : memref<!tpu.dma_semaphore, #tpu.memory_space<semaphore_mem>>) src(%dma_wait3A_175 : memref<2048xf32, #tpu.memory_space<hbm>>) dst(%arg8 : memref<2048xf32, #tpu.memory_space<vmem>>)
        %dma_wait3A_176 = arith.constant 0 : i32
        %dma_wait3A_177 = tpu.memref_slice %arg4[%dma_wait3A_176] : memref<1048576xi32, #tpu.memory_space<hbm>> -> memref<2048xi32, #tpu.memory_space<hbm>>
        %dma_wait3A_178 = arith.constant 0 : i32
        %dma_wait3A_179 = tpu.memref_slice %arg4[%dma_wait3A_178] : memref<1048576xi32, #tpu.memory_space<hbm>> -> memref<2048xi32, #tpu.memory_space<hbm>>
        tpu.wait_dma2 semaphore(%arg36 : memref<!tpu.dma_semaphore, #tpu.memory_space<semaphore_mem>>) src(%dma_wait3A_179 : memref<2048xi32, #tpu.memory_space<hbm>>) dst(%arg10 : memref<2048xi32, #tpu.memory_space<vmem>>)
        %mul3A_180 = arith.constant 2048 : i32
        %mul3A_181 = arith.muli %add3A_135, %mul3A_180 : i32
        %add3A_182 = arith.addi %sub3A, %mul3A_181 : i32
        %parallel_loop3A_183 = arith.constant 0 : i32
        %parallel_loop3A_184 = arith.constant 128 : i32
        %parallel_loop3A_185 = arith.constant 1 : i32
        scf.for %parallel_loop3A_192 = %parallel_loop3A_183 to %parallel_loop3A_184 step %parallel_loop3A_185  : i32 {
          %parallel_loop3A_193 = arith.constant 16 : i32
          %parallel_loop3A_194 = arith.muli %parallel_loop3A_192, %parallel_loop3A_193 : i32
          %parallel_loop3A_195 = arith.constant 3 : i32
          %parallel_loop3A_196 = arith.shrui %parallel_loop3A_192, %parallel_loop3A_195 : i32
          %parallel_loop3A_197 = arith.constant 7 : i32
          %parallel_loop3A_198 = arith.andi %parallel_loop3A_192, %parallel_loop3A_197 : i32
          %parallel_loop3A_199 = arith.index_cast %parallel_loop3A_194 : i32 to index
          %parallel_loop3A_200 = tpu.vector_load %arg6[%parallel_loop3A_199] {strides = array<i32>} : memref<2048xf32, #tpu.memory_space<vmem>>, vector<16xf32>,
          %parallel_loop3A_201 = vector.shape_cast %parallel_loop3A_200 : vector<16xf32> to vector<16xf32>
          %parallel_loop3A_202 = arith.index_cast %parallel_loop3A_194 : i32 to index
          %parallel_loop3A_203 = tpu.vector_load %arg8[%parallel_loop3A_202] {strides = array<i32>} : memref<2048xf32, #tpu.memory_space<vmem>>, vector<16xf32>,
          %parallel_loop3A_204 = vector.shape_cast %parallel_loop3A_203 : vector<16xf32> to vector<16xf32>
          %parallel_loop3A_205 = arith.index_cast %parallel_loop3A_194 : i32 to index
          %parallel_loop3A_206 = tpu.vector_load %arg10[%parallel_loop3A_205] {strides = array<i32>} : memref<2048xi32, #tpu.memory_space<vmem>>, vector<16xi32>,
          %parallel_loop3A_207 = vector.shape_cast %parallel_loop3A_206 : vector<16xi32> to vector<16xi32>
          %parallel_loop3A_208 = arith.addi %add3A_182, %parallel_loop3A_194 : i32
          %parallel_loop3A_209 = vector.broadcast %parallel_loop3A_208 : i32 to vector<16xi32>
          %parallel_loop3A_210 = arith.addi %parallel_loop3A_209, %iota3A : vector<16xi32>
          %parallel_loop3A_211 = arith.constant 511 : i32
          %parallel_loop3A_212 = vector.broadcast %parallel_loop3A_211 : i32 to vector<16xi32>
          %parallel_loop3A_213 = arith.andi %parallel_loop3A_210, %parallel_loop3A_212 : vector<16xi32>
          %parallel_loop3A_214 = arith.constant 9 : i32
          %parallel_loop3A_215 = vector.broadcast %parallel_loop3A_214 : i32 to vector<16xi32>
          %parallel_loop3A_216 = arith.shrui %parallel_loop3A_210, %parallel_loop3A_215 : vector<16xi32>
          %parallel_loop3A_217 = arith.sitofp %parallel_loop3A_213 : vector<16xi32> to vector<16xf32>
          %parallel_loop3A_218 = arith.addf %parallel_loop3A_217, %parallel_loop3A_201 : vector<16xf32>
          %parallel_loop3A_219 = arith.sitofp %parallel_loop3A_216 : vector<16xi32> to vector<16xf32>
          %parallel_loop3A_220 = arith.addf %parallel_loop3A_219, %parallel_loop3A_204 : vector<16xf32>
          %parallel_loop3A_221 = arith.constant 0.000000e+00 : f32
          %parallel_loop3A_222 = vector.broadcast %parallel_loop3A_221 : f32 to vector<16xf32>
          %parallel_loop3A_223 = arith.maximumf %parallel_loop3A_218, %parallel_loop3A_222 : vector<16xf32>
          %parallel_loop3A_224 = arith.constant 5.110000e+02 : f32
          %parallel_loop3A_225 = vector.broadcast %parallel_loop3A_224 : f32 to vector<16xf32>
          %parallel_loop3A_226 = arith.minimumf %parallel_loop3A_223, %parallel_loop3A_225 : vector<16xf32>
          %parallel_loop3A_227 = arith.constant 0.000000e+00 : f32
          %parallel_loop3A_228 = vector.broadcast %parallel_loop3A_227 : f32 to vector<16xf32>
          %parallel_loop3A_229 = arith.maximumf %parallel_loop3A_220, %parallel_loop3A_228 : vector<16xf32>
          %parallel_loop3A_230 = arith.constant 5.110000e+02 : f32
          %parallel_loop3A_231 = vector.broadcast %parallel_loop3A_230 : f32 to vector<16xf32>
          %parallel_loop3A_232 = arith.minimumf %parallel_loop3A_229, %parallel_loop3A_231 : vector<16xf32>
          %parallel_loop3A_233 = arith.fptosi %parallel_loop3A_226 : vector<16xf32> to vector<16xi32>
          %parallel_loop3A_234 = arith.fptosi %parallel_loop3A_232 : vector<16xf32> to vector<16xi32>
          %parallel_loop3A_235 = arith.sitofp %parallel_loop3A_233 : vector<16xi32> to vector<16xf32>
          %parallel_loop3A_236 = arith.subf %parallel_loop3A_226, %parallel_loop3A_235 : vector<16xf32>
          %parallel_loop3A_237 = arith.sitofp %parallel_loop3A_234 : vector<16xi32> to vector<16xf32>
          %parallel_loop3A_238 = arith.subf %parallel_loop3A_232, %parallel_loop3A_237 : vector<16xf32>
          %parallel_loop3A_239 = arith.constant 0 : i32
          %parallel_loop3A_240 = vector.broadcast %parallel_loop3A_239 : i32 to vector<16xi32>
          %parallel_loop3A_241 = arith.cmpi sgt, %parallel_loop3A_207, %parallel_loop3A_240 : vector<16xi32>
          %parallel_loop3A_242 = arith.constant 1.000000e+00 : f32
          %parallel_loop3A_243 = arith.constant 0.000000e+00 : f32
          %parallel_loop3A_244 = vector.broadcast %parallel_loop3A_242 : f32 to vector<16xf32>
          %parallel_loop3A_245 = vector.broadcast %parallel_loop3A_243 : f32 to vector<16xf32>
          %parallel_loop3A_246 = arith.select %parallel_loop3A_241, %parallel_loop3A_244, %parallel_loop3A_245 : vector<16xi1>, vector<16xf32>
          %parallel_loop3A_247 = arith.constant 9 : i32
          %parallel_loop3A_248 = vector.broadcast %parallel_loop3A_247 : i32 to vector<16xi32>
          %parallel_loop3A_249 = arith.shli %parallel_loop3A_234, %parallel_loop3A_248 : vector<16xi32>
          %parallel_loop3A_250 = vector.broadcast %add3A_11 : i32 to vector<16xi32>
          %parallel_loop3A_251 = arith.addi %parallel_loop3A_250, %parallel_loop3A_249 : vector<16xi32>
          %parallel_loop3A_252 = arith.addi %parallel_loop3A_251, %parallel_loop3A_233 : vector<16xi32>
          %parallel_loop3A_253 = arith.constant 16 : i32
          %parallel_loop3A_254 = arith.muli %parallel_loop3A_198, %parallel_loop3A_253 : i32
          %parallel_loop3A_255 = arith.index_cast %parallel_loop3A_196 : i32 to index
          %parallel_loop3A_256 = arith.index_cast %parallel_loop3A_254 : i32 to index
          %parallel_loop3A_257 = tpu.vector_load %arg12[%parallel_loop3A_255, %parallel_loop3A_256] {strides = array<i32>} : memref<16x128xi32, #tpu.memory_space<vmem>>, vector<1x16xi32>,
          %parallel_loop3A_258 = vector.shape_cast %parallel_loop3A_257 : vector<1x16xi32> to vector<16xi32>
          %parallel_loop3A_259 = vector.shape_cast %parallel_loop3A_252 : vector<16xi32> to vector<1x16xi32>
          tpu.vector_store %arg12[%parallel_loop3A_255, %parallel_loop3A_256], %parallel_loop3A_259 {strides = array<i32>} : memref<16x128xi32, #tpu.memory_space<vmem>>, vector<1x16xi32>,
          %parallel_loop3A_260 = arith.constant 1 : i32
          %parallel_loop3A_261 = vector.broadcast %parallel_loop3A_260 : i32 to vector<16xi32>
          %parallel_loop3A_262 = arith.addi %parallel_loop3A_252, %parallel_loop3A_261 : vector<16xi32>
          %parallel_loop3A_263 = arith.index_cast %parallel_loop3A_196 : i32 to index
          %parallel_loop3A_264 = arith.index_cast %parallel_loop3A_254 : i32 to index
          %parallel_loop3A_265 = tpu.vector_load %arg13[%parallel_loop3A_263, %parallel_loop3A_264] {strides = array<i32>} : memref<16x128xi32, #tpu.memory_space<vmem>>, vector<1x16xi32>,
          %parallel_loop3A_266 = vector.shape_cast %parallel_loop3A_265 : vector<1x16xi32> to vector<16xi32>
          %parallel_loop3A_267 = vector.shape_cast %parallel_loop3A_262 : vector<16xi32> to vector<1x16xi32>
          tpu.vector_store %arg13[%parallel_loop3A_263, %parallel_loop3A_264], %parallel_loop3A_267 {strides = array<i32>} : memref<16x128xi32, #tpu.memory_space<vmem>>, vector<1x16xi32>,
          %parallel_loop3A_268 = arith.constant 512 : i32
          %parallel_loop3A_269 = vector.broadcast %parallel_loop3A_268 : i32 to vector<16xi32>
          %parallel_loop3A_270 = arith.addi %parallel_loop3A_252, %parallel_loop3A_269 : vector<16xi32>
          %parallel_loop3A_271 = arith.index_cast %parallel_loop3A_196 : i32 to index
          %parallel_loop3A_272 = arith.index_cast %parallel_loop3A_254 : i32 to index
          %parallel_loop3A_273 = tpu.vector_load %arg14[%parallel_loop3A_271, %parallel_loop3A_272] {strides = array<i32>} : memref<16x128xi32, #tpu.memory_space<vmem>>, vector<1x16xi32>,
          %parallel_loop3A_274 = vector.shape_cast %parallel_loop3A_273 : vector<1x16xi32> to vector<16xi32>
          %parallel_loop3A_275 = vector.shape_cast %parallel_loop3A_270 : vector<16xi32> to vector<1x16xi32>
          tpu.vector_store %arg14[%parallel_loop3A_271, %parallel_loop3A_272], %parallel_loop3A_275 {strides = array<i32>} : memref<16x128xi32, #tpu.memory_space<vmem>>, vector<1x16xi32>,
          %parallel_loop3A_276 = arith.constant 513 : i32
          %parallel_loop3A_277 = vector.broadcast %parallel_loop3A_276 : i32 to vector<16xi32>
          %parallel_loop3A_278 = arith.addi %parallel_loop3A_252, %parallel_loop3A_277 : vector<16xi32>
          %parallel_loop3A_279 = arith.index_cast %parallel_loop3A_196 : i32 to index
          %parallel_loop3A_280 = arith.index_cast %parallel_loop3A_254 : i32 to index
          %parallel_loop3A_281 = tpu.vector_load %arg15[%parallel_loop3A_279, %parallel_loop3A_280] {strides = array<i32>} : memref<16x128xi32, #tpu.memory_space<vmem>>, vector<1x16xi32>,
          %parallel_loop3A_282 = vector.shape_cast %parallel_loop3A_281 : vector<1x16xi32> to vector<16xi32>
          %parallel_loop3A_283 = vector.shape_cast %parallel_loop3A_278 : vector<16xi32> to vector<1x16xi32>
          tpu.vector_store %arg15[%parallel_loop3A_279, %parallel_loop3A_280], %parallel_loop3A_283 {strides = array<i32>} : memref<16x128xi32, #tpu.memory_space<vmem>>, vector<1x16xi32>,
          %parallel_loop3A_284 = arith.index_cast %parallel_loop3A_194 : i32 to index
          %parallel_loop3A_285 = tpu.vector_load %arg28[%parallel_loop3A_284] {strides = array<i32>} : memref<2048xf32, #tpu.memory_space<vmem>>, vector<16xf32>,
          %parallel_loop3A_286 = vector.shape_cast %parallel_loop3A_285 : vector<16xf32> to vector<16xf32>
          %parallel_loop3A_287 = vector.shape_cast %parallel_loop3A_236 : vector<16xf32> to vector<16xf32>
          tpu.vector_store %arg28[%parallel_loop3A_284], %parallel_loop3A_287 {strides = array<i32>} : memref<2048xf32, #tpu.memory_space<vmem>>, vector<16xf32>,
          %parallel_loop3A_288 = arith.constant 1.000000e+00 : f32
          %parallel_loop3A_289 = vector.broadcast %parallel_loop3A_288 : f32 to vector<16xf32>
          %parallel_loop3A_290 = arith.subf %parallel_loop3A_289, %parallel_loop3A_238 : vector<16xf32>
          %parallel_loop3A_291 = arith.mulf %parallel_loop3A_290, %parallel_loop3A_246 : vector<16xf32>
          %parallel_loop3A_292 = arith.index_cast %parallel_loop3A_194 : i32 to index
          %parallel_loop3A_293 = tpu.vector_load %arg30[%parallel_loop3A_292] {strides = array<i32>} : memref<2048xf32, #tpu.memory_space<vmem>>, vector<16xf32>,
          %parallel_loop3A_294 = vector.shape_cast %parallel_loop3A_293 : vector<16xf32> to vector<16xf32>
          %parallel_loop3A_295 = vector.shape_cast %parallel_loop3A_291 : vector<16xf32> to vector<16xf32>
          tpu.vector_store %arg30[%parallel_loop3A_292], %parallel_loop3A_295 {strides = array<i32>} : memref<2048xf32, #tpu.memory_space<vmem>>, vector<16xf32>,
          %parallel_loop3A_296 = arith.mulf %parallel_loop3A_238, %parallel_loop3A_246 : vector<16xf32>
          %parallel_loop3A_297 = arith.index_cast %parallel_loop3A_194 : i32 to index
          %parallel_loop3A_298 = tpu.vector_load %arg32[%parallel_loop3A_297] {strides = array<i32>} : memref<2048xf32, #tpu.memory_space<vmem>>, vector<16xf32>,
          %parallel_loop3A_299 = vector.shape_cast %parallel_loop3A_298 : vector<16xf32> to vector<16xf32>
          %parallel_loop3A_300 = vector.shape_cast %parallel_loop3A_296 : vector<16xf32> to vector<16xf32>
          tpu.vector_store %arg32[%parallel_loop3A_297], %parallel_loop3A_300 {strides = array<i32>} : memref<2048xf32, #tpu.memory_space<vmem>>, vector<16xf32>,
        } {sc.loop_unroll_factor = 4 : i64, sc.parallel_access}
        %scan3A_186 = arith.constant 0 : i32
        %scan3A_187 = arith.constant 0 : i32
        %scan3A_188 = arith.constant 16 : i32
        %scan3A_189 = arith.addi %scan3A_187, %scan3A_188 : i32
        %scan3A_190 = arith.constant 1 : i32
        scf.for %scan3A_192 = %scan3A_187 to %scan3A_189 step %scan3A_190  : i32 {
          %mul3A_193 = arith.constant 128 : i32
          %mul3A_194 = arith.muli %scan3A_192, %mul3A_193 : i32
          %dma_start3A_195 = tpu.memref_slice %arg20[%mul3A_194] : memref<2048xf32, #tpu.memory_space<vmem>> -> memref<128xf32, #tpu.memory_space<vmem>>
          %dma_start3A_196 = arith.constant 0 : i32
          %dma_start3A_197 = tpu.memref_slice %arg12[%scan3A_192, %dma_start3A_196] : memref<16x128xi32, #tpu.memory_space<vmem>> -> memref<1x128xi32, #tpu.memory_space<vmem>>
          %dma_start3A_198 = tpu.memref_squeeze %dma_start3A_197 : memref<1x128xi32, #tpu.memory_space<vmem>> -> memref<128xi32, #tpu.memory_space<vmem>>
          %dma_start3A_199 = arith.constant 0 : i32
          %dma_start3A_200 = tpu.memref_slice %arg35[%dma_start3A_199] : memref<1049600xf32, #tpu.memory_space<vmem_shared>> -> memref<1049600xf32, #tpu.memory_space<vmem_shared>>
          tpu.enqueue_indirect_dma source(%dma_start3A_200 : memref<1049600xf32, #tpu.memory_space<vmem_shared>>) target(%dma_start3A_195 : memref<128xf32, #tpu.memory_space<vmem>>) offsets(%dma_start3A_198 : memref<128xi32, #tpu.memory_space<vmem>>) semaphore(%arg37 : memref<!tpu.dma_semaphore, #tpu.memory_space<semaphore_mem>>)
          %dma_start3A_201 = tpu.memref_slice %arg21[%mul3A_194] : memref<2048xf32, #tpu.memory_space<vmem>> -> memref<128xf32, #tpu.memory_space<vmem>>
          %dma_start3A_202 = arith.constant 0 : i32
          %dma_start3A_203 = tpu.memref_slice %arg13[%scan3A_192, %dma_start3A_202] : memref<16x128xi32, #tpu.memory_space<vmem>> -> memref<1x128xi32, #tpu.memory_space<vmem>>
          %dma_start3A_204 = tpu.memref_squeeze %dma_start3A_203 : memref<1x128xi32, #tpu.memory_space<vmem>> -> memref<128xi32, #tpu.memory_space<vmem>>
          %dma_start3A_205 = arith.constant 0 : i32
          %dma_start3A_206 = tpu.memref_slice %arg35[%dma_start3A_205] : memref<1049600xf32, #tpu.memory_space<vmem_shared>> -> memref<1049600xf32, #tpu.memory_space<vmem_shared>>
          tpu.enqueue_indirect_dma source(%dma_start3A_206 : memref<1049600xf32, #tpu.memory_space<vmem_shared>>) target(%dma_start3A_201 : memref<128xf32, #tpu.memory_space<vmem>>) offsets(%dma_start3A_204 : memref<128xi32, #tpu.memory_space<vmem>>) semaphore(%arg37 : memref<!tpu.dma_semaphore, #tpu.memory_space<semaphore_mem>>)
          %dma_start3A_207 = tpu.memref_slice %arg22[%mul3A_194] : memref<2048xf32, #tpu.memory_space<vmem>> -> memref<128xf32, #tpu.memory_space<vmem>>
          %dma_start3A_208 = arith.constant 0 : i32
          %dma_start3A_209 = tpu.memref_slice %arg14[%scan3A_192, %dma_start3A_208] : memref<16x128xi32, #tpu.memory_space<vmem>> -> memref<1x128xi32, #tpu.memory_space<vmem>>
          %dma_start3A_210 = tpu.memref_squeeze %dma_start3A_209 : memref<1x128xi32, #tpu.memory_space<vmem>> -> memref<128xi32, #tpu.memory_space<vmem>>
          %dma_start3A_211 = arith.constant 0 : i32
          %dma_start3A_212 = tpu.memref_slice %arg35[%dma_start3A_211] : memref<1049600xf32, #tpu.memory_space<vmem_shared>> -> memref<1049600xf32, #tpu.memory_space<vmem_shared>>
          tpu.enqueue_indirect_dma source(%dma_start3A_212 : memref<1049600xf32, #tpu.memory_space<vmem_shared>>) target(%dma_start3A_207 : memref<128xf32, #tpu.memory_space<vmem>>) offsets(%dma_start3A_210 : memref<128xi32, #tpu.memory_space<vmem>>) semaphore(%arg37 : memref<!tpu.dma_semaphore, #tpu.memory_space<semaphore_mem>>)
          %dma_start3A_213 = tpu.memref_slice %arg23[%mul3A_194] : memref<2048xf32, #tpu.memory_space<vmem>> -> memref<128xf32, #tpu.memory_space<vmem>>
          %dma_start3A_214 = arith.constant 0 : i32
          %dma_start3A_215 = tpu.memref_slice %arg15[%scan3A_192, %dma_start3A_214] : memref<16x128xi32, #tpu.memory_space<vmem>> -> memref<1x128xi32, #tpu.memory_space<vmem>>
          %dma_start3A_216 = tpu.memref_squeeze %dma_start3A_215 : memref<1x128xi32, #tpu.memory_space<vmem>> -> memref<128xi32, #tpu.memory_space<vmem>>
          %dma_start3A_217 = arith.constant 0 : i32
          %dma_start3A_218 = tpu.memref_slice %arg35[%dma_start3A_217] : memref<1049600xf32, #tpu.memory_space<vmem_shared>> -> memref<1049600xf32, #tpu.memory_space<vmem_shared>>
          tpu.enqueue_indirect_dma source(%dma_start3A_218 : memref<1049600xf32, #tpu.memory_space<vmem_shared>>) target(%dma_start3A_213 : memref<128xf32, #tpu.memory_space<vmem>>) offsets(%dma_start3A_216 : memref<128xi32, #tpu.memory_space<vmem>>) semaphore(%arg37 : memref<!tpu.dma_semaphore, #tpu.memory_space<semaphore_mem>>)
        }
        %scan3A_191 = arith.constant 16 : i32
      } else {
      }
      %add3A_141 = arith.constant 1 : i32
      %add3A_142 = arith.addi %add3A_135, %add3A_141 : i32
      %lt3A_143 = arith.constant 16 : i32
      %lt3A_144 = arith.cmpi slt, %add3A_142, %lt3A_143 : i32
      %convert_element_type3A_145 = arith.extui %lt3A_144 : i1 to i32
      %cond3A_146 = arith.constant 0 : i32
      %cond3A_147 = arith.cmpi ne, %convert_element_type3A_145, %cond3A_146 : i32
      scf.if %cond3A_147 {
        %mul3A_168 = arith.constant 2048 : i32
        %mul3A_169 = arith.muli %add3A_142, %mul3A_168 : i32
        %add3A_170 = arith.addi %add3A_5, %mul3A_169 : i32
        %multiple_of3A_171 = tpu.assume_multiple %add3A_170, 8 : i32
        %add3A_172 = arith.constant 262144 : i32
        %add3A_173 = arith.addi %add3A_5, %add3A_172 : i32
        %add3A_174 = arith.addi %add3A_173, %mul3A_169 : i32
        %multiple_of3A_175 = tpu.assume_multiple %add3A_174, 8 : i32
        %add3A_176 = arith.addi %mul3A_2, %mul3A_169 : i32
        %multiple_of3A_177 = tpu.assume_multiple %add3A_176, 8 : i32
        %dma_start3A_178 = tpu.memref_slice %arg3[%multiple_of3A_171] : memref<2097152xf32, #tpu.memory_space<hbm>> -> memref<2048xf32, #tpu.memory_space<hbm>>
        %dma_start3A_179 = tpu.memref_slice %arg3[%multiple_of3A_171] : memref<2097152xf32, #tpu.memory_space<hbm>> -> memref<2048xf32, #tpu.memory_space<hbm>>
        tpu.enqueue_dma source(%dma_start3A_179 : memref<2048xf32, #tpu.memory_space<hbm>>) target(%arg7 : memref<2048xf32, #tpu.memory_space<vmem>>) target_semaphore(%arg36 : memref<!tpu.dma_semaphore, #tpu.memory_space<semaphore_mem>>)
        %dma_start3A_180 = tpu.memref_slice %arg3[%multiple_of3A_175] : memref<2097152xf32, #tpu.memory_space<hbm>> -> memref<2048xf32, #tpu.memory_space<hbm>>
        %dma_start3A_181 = tpu.memref_slice %arg3[%multiple_of3A_175] : memref<2097152xf32, #tpu.memory_space<hbm>> -> memref<2048xf32, #tpu.memory_space<hbm>>
        tpu.enqueue_dma source(%dma_start3A_181 : memref<2048xf32, #tpu.memory_space<hbm>>) target(%arg9 : memref<2048xf32, #tpu.memory_space<vmem>>) target_semaphore(%arg36 : memref<!tpu.dma_semaphore, #tpu.memory_space<semaphore_mem>>)
        %dma_start3A_182 = tpu.memref_slice %arg4[%multiple_of3A_177] : memref<1048576xi32, #tpu.memory_space<hbm>> -> memref<2048xi32, #tpu.memory_space<hbm>>
        %dma_start3A_183 = tpu.memref_slice %arg4[%multiple_of3A_177] : memref<1048576xi32, #tpu.memory_space<hbm>> -> memref<2048xi32, #tpu.memory_space<hbm>>
        tpu.enqueue_dma source(%dma_start3A_183 : memref<2048xi32, #tpu.memory_space<hbm>>) target(%arg11 : memref<2048xi32, #tpu.memory_space<vmem>>) target_semaphore(%arg36 : memref<!tpu.dma_semaphore, #tpu.memory_space<semaphore_mem>>)
      } else {
      }
      %dma_wait3A_148 = arith.constant 0 : i32
      %dma_wait3A_149 = tpu.memref_slice %arg3[%dma_wait3A_148] : memref<2097152xf32, #tpu.memory_space<hbm>> -> memref<2048xf32, #tpu.memory_space<hbm>>
      %dma_wait3A_150 = arith.constant 0 : i32
      %dma_wait3A_151 = tpu.memref_slice %arg3[%dma_wait3A_150] : memref<2097152xf32, #tpu.memory_space<hbm>> -> memref<2048xf32, #tpu.memory_space<hbm>>
      tpu.wait_dma2 semaphore(%arg37 : memref<!tpu.dma_semaphore, #tpu.memory_space<semaphore_mem>>) src(%dma_wait3A_151 : memref<2048xf32, #tpu.memory_space<hbm>>) dst(%arg24 : memref<2048xf32, #tpu.memory_space<vmem>>)
      %dma_wait3A_152 = arith.constant 0 : i32
      %dma_wait3A_153 = tpu.memref_slice %arg3[%dma_wait3A_152] : memref<2097152xf32, #tpu.memory_space<hbm>> -> memref<2048xf32, #tpu.memory_space<hbm>>
      %dma_wait3A_154 = arith.constant 0 : i32
      %dma_wait3A_155 = tpu.memref_slice %arg3[%dma_wait3A_154] : memref<2097152xf32, #tpu.memory_space<hbm>> -> memref<2048xf32, #tpu.memory_space<hbm>>
      tpu.wait_dma2 semaphore(%arg37 : memref<!tpu.dma_semaphore, #tpu.memory_space<semaphore_mem>>) src(%dma_wait3A_155 : memref<2048xf32, #tpu.memory_space<hbm>>) dst(%arg25 : memref<2048xf32, #tpu.memory_space<vmem>>)
      %dma_wait3A_156 = arith.constant 0 : i32
      %dma_wait3A_157 = tpu.memref_slice %arg3[%dma_wait3A_156] : memref<2097152xf32, #tpu.memory_space<hbm>> -> memref<2048xf32, #tpu.memory_space<hbm>>
      %dma_wait3A_158 = arith.constant 0 : i32
      %dma_wait3A_159 = tpu.memref_slice %arg3[%dma_wait3A_158] : memref<2097152xf32, #tpu.memory_space<hbm>> -> memref<2048xf32, #tpu.memory_space<hbm>>
      tpu.wait_dma2 semaphore(%arg37 : memref<!tpu.dma_semaphore, #tpu.memory_space<semaphore_mem>>) src(%dma_wait3A_159 : memref<2048xf32, #tpu.memory_space<hbm>>) dst(%arg26 : memref<2048xf32, #tpu.memory_space<vmem>>)
      %dma_wait3A_160 = arith.constant 0 : i32
      %dma_wait3A_161 = tpu.memref_slice %arg3[%dma_wait3A_160] : memref<2097152xf32, #tpu.memory_space<hbm>> -> memref<2048xf32, #tpu.memory_space<hbm>>
      %dma_wait3A_162 = arith.constant 0 : i32
      %dma_wait3A_163 = tpu.memref_slice %arg3[%dma_wait3A_162] : memref<2097152xf32, #tpu.memory_space<hbm>> -> memref<2048xf32, #tpu.memory_space<hbm>>
      tpu.wait_dma2 semaphore(%arg37 : memref<!tpu.dma_semaphore, #tpu.memory_space<semaphore_mem>>) src(%dma_wait3A_163 : memref<2048xf32, #tpu.memory_space<hbm>>) dst(%arg27 : memref<2048xf32, #tpu.memory_space<vmem>>)
      %parallel_loop3A_164 = arith.constant 0 : i32
      %parallel_loop3A_165 = arith.constant 128 : i32
      %parallel_loop3A_166 = arith.constant 1 : i32
      %parallel_loop3A_167 = scf.for %parallel_loop3A_168 = %parallel_loop3A_164 to %parallel_loop3A_165 step %parallel_loop3A_166 iter_args(%parallel_loop3A_169 = %parallel_loop3A_131) -> (vector<16xf32>)  : i32 {
        %parallel_loop3A_170 = arith.constant 16 : i32
        %parallel_loop3A_171 = arith.muli %parallel_loop3A_168, %parallel_loop3A_170 : i32
        %parallel_loop3A_172 = arith.index_cast %parallel_loop3A_171 : i32 to index
        %parallel_loop3A_173 = tpu.vector_load %arg29[%parallel_loop3A_172] {strides = array<i32>} : memref<2048xf32, #tpu.memory_space<vmem>>, vector<16xf32>,
        %parallel_loop3A_174 = vector.shape_cast %parallel_loop3A_173 : vector<16xf32> to vector<16xf32>
        %parallel_loop3A_175 = arith.constant 1.000000e+00 : f32
        %parallel_loop3A_176 = vector.broadcast %parallel_loop3A_175 : f32 to vector<16xf32>
        %parallel_loop3A_177 = arith.subf %parallel_loop3A_176, %parallel_loop3A_174 : vector<16xf32>
        %parallel_loop3A_178 = arith.index_cast %parallel_loop3A_171 : i32 to index
        %parallel_loop3A_179 = tpu.vector_load %arg24[%parallel_loop3A_178] {strides = array<i32>} : memref<2048xf32, #tpu.memory_space<vmem>>, vector<16xf32>,
        %parallel_loop3A_180 = vector.shape_cast %parallel_loop3A_179 : vector<16xf32> to vector<16xf32>
        %parallel_loop3A_181 = arith.mulf %parallel_loop3A_180, %parallel_loop3A_177 : vector<16xf32>
        %parallel_loop3A_182 = arith.index_cast %parallel_loop3A_171 : i32 to index
        %parallel_loop3A_183 = tpu.vector_load %arg25[%parallel_loop3A_182] {strides = array<i32>} : memref<2048xf32, #tpu.memory_space<vmem>>, vector<16xf32>,
        %parallel_loop3A_184 = vector.shape_cast %parallel_loop3A_183 : vector<16xf32> to vector<16xf32>
        %parallel_loop3A_185 = arith.mulf %parallel_loop3A_184, %parallel_loop3A_174 : vector<16xf32>
        %parallel_loop3A_186 = arith.addf %parallel_loop3A_181, %parallel_loop3A_185 : vector<16xf32>
        %parallel_loop3A_187 = arith.index_cast %parallel_loop3A_171 : i32 to index
        %parallel_loop3A_188 = tpu.vector_load %arg26[%parallel_loop3A_187] {strides = array<i32>} : memref<2048xf32, #tpu.memory_space<vmem>>, vector<16xf32>,
        %parallel_loop3A_189 = vector.shape_cast %parallel_loop3A_188 : vector<16xf32> to vector<16xf32>
        %parallel_loop3A_190 = arith.mulf %parallel_loop3A_189, %parallel_loop3A_177 : vector<16xf32>
        %parallel_loop3A_191 = arith.index_cast %parallel_loop3A_171 : i32 to index
        %parallel_loop3A_192 = tpu.vector_load %arg27[%parallel_loop3A_191] {strides = array<i32>} : memref<2048xf32, #tpu.memory_space<vmem>>, vector<16xf32>,
        %parallel_loop3A_193 = vector.shape_cast %parallel_loop3A_192 : vector<16xf32> to vector<16xf32>
        %parallel_loop3A_194 = arith.mulf %parallel_loop3A_193, %parallel_loop3A_174 : vector<16xf32>
        %parallel_loop3A_195 = arith.addf %parallel_loop3A_190, %parallel_loop3A_194 : vector<16xf32>
        %parallel_loop3A_196 = arith.index_cast %parallel_loop3A_171 : i32 to index
        %parallel_loop3A_197 = tpu.vector_load %arg31[%parallel_loop3A_196] {strides = array<i32>} : memref<2048xf32, #tpu.memory_space<vmem>>, vector<16xf32>,
        %parallel_loop3A_198 = vector.shape_cast %parallel_loop3A_197 : vector<16xf32> to vector<16xf32>
        %parallel_loop3A_199 = arith.mulf %parallel_loop3A_186, %parallel_loop3A_198 : vector<16xf32>
        %parallel_loop3A_200 = arith.addf %parallel_loop3A_169, %parallel_loop3A_199 : vector<16xf32>
        %parallel_loop3A_201 = arith.index_cast %parallel_loop3A_171 : i32 to index
        %parallel_loop3A_202 = tpu.vector_load %arg33[%parallel_loop3A_201] {strides = array<i32>} : memref<2048xf32, #tpu.memory_space<vmem>>, vector<16xf32>,
        %parallel_loop3A_203 = vector.shape_cast %parallel_loop3A_202 : vector<16xf32> to vector<16xf32>
        %parallel_loop3A_204 = arith.mulf %parallel_loop3A_195, %parallel_loop3A_203 : vector<16xf32>
        %parallel_loop3A_205 = arith.addf %parallel_loop3A_200, %parallel_loop3A_204 : vector<16xf32>
        scf.yield %parallel_loop3A_205 : vector<16xf32>
      } {sc.loop_unroll_factor = 4 : i64, sc.parallel_access}
      scf.yield %parallel_loop3A_167 : vector<16xf32>
    }
    %scan3A_72 = arith.constant 8 : i32
    %swap3A = arith.constant 0 : index
    %swap3A_73 = tpu.vector_load %arg34[%swap3A] {strides = array<i32>} : memref<16xf32, #tpu.memory_space<vmem>>, vector<16xf32>,
    %swap3A_74 = vector.shape_cast %swap3A_73 : vector<16xf32> to vector<16xf32>
    %swap3A_75 = vector.shape_cast %scan3A_71 : vector<16xf32> to vector<16xf32>
    tpu.vector_store %arg34[%swap3A], %swap3A_75 {strides = array<i32>} : memref<16xf32, #tpu.memory_space<vmem>>, vector<16xf32>,
    "tpu.region"() ({
      %run_scoped3A = tpu.sem_alloc : memref<!tpu.dma_semaphore, #tpu.memory_space<semaphore_mem>>
      %dma_start3A_76 = arith.constant 0 : i32
      %dma_start3A_77 = tpu.memref_slice %arg5[%add3A, %dma_start3A_76] : memref<32x16xf32, #tpu.memory_space<hbm>> -> memref<1x16xf32, #tpu.memory_space<hbm>>
      %dma_start3A_78 = tpu.memref_squeeze %dma_start3A_77 : memref<1x16xf32, #tpu.memory_space<hbm>> -> memref<16xf32, #tpu.memory_space<hbm>>
      %dma_start3A_79 = arith.constant 0 : i32
      %dma_start3A_80 = tpu.memref_slice %arg5[%add3A, %dma_start3A_79] : memref<32x16xf32, #tpu.memory_space<hbm>> -> memref<1x16xf32, #tpu.memory_space<hbm>>
      %dma_start3A_81 = tpu.memref_squeeze %dma_start3A_80 : memref<1x16xf32, #tpu.memory_space<hbm>> -> memref<16xf32, #tpu.memory_space<hbm>>
      tpu.enqueue_dma source(%arg34 : memref<16xf32, #tpu.memory_space<vmem>>) target(%dma_start3A_81 : memref<16xf32, #tpu.memory_space<hbm>>) target_semaphore(%run_scoped3A : memref<!tpu.dma_semaphore, #tpu.memory_space<semaphore_mem>>)
      %dma_wait3A_82 = arith.constant 0 : i32
      %dma_wait3A_83 = tpu.memref_slice %arg5[%add3A, %dma_wait3A_82] : memref<32x16xf32, #tpu.memory_space<hbm>> -> memref<1x16xf32, #tpu.memory_space<hbm>>
      %dma_wait3A_84 = tpu.memref_squeeze %dma_wait3A_83 : memref<1x16xf32, #tpu.memory_space<hbm>> -> memref<16xf32, #tpu.memory_space<hbm>>
      %dma_wait3A_85 = arith.constant 0 : i32
      %dma_wait3A_86 = tpu.memref_slice %arg5[%add3A, %dma_wait3A_85] : memref<32x16xf32, #tpu.memory_space<hbm>> -> memref<1x16xf32, #tpu.memory_space<hbm>>
      %dma_wait3A_87 = tpu.memref_squeeze %dma_wait3A_86 : memref<1x16xf32, #tpu.memory_space<hbm>> -> memref<16xf32, #tpu.memory_space<hbm>>
      tpu.wait_dma2 semaphore(%run_scoped3A : memref<!tpu.dma_semaphore, #tpu.memory_space<semaphore_mem>>) src(%arg34 : memref<16xf32, #tpu.memory_space<vmem>>) dst(%dma_wait3A_87 : memref<16xf32, #tpu.memory_space<hbm>>)
      tpu.yield
    }) : () -> ()
    return
  }
}

module attributes {stable_mosaic.version = 14 : i64} {
  func.func @_dense_body(%arg0: i32, %arg1: i32, %arg2: memref<1x1x64x512xf32, #tpu.memory_space<vmem>>, %arg3: memref<1x1x64x512xf32, #tpu.memory_space<vmem>>, %arg4: memref<1x1x64x512xf32, #tpu.memory_space<vmem>>, %arg5: memref<1x1x64x512xf32, #tpu.memory_space<vmem>>, %arg6: memref<1x1x64x512xf32, #tpu.memory_space<vmem>>, %arg7: memref<1x1x64x512xf32, #tpu.memory_space<vmem>>, %arg8: memref<1x64x512xi32, #tpu.memory_space<vmem>>, %arg9: memref<8x512xf32, #tpu.memory_space<vmem>>, %arg10: memref<1x8x512xf32, #tpu.memory_space<vmem>>, %arg11: memref<1x8x512xf32, #tpu.memory_space<vmem>>, %arg12: memref<1x8x512xf32, #tpu.memory_space<vmem>>, %arg13: memref<8x512xf32, #tpu.memory_space<vmem>>, %arg14: memref<8x512xf32, #tpu.memory_space<vmem>>, %arg15: memref<8x512xf32, #tpu.memory_space<vmem>>, %arg16: memref<8x512xf32, #tpu.memory_space<vmem>>) attributes {dimension_semantics = [#tpu.dimension_semantics<arbitrary>, #tpu.dimension_semantics<arbitrary>], iteration_bounds = array<i64: 4, 8>, scalar_prefetch = 0 : i64, scratch_operands = 4 : i64, tpu.core_type = #tpu.core_type<tc>, window_params = [{transform_indices = @transform_0, window_bounds = array<i64: 1, 1, 64, 512>}, {transform_indices = @transform_1, window_bounds = array<i64: 1, 1, 64, 512>}, {transform_indices = @transform_2, window_bounds = array<i64: 1, 1, 64, 512>}, {transform_indices = @transform_3, window_bounds = array<i64: 1, 1, 64, 512>}, {transform_indices = @transform_4, window_bounds = array<i64: 1, 1, 64, 512>}, {transform_indices = @transform_5, window_bounds = array<i64: 1, 1, 64, 512>}, {transform_indices = @transform_6, window_bounds = array<i64: 1, 64, 512>}, {pipeline_mode = #tpu.pipeline_mode<synchronous>, transform_indices = @transform_7, window_bounds = array<i64: 8, 512>}, {transform_indices = @transform_8, window_bounds = array<i64: 1, 8, 512>}, {transform_indices = @transform_9, window_bounds = array<i64: 1, 8, 512>}, {transform_indices = @transform_10, window_bounds = array<i64: 1, 8, 512>}]} {
    %eq3A = arith.constant 0 : i32
    %eq3A_0 = arith.cmpi eq, %arg0, %eq3A : i32
    %eq3A_1 = arith.constant 0 : i32
    %eq3A_2 = arith.cmpi eq, %arg1, %eq3A_1 : i32
    %and3A = arith.andi %eq3A_0, %eq3A_2 : i1
    %convert_element_type3A = arith.extui %and3A : i1 to i32
    %cond3A = arith.constant 0 : i32
    %cond3A_3 = arith.cmpi ne, %convert_element_type3A, %cond3A : i32
    scf.if %cond3A_3 {
      %broadcast_in_dim3A_428 = arith.constant 0.000000e+00 : f32
      %broadcast_in_dim3A_429 = vector.broadcast %broadcast_in_dim3A_428 : f32 to vector<8x512xf32>
      %swap3A_430 = arith.constant 0 : index
      %swap3A_431 = arith.constant 0 : index
      %swap3A_432 = vector.load %arg13[%swap3A_430, %swap3A_431] : memref<8x512xf32, #tpu.memory_space<vmem>>, vector<8x512xf32>
      tpu.vector_store %arg13[%swap3A_430, %swap3A_431], %broadcast_in_dim3A_429 {strides = array<i32>} : memref<8x512xf32, #tpu.memory_space<vmem>>, vector<8x512xf32>,
    } else {
    }
    %eq3A_4 = arith.constant 0 : i32
    %eq3A_5 = arith.cmpi eq, %arg1, %eq3A_4 : i32
    %convert_element_type3A_6 = arith.extui %eq3A_5 : i1 to i32
    %cond3A_7 = arith.constant 0 : i32
    %cond3A_8 = arith.cmpi ne, %convert_element_type3A_6, %cond3A_7 : i32
    scf.if %cond3A_8 {
      %broadcast_in_dim3A_428 = arith.constant 0.000000e+00 : f32
      %broadcast_in_dim3A_429 = vector.broadcast %broadcast_in_dim3A_428 : f32 to vector<8x512xf32>
      %swap3A_430 = arith.constant 0 : index
      %swap3A_431 = arith.constant 0 : index
      %swap3A_432 = vector.load %arg14[%swap3A_430, %swap3A_431] : memref<8x512xf32, #tpu.memory_space<vmem>>, vector<8x512xf32>
      tpu.vector_store %arg14[%swap3A_430, %swap3A_431], %broadcast_in_dim3A_429 {strides = array<i32>} : memref<8x512xf32, #tpu.memory_space<vmem>>, vector<8x512xf32>,
      %broadcast_in_dim3A_433 = arith.constant 0.000000e+00 : f32
      %broadcast_in_dim3A_434 = vector.broadcast %broadcast_in_dim3A_433 : f32 to vector<8x512xf32>
      %swap3A_435 = arith.constant 0 : index
      %swap3A_436 = arith.constant 0 : index
      %swap3A_437 = vector.load %arg15[%swap3A_435, %swap3A_436] : memref<8x512xf32, #tpu.memory_space<vmem>>, vector<8x512xf32>
      tpu.vector_store %arg15[%swap3A_435, %swap3A_436], %broadcast_in_dim3A_434 {strides = array<i32>} : memref<8x512xf32, #tpu.memory_space<vmem>>, vector<8x512xf32>,
      %broadcast_in_dim3A_438 = arith.constant 0.000000e+00 : f32
      %broadcast_in_dim3A_439 = vector.broadcast %broadcast_in_dim3A_438 : f32 to vector<8x512xf32>
      %swap3A_440 = arith.constant 0 : index
      %swap3A_441 = arith.constant 0 : index
      %swap3A_442 = vector.load %arg16[%swap3A_440, %swap3A_441] : memref<8x512xf32, #tpu.memory_space<vmem>>, vector<8x512xf32>
      tpu.vector_store %arg16[%swap3A_440, %swap3A_441], %broadcast_in_dim3A_439 {strides = array<i32>} : memref<8x512xf32, #tpu.memory_space<vmem>>, vector<8x512xf32>,
    } else {
    }
    %get3A = arith.constant 0 : index
    %get3A_9 = arith.constant 0 : index
    %get3A_10 = arith.constant 0 : index
    %get3A_11 = arith.constant 0 : index
    %get3A_12 = vector.load %arg2[%get3A, %get3A_9, %get3A_10, %get3A_11] : memref<1x1x64x512xf32, #tpu.memory_space<vmem>>, vector<1x1x64x512xf32>
    %get3A_13 = vector.shape_cast %get3A_12 : vector<1x1x64x512xf32> to vector<64x512xf32>
    %get3A_14 = arith.constant 0 : index
    %get3A_15 = arith.constant 0 : index
    %get3A_16 = arith.constant 0 : index
    %get3A_17 = arith.constant 0 : index
    %get3A_18 = vector.load %arg3[%get3A_14, %get3A_15, %get3A_16, %get3A_17] : memref<1x1x64x512xf32, #tpu.memory_space<vmem>>, vector<1x1x64x512xf32>
    %get3A_19 = vector.shape_cast %get3A_18 : vector<1x1x64x512xf32> to vector<64x512xf32>
    %get3A_20 = arith.constant 0 : index
    %get3A_21 = arith.constant 0 : index
    %get3A_22 = arith.constant 0 : index
    %get3A_23 = arith.constant 0 : index
    %get3A_24 = vector.load %arg4[%get3A_20, %get3A_21, %get3A_22, %get3A_23] : memref<1x1x64x512xf32, #tpu.memory_space<vmem>>, vector<1x1x64x512xf32>
    %get3A_25 = vector.shape_cast %get3A_24 : vector<1x1x64x512xf32> to vector<64x512xf32>
    %get3A_26 = arith.constant 0 : index
    %get3A_27 = arith.constant 0 : index
    %get3A_28 = arith.constant 0 : index
    %get3A_29 = arith.constant 0 : index
    %get3A_30 = vector.load %arg5[%get3A_26, %get3A_27, %get3A_28, %get3A_29] : memref<1x1x64x512xf32, #tpu.memory_space<vmem>>, vector<1x1x64x512xf32>
    %get3A_31 = vector.shape_cast %get3A_30 : vector<1x1x64x512xf32> to vector<64x512xf32>
    %get3A_32 = arith.constant 0 : index
    %get3A_33 = arith.constant 0 : index
    %get3A_34 = arith.constant 0 : index
    %get3A_35 = arith.constant 0 : index
    %get3A_36 = vector.load %arg6[%get3A_32, %get3A_33, %get3A_34, %get3A_35] : memref<1x1x64x512xf32, #tpu.memory_space<vmem>>, vector<1x1x64x512xf32>
    %get3A_37 = vector.shape_cast %get3A_36 : vector<1x1x64x512xf32> to vector<64x512xf32>
    %get3A_38 = arith.constant 0 : index
    %get3A_39 = arith.constant 0 : index
    %get3A_40 = arith.constant 0 : index
    %get3A_41 = arith.constant 0 : index
    %get3A_42 = vector.load %arg7[%get3A_38, %get3A_39, %get3A_40, %get3A_41] : memref<1x1x64x512xf32, #tpu.memory_space<vmem>>, vector<1x1x64x512xf32>
    %get3A_43 = vector.shape_cast %get3A_42 : vector<1x1x64x512xf32> to vector<64x512xf32>
    %get3A_44 = arith.constant 0 : index
    %get3A_45 = arith.constant 0 : index
    %get3A_46 = arith.constant 0 : index
    %get3A_47 = vector.load %arg8[%get3A_44, %get3A_45, %get3A_46] : memref<1x64x512xi32, #tpu.memory_space<vmem>>, vector<1x64x512xi32>
    %get3A_48 = vector.shape_cast %get3A_47 : vector<1x64x512xi32> to vector<64x512xi32>
    %iota3A = tpu.iota {dimensions = array<i32: 1>} : vector<64x512xi32>
    %convert_element_type3A_49 = arith.sitofp %iota3A : vector<64x512xi32> to vector<64x512xf32>
    %iota3A_50 = tpu.iota {dimensions = array<i32: 0>} : vector<64x512xi32>
    %mul3A = arith.constant 64 : i32
    %mul3A_51 = arith.muli %arg1, %mul3A : i32
    %add3A = vector.broadcast %mul3A_51 : i32 to vector<64x512xi32>
    %add3A_52 = arith.addi %iota3A_50, %add3A : vector<64x512xi32>
    %convert_element_type3A_53 = arith.sitofp %add3A_52 : vector<64x512xi32> to vector<64x512xf32>
    %add3A_54 = arith.addf %convert_element_type3A_49, %get3A_13 : vector<64x512xf32>
    %add3A_55 = arith.addf %convert_element_type3A_53, %get3A_19 : vector<64x512xf32>
    %gt3A = arith.constant 0 : i32
    %gt3A_56 = vector.broadcast %gt3A : i32 to vector<64x512xi32>
    %gt3A_57 = arith.cmpi sgt, %get3A_48, %gt3A_56 : vector<64x512xi32>
    %convert_element_type3A_58 = arith.extui %gt3A_57 : vector<64x512xi1> to vector<64x512xi32>
    %convert_element_type3A_59 = arith.sitofp %convert_element_type3A_58 : vector<64x512xi32> to vector<64x512xf32>
    %sub3A = arith.subf %add3A_54, %get3A_25 : vector<64x512xf32>
    %integer_pow3A = arith.mulf %sub3A, %sub3A : vector<64x512xf32>
    %sub3A_60 = arith.subf %add3A_55, %get3A_31 : vector<64x512xf32>
    %integer_pow3A_61 = arith.mulf %sub3A_60, %sub3A_60 : vector<64x512xf32>
    %add3A_62 = arith.addf %integer_pow3A, %integer_pow3A_61 : vector<64x512xf32>
    %add3A_63 = arith.constant 9.99999993E-9 : f32
    %add3A_64 = vector.broadcast %add3A_63 : f32 to vector<64x512xf32>
    %add3A_65 = arith.addf %add3A_62, %add3A_64 : vector<64x512xf32>
    %sqrt3A = math.sqrt %add3A_65 : vector<64x512xf32>
    %get3A_66 = arith.constant 0 : index
    %get3A_67 = arith.constant 0 : index
    %get3A_68 = vector.load %arg13[%get3A_66, %get3A_67] : memref<8x512xf32, #tpu.memory_space<vmem>>, vector<1x512xf32>
    %mul3A_69 = arith.mulf %sqrt3A, %convert_element_type3A_59 : vector<64x512xf32>
    %reduce_sum3A = arith.constant dense<0.000000e+00> : vector<512xf32>
    %reduce_sum3A_70 = vector.multi_reduction <add>, %mul3A_69, %reduce_sum3A [0] : vector<64x512xf32> to vector<512xf32>
    %broadcast_in_dim3A = vector.shape_cast %reduce_sum3A_70 : vector<512xf32> to vector<1x512xf32>
    %add3A_71 = arith.addf %get3A_68, %broadcast_in_dim3A : vector<1x512xf32>
    %swap3A = arith.constant 0 : index
    %swap3A_72 = arith.constant 0 : index
    %swap3A_73 = vector.load %arg13[%swap3A, %swap3A_72] : memref<8x512xf32, #tpu.memory_space<vmem>>, vector<1x512xf32>
    tpu.vector_store %arg13[%swap3A, %swap3A_72], %add3A_71 {strides = array<i32>} : memref<8x512xf32, #tpu.memory_space<vmem>>, vector<1x512xf32>,
    %mul3A_74 = arith.mulf %get3A_13, %get3A_13 : vector<64x512xf32>
    %mul3A_75 = arith.mulf %get3A_19, %get3A_19 : vector<64x512xf32>
    %add3A_76 = arith.addf %mul3A_74, %mul3A_75 : vector<64x512xf32>
    %add3A_77 = arith.constant 9.99999996E-13 : f32
    %add3A_78 = vector.broadcast %add3A_77 : f32 to vector<64x512xf32>
    %add3A_79 = arith.addf %add3A_76, %add3A_78 : vector<64x512xf32>
    %sqrt3A_80 = math.sqrt %add3A_79 : vector<64x512xf32>
    %mul3A_81 = arith.mulf %get3A_37, %get3A_37 : vector<64x512xf32>
    %mul3A_82 = arith.mulf %get3A_43, %get3A_43 : vector<64x512xf32>
    %add3A_83 = arith.addf %mul3A_81, %mul3A_82 : vector<64x512xf32>
    %add3A_84 = arith.constant 9.99999996E-13 : f32
    %add3A_85 = vector.broadcast %add3A_84 : f32 to vector<64x512xf32>
    %add3A_86 = arith.addf %add3A_83, %add3A_85 : vector<64x512xf32>
    %sqrt3A_87 = math.sqrt %add3A_86 : vector<64x512xf32>
    %mul3A_88 = arith.mulf %get3A_13, %get3A_37 : vector<64x512xf32>
    %mul3A_89 = arith.mulf %get3A_19, %get3A_43 : vector<64x512xf32>
    %add3A_90 = arith.addf %mul3A_88, %mul3A_89 : vector<64x512xf32>
    %mul3A_91 = arith.mulf %sqrt3A_80, %sqrt3A_87 : vector<64x512xf32>
    %add3A_92 = arith.constant 9.99999993E-9 : f32
    %add3A_93 = vector.broadcast %add3A_92 : f32 to vector<64x512xf32>
    %add3A_94 = arith.addf %mul3A_91, %add3A_93 : vector<64x512xf32>
    %div3A = arith.divf %add3A_90, %add3A_94 : vector<64x512xf32>
    %get3A_95 = arith.constant 1 : index
    %get3A_96 = arith.constant 0 : index
    %get3A_97 = vector.load %arg13[%get3A_95, %get3A_96] : memref<8x512xf32, #tpu.memory_space<vmem>>, vector<1x512xf32>
    %sub3A_98 = arith.constant 1.000000e+00 : f32
    %sub3A_99 = vector.broadcast %sub3A_98 : f32 to vector<64x512xf32>
    %sub3A_100 = arith.subf %sub3A_99, %div3A : vector<64x512xf32>
    %mul3A_101 = arith.mulf %sub3A_100, %convert_element_type3A_59 : vector<64x512xf32>
    %reduce_sum3A_102 = arith.constant dense<0.000000e+00> : vector<512xf32>
    %reduce_sum3A_103 = vector.multi_reduction <add>, %mul3A_101, %reduce_sum3A_102 [0] : vector<64x512xf32> to vector<512xf32>
    %broadcast_in_dim3A_104 = vector.shape_cast %reduce_sum3A_103 : vector<512xf32> to vector<1x512xf32>
    %add3A_105 = arith.addf %get3A_97, %broadcast_in_dim3A_104 : vector<1x512xf32>
    %swap3A_106 = arith.constant 1 : index
    %swap3A_107 = arith.constant 0 : index
    %swap3A_108 = vector.load %arg13[%swap3A_106, %swap3A_107] : memref<8x512xf32, #tpu.memory_space<vmem>>, vector<1x512xf32>
    tpu.vector_store %arg13[%swap3A_106, %swap3A_107], %add3A_105 {strides = array<i32>} : memref<8x512xf32, #tpu.memory_space<vmem>>, vector<1x512xf32>,
    %get3A_109 = arith.constant 2 : index
    %get3A_110 = arith.constant 0 : index
    %get3A_111 = vector.load %arg13[%get3A_109, %get3A_110] : memref<8x512xf32, #tpu.memory_space<vmem>>, vector<1x512xf32>
    %reduce_sum3A_112 = arith.constant dense<0.000000e+00> : vector<512xf32>
    %reduce_sum3A_113 = vector.multi_reduction <add>, %convert_element_type3A_59, %reduce_sum3A_112 [0] : vector<64x512xf32> to vector<512xf32>
    %broadcast_in_dim3A_114 = vector.shape_cast %reduce_sum3A_113 : vector<512xf32> to vector<1x512xf32>
    %add3A_115 = arith.addf %get3A_111, %broadcast_in_dim3A_114 : vector<1x512xf32>
    %swap3A_116 = arith.constant 2 : index
    %swap3A_117 = arith.constant 0 : index
    %swap3A_118 = vector.load %arg13[%swap3A_116, %swap3A_117] : memref<8x512xf32, #tpu.memory_space<vmem>>, vector<1x512xf32>
    tpu.vector_store %arg13[%swap3A_116, %swap3A_117], %add3A_115 {strides = array<i32>} : memref<8x512xf32, #tpu.memory_space<vmem>>, vector<1x512xf32>,
    %eq3A_119 = arith.constant 0 : i32
    %eq3A_120 = vector.broadcast %eq3A_119 : i32 to vector<64x512xi32>
    %eq3A_121 = arith.cmpi eq, %get3A_48, %eq3A_120 : vector<64x512xi32>
    %convert_element_type3A_122 = arith.extui %eq3A_121 : vector<64x512xi1> to vector<64x512xi32>
    %convert_element_type3A_123 = arith.sitofp %convert_element_type3A_122 : vector<64x512xi32> to vector<64x512xf32>
    %get3A_124 = arith.constant 0 : index
    %get3A_125 = arith.constant 0 : index
    %get3A_126 = vector.load %arg14[%get3A_124, %get3A_125] : memref<8x512xf32, #tpu.memory_space<vmem>>, vector<1x512xf32>
    %mul3A_127 = arith.mulf %convert_element_type3A_123, %add3A_54 : vector<64x512xf32>
    %reduce_sum3A_128 = arith.constant dense<0.000000e+00> : vector<512xf32>
    %reduce_sum3A_129 = vector.multi_reduction <add>, %mul3A_127, %reduce_sum3A_128 [0] : vector<64x512xf32> to vector<512xf32>
    %broadcast_in_dim3A_130 = vector.shape_cast %reduce_sum3A_129 : vector<512xf32> to vector<1x512xf32>
    %add3A_131 = arith.addf %get3A_126, %broadcast_in_dim3A_130 : vector<1x512xf32>
    %swap3A_132 = arith.constant 0 : index
    %swap3A_133 = arith.constant 0 : index
    %swap3A_134 = vector.load %arg14[%swap3A_132, %swap3A_133] : memref<8x512xf32, #tpu.memory_space<vmem>>, vector<1x512xf32>
    tpu.vector_store %arg14[%swap3A_132, %swap3A_133], %add3A_131 {strides = array<i32>} : memref<8x512xf32, #tpu.memory_space<vmem>>, vector<1x512xf32>,
    %get3A_135 = arith.constant 0 : index
    %get3A_136 = arith.constant 0 : index
    %get3A_137 = vector.load %arg15[%get3A_135, %get3A_136] : memref<8x512xf32, #tpu.memory_space<vmem>>, vector<1x512xf32>
    %mul3A_138 = arith.mulf %convert_element_type3A_123, %add3A_55 : vector<64x512xf32>
    %reduce_sum3A_139 = arith.constant dense<0.000000e+00> : vector<512xf32>
    %reduce_sum3A_140 = vector.multi_reduction <add>, %mul3A_138, %reduce_sum3A_139 [0] : vector<64x512xf32> to vector<512xf32>
    %broadcast_in_dim3A_141 = vector.shape_cast %reduce_sum3A_140 : vector<512xf32> to vector<1x512xf32>
    %add3A_142 = arith.addf %get3A_137, %broadcast_in_dim3A_141 : vector<1x512xf32>
    %swap3A_143 = arith.constant 0 : index
    %swap3A_144 = arith.constant 0 : index
    %swap3A_145 = vector.load %arg15[%swap3A_143, %swap3A_144] : memref<8x512xf32, #tpu.memory_space<vmem>>, vector<1x512xf32>
    tpu.vector_store %arg15[%swap3A_143, %swap3A_144], %add3A_142 {strides = array<i32>} : memref<8x512xf32, #tpu.memory_space<vmem>>, vector<1x512xf32>,
    %get3A_146 = arith.constant 0 : index
    %get3A_147 = arith.constant 0 : index
    %get3A_148 = vector.load %arg16[%get3A_146, %get3A_147] : memref<8x512xf32, #tpu.memory_space<vmem>>, vector<1x512xf32>
    %reduce_sum3A_149 = arith.constant dense<0.000000e+00> : vector<512xf32>
    %reduce_sum3A_150 = vector.multi_reduction <add>, %convert_element_type3A_123, %reduce_sum3A_149 [0] : vector<64x512xf32> to vector<512xf32>
    %broadcast_in_dim3A_151 = vector.shape_cast %reduce_sum3A_150 : vector<512xf32> to vector<1x512xf32>
    %add3A_152 = arith.addf %get3A_148, %broadcast_in_dim3A_151 : vector<1x512xf32>
    %swap3A_153 = arith.constant 0 : index
    %swap3A_154 = arith.constant 0 : index
    %swap3A_155 = vector.load %arg16[%swap3A_153, %swap3A_154] : memref<8x512xf32, #tpu.memory_space<vmem>>, vector<1x512xf32>
    tpu.vector_store %arg16[%swap3A_153, %swap3A_154], %add3A_152 {strides = array<i32>} : memref<8x512xf32, #tpu.memory_space<vmem>>, vector<1x512xf32>,
    %eq3A_156 = arith.constant 1 : i32
    %eq3A_157 = vector.broadcast %eq3A_156 : i32 to vector<64x512xi32>
    %eq3A_158 = arith.cmpi eq, %get3A_48, %eq3A_157 : vector<64x512xi32>
    %convert_element_type3A_159 = arith.extui %eq3A_158 : vector<64x512xi1> to vector<64x512xi32>
    %convert_element_type3A_160 = arith.sitofp %convert_element_type3A_159 : vector<64x512xi32> to vector<64x512xf32>
    %get3A_161 = arith.constant 1 : index
    %get3A_162 = arith.constant 0 : index
    %get3A_163 = vector.load %arg14[%get3A_161, %get3A_162] : memref<8x512xf32, #tpu.memory_space<vmem>>, vector<1x512xf32>
    %mul3A_164 = arith.mulf %convert_element_type3A_160, %add3A_54 : vector<64x512xf32>
    %reduce_sum3A_165 = arith.constant dense<0.000000e+00> : vector<512xf32>
    %reduce_sum3A_166 = vector.multi_reduction <add>, %mul3A_164, %reduce_sum3A_165 [0] : vector<64x512xf32> to vector<512xf32>
    %broadcast_in_dim3A_167 = vector.shape_cast %reduce_sum3A_166 : vector<512xf32> to vector<1x512xf32>
    %add3A_168 = arith.addf %get3A_163, %broadcast_in_dim3A_167 : vector<1x512xf32>
    %swap3A_169 = arith.constant 1 : index
    %swap3A_170 = arith.constant 0 : index
    %swap3A_171 = vector.load %arg14[%swap3A_169, %swap3A_170] : memref<8x512xf32, #tpu.memory_space<vmem>>, vector<1x512xf32>
    tpu.vector_store %arg14[%swap3A_169, %swap3A_170], %add3A_168 {strides = array<i32>} : memref<8x512xf32, #tpu.memory_space<vmem>>, vector<1x512xf32>,
    %get3A_172 = arith.constant 1 : index
    %get3A_173 = arith.constant 0 : index
    %get3A_174 = vector.load %arg15[%get3A_172, %get3A_173] : memref<8x512xf32, #tpu.memory_space<vmem>>, vector<1x512xf32>
    %mul3A_175 = arith.mulf %convert_element_type3A_160, %add3A_55 : vector<64x512xf32>
    %reduce_sum3A_176 = arith.constant dense<0.000000e+00> : vector<512xf32>
    %reduce_sum3A_177 = vector.multi_reduction <add>, %mul3A_175, %reduce_sum3A_176 [0] : vector<64x512xf32> to vector<512xf32>
    %broadcast_in_dim3A_178 = vector.shape_cast %reduce_sum3A_177 : vector<512xf32> to vector<1x512xf32>
    %add3A_179 = arith.addf %get3A_174, %broadcast_in_dim3A_178 : vector<1x512xf32>
    %swap3A_180 = arith.constant 1 : index
    %swap3A_181 = arith.constant 0 : index
    %swap3A_182 = vector.load %arg15[%swap3A_180, %swap3A_181] : memref<8x512xf32, #tpu.memory_space<vmem>>, vector<1x512xf32>
    tpu.vector_store %arg15[%swap3A_180, %swap3A_181], %add3A_179 {strides = array<i32>} : memref<8x512xf32, #tpu.memory_space<vmem>>, vector<1x512xf32>,
    %get3A_183 = arith.constant 1 : index
    %get3A_184 = arith.constant 0 : index
    %get3A_185 = vector.load %arg16[%get3A_183, %get3A_184] : memref<8x512xf32, #tpu.memory_space<vmem>>, vector<1x512xf32>
    %reduce_sum3A_186 = arith.constant dense<0.000000e+00> : vector<512xf32>
    %reduce_sum3A_187 = vector.multi_reduction <add>, %convert_element_type3A_160, %reduce_sum3A_186 [0] : vector<64x512xf32> to vector<512xf32>
    %broadcast_in_dim3A_188 = vector.shape_cast %reduce_sum3A_187 : vector<512xf32> to vector<1x512xf32>
    %add3A_189 = arith.addf %get3A_185, %broadcast_in_dim3A_188 : vector<1x512xf32>
    %swap3A_190 = arith.constant 1 : index
    %swap3A_191 = arith.constant 0 : index
    %swap3A_192 = vector.load %arg16[%swap3A_190, %swap3A_191] : memref<8x512xf32, #tpu.memory_space<vmem>>, vector<1x512xf32>
    tpu.vector_store %arg16[%swap3A_190, %swap3A_191], %add3A_189 {strides = array<i32>} : memref<8x512xf32, #tpu.memory_space<vmem>>, vector<1x512xf32>,
    %eq3A_193 = arith.constant 2 : i32
    %eq3A_194 = vector.broadcast %eq3A_193 : i32 to vector<64x512xi32>
    %eq3A_195 = arith.cmpi eq, %get3A_48, %eq3A_194 : vector<64x512xi32>
    %convert_element_type3A_196 = arith.extui %eq3A_195 : vector<64x512xi1> to vector<64x512xi32>
    %convert_element_type3A_197 = arith.sitofp %convert_element_type3A_196 : vector<64x512xi32> to vector<64x512xf32>
    %get3A_198 = arith.constant 2 : index
    %get3A_199 = arith.constant 0 : index
    %get3A_200 = vector.load %arg14[%get3A_198, %get3A_199] : memref<8x512xf32, #tpu.memory_space<vmem>>, vector<1x512xf32>
    %mul3A_201 = arith.mulf %convert_element_type3A_197, %add3A_54 : vector<64x512xf32>
    %reduce_sum3A_202 = arith.constant dense<0.000000e+00> : vector<512xf32>
    %reduce_sum3A_203 = vector.multi_reduction <add>, %mul3A_201, %reduce_sum3A_202 [0] : vector<64x512xf32> to vector<512xf32>
    %broadcast_in_dim3A_204 = vector.shape_cast %reduce_sum3A_203 : vector<512xf32> to vector<1x512xf32>
    %add3A_205 = arith.addf %get3A_200, %broadcast_in_dim3A_204 : vector<1x512xf32>
    %swap3A_206 = arith.constant 2 : index
    %swap3A_207 = arith.constant 0 : index
    %swap3A_208 = vector.load %arg14[%swap3A_206, %swap3A_207] : memref<8x512xf32, #tpu.memory_space<vmem>>, vector<1x512xf32>
    tpu.vector_store %arg14[%swap3A_206, %swap3A_207], %add3A_205 {strides = array<i32>} : memref<8x512xf32, #tpu.memory_space<vmem>>, vector<1x512xf32>,
    %get3A_209 = arith.constant 2 : index
    %get3A_210 = arith.constant 0 : index
    %get3A_211 = vector.load %arg15[%get3A_209, %get3A_210] : memref<8x512xf32, #tpu.memory_space<vmem>>, vector<1x512xf32>
    %mul3A_212 = arith.mulf %convert_element_type3A_197, %add3A_55 : vector<64x512xf32>
    %reduce_sum3A_213 = arith.constant dense<0.000000e+00> : vector<512xf32>
    %reduce_sum3A_214 = vector.multi_reduction <add>, %mul3A_212, %reduce_sum3A_213 [0] : vector<64x512xf32> to vector<512xf32>
    %broadcast_in_dim3A_215 = vector.shape_cast %reduce_sum3A_214 : vector<512xf32> to vector<1x512xf32>
    %add3A_216 = arith.addf %get3A_211, %broadcast_in_dim3A_215 : vector<1x512xf32>
    %swap3A_217 = arith.constant 2 : index
    %swap3A_218 = arith.constant 0 : index
    %swap3A_219 = vector.load %arg15[%swap3A_217, %swap3A_218] : memref<8x512xf32, #tpu.memory_space<vmem>>, vector<1x512xf32>
    tpu.vector_store %arg15[%swap3A_217, %swap3A_218], %add3A_216 {strides = array<i32>} : memref<8x512xf32, #tpu.memory_space<vmem>>, vector<1x512xf32>,
    %get3A_220 = arith.constant 2 : index
    %get3A_221 = arith.constant 0 : index
    %get3A_222 = vector.load %arg16[%get3A_220, %get3A_221] : memref<8x512xf32, #tpu.memory_space<vmem>>, vector<1x512xf32>
    %reduce_sum3A_223 = arith.constant dense<0.000000e+00> : vector<512xf32>
    %reduce_sum3A_224 = vector.multi_reduction <add>, %convert_element_type3A_197, %reduce_sum3A_223 [0] : vector<64x512xf32> to vector<512xf32>
    %broadcast_in_dim3A_225 = vector.shape_cast %reduce_sum3A_224 : vector<512xf32> to vector<1x512xf32>
    %add3A_226 = arith.addf %get3A_222, %broadcast_in_dim3A_225 : vector<1x512xf32>
    %swap3A_227 = arith.constant 2 : index
    %swap3A_228 = arith.constant 0 : index
    %swap3A_229 = vector.load %arg16[%swap3A_227, %swap3A_228] : memref<8x512xf32, #tpu.memory_space<vmem>>, vector<1x512xf32>
    tpu.vector_store %arg16[%swap3A_227, %swap3A_228], %add3A_226 {strides = array<i32>} : memref<8x512xf32, #tpu.memory_space<vmem>>, vector<1x512xf32>,
    %eq3A_230 = arith.constant 3 : i32
    %eq3A_231 = vector.broadcast %eq3A_230 : i32 to vector<64x512xi32>
    %eq3A_232 = arith.cmpi eq, %get3A_48, %eq3A_231 : vector<64x512xi32>
    %convert_element_type3A_233 = arith.extui %eq3A_232 : vector<64x512xi1> to vector<64x512xi32>
    %convert_element_type3A_234 = arith.sitofp %convert_element_type3A_233 : vector<64x512xi32> to vector<64x512xf32>
    %get3A_235 = arith.constant 3 : index
    %get3A_236 = arith.constant 0 : index
    %get3A_237 = vector.load %arg14[%get3A_235, %get3A_236] : memref<8x512xf32, #tpu.memory_space<vmem>>, vector<1x512xf32>
    %mul3A_238 = arith.mulf %convert_element_type3A_234, %add3A_54 : vector<64x512xf32>
    %reduce_sum3A_239 = arith.constant dense<0.000000e+00> : vector<512xf32>
    %reduce_sum3A_240 = vector.multi_reduction <add>, %mul3A_238, %reduce_sum3A_239 [0] : vector<64x512xf32> to vector<512xf32>
    %broadcast_in_dim3A_241 = vector.shape_cast %reduce_sum3A_240 : vector<512xf32> to vector<1x512xf32>
    %add3A_242 = arith.addf %get3A_237, %broadcast_in_dim3A_241 : vector<1x512xf32>
    %swap3A_243 = arith.constant 3 : index
    %swap3A_244 = arith.constant 0 : index
    %swap3A_245 = vector.load %arg14[%swap3A_243, %swap3A_244] : memref<8x512xf32, #tpu.memory_space<vmem>>, vector<1x512xf32>
    tpu.vector_store %arg14[%swap3A_243, %swap3A_244], %add3A_242 {strides = array<i32>} : memref<8x512xf32, #tpu.memory_space<vmem>>, vector<1x512xf32>,
    %get3A_246 = arith.constant 3 : index
    %get3A_247 = arith.constant 0 : index
    %get3A_248 = vector.load %arg15[%get3A_246, %get3A_247] : memref<8x512xf32, #tpu.memory_space<vmem>>, vector<1x512xf32>
    %mul3A_249 = arith.mulf %convert_element_type3A_234, %add3A_55 : vector<64x512xf32>
    %reduce_sum3A_250 = arith.constant dense<0.000000e+00> : vector<512xf32>
    %reduce_sum3A_251 = vector.multi_reduction <add>, %mul3A_249, %reduce_sum3A_250 [0] : vector<64x512xf32> to vector<512xf32>
    %broadcast_in_dim3A_252 = vector.shape_cast %reduce_sum3A_251 : vector<512xf32> to vector<1x512xf32>
    %add3A_253 = arith.addf %get3A_248, %broadcast_in_dim3A_252 : vector<1x512xf32>
    %swap3A_254 = arith.constant 3 : index
    %swap3A_255 = arith.constant 0 : index
    %swap3A_256 = vector.load %arg15[%swap3A_254, %swap3A_255] : memref<8x512xf32, #tpu.memory_space<vmem>>, vector<1x512xf32>
    tpu.vector_store %arg15[%swap3A_254, %swap3A_255], %add3A_253 {strides = array<i32>} : memref<8x512xf32, #tpu.memory_space<vmem>>, vector<1x512xf32>,
    %get3A_257 = arith.constant 3 : index
    %get3A_258 = arith.constant 0 : index
    %get3A_259 = vector.load %arg16[%get3A_257, %get3A_258] : memref<8x512xf32, #tpu.memory_space<vmem>>, vector<1x512xf32>
    %reduce_sum3A_260 = arith.constant dense<0.000000e+00> : vector<512xf32>
    %reduce_sum3A_261 = vector.multi_reduction <add>, %convert_element_type3A_234, %reduce_sum3A_260 [0] : vector<64x512xf32> to vector<512xf32>
    %broadcast_in_dim3A_262 = vector.shape_cast %reduce_sum3A_261 : vector<512xf32> to vector<1x512xf32>
    %add3A_263 = arith.addf %get3A_259, %broadcast_in_dim3A_262 : vector<1x512xf32>
    %swap3A_264 = arith.constant 3 : index
    %swap3A_265 = arith.constant 0 : index
    %swap3A_266 = vector.load %arg16[%swap3A_264, %swap3A_265] : memref<8x512xf32, #tpu.memory_space<vmem>>, vector<1x512xf32>
    tpu.vector_store %arg16[%swap3A_264, %swap3A_265], %add3A_263 {strides = array<i32>} : memref<8x512xf32, #tpu.memory_space<vmem>>, vector<1x512xf32>,
    %eq3A_267 = arith.constant 4 : i32
    %eq3A_268 = vector.broadcast %eq3A_267 : i32 to vector<64x512xi32>
    %eq3A_269 = arith.cmpi eq, %get3A_48, %eq3A_268 : vector<64x512xi32>
    %convert_element_type3A_270 = arith.extui %eq3A_269 : vector<64x512xi1> to vector<64x512xi32>
    %convert_element_type3A_271 = arith.sitofp %convert_element_type3A_270 : vector<64x512xi32> to vector<64x512xf32>
    %get3A_272 = arith.constant 4 : index
    %get3A_273 = arith.constant 0 : index
    %get3A_274 = vector.load %arg14[%get3A_272, %get3A_273] : memref<8x512xf32, #tpu.memory_space<vmem>>, vector<1x512xf32>
    %mul3A_275 = arith.mulf %convert_element_type3A_271, %add3A_54 : vector<64x512xf32>
    %reduce_sum3A_276 = arith.constant dense<0.000000e+00> : vector<512xf32>
    %reduce_sum3A_277 = vector.multi_reduction <add>, %mul3A_275, %reduce_sum3A_276 [0] : vector<64x512xf32> to vector<512xf32>
    %broadcast_in_dim3A_278 = vector.shape_cast %reduce_sum3A_277 : vector<512xf32> to vector<1x512xf32>
    %add3A_279 = arith.addf %get3A_274, %broadcast_in_dim3A_278 : vector<1x512xf32>
    %swap3A_280 = arith.constant 4 : index
    %swap3A_281 = arith.constant 0 : index
    %swap3A_282 = vector.load %arg14[%swap3A_280, %swap3A_281] : memref<8x512xf32, #tpu.memory_space<vmem>>, vector<1x512xf32>
    tpu.vector_store %arg14[%swap3A_280, %swap3A_281], %add3A_279 {strides = array<i32>} : memref<8x512xf32, #tpu.memory_space<vmem>>, vector<1x512xf32>,
    %get3A_283 = arith.constant 4 : index
    %get3A_284 = arith.constant 0 : index
    %get3A_285 = vector.load %arg15[%get3A_283, %get3A_284] : memref<8x512xf32, #tpu.memory_space<vmem>>, vector<1x512xf32>
    %mul3A_286 = arith.mulf %convert_element_type3A_271, %add3A_55 : vector<64x512xf32>
    %reduce_sum3A_287 = arith.constant dense<0.000000e+00> : vector<512xf32>
    %reduce_sum3A_288 = vector.multi_reduction <add>, %mul3A_286, %reduce_sum3A_287 [0] : vector<64x512xf32> to vector<512xf32>
    %broadcast_in_dim3A_289 = vector.shape_cast %reduce_sum3A_288 : vector<512xf32> to vector<1x512xf32>
    %add3A_290 = arith.addf %get3A_285, %broadcast_in_dim3A_289 : vector<1x512xf32>
    %swap3A_291 = arith.constant 4 : index
    %swap3A_292 = arith.constant 0 : index
    %swap3A_293 = vector.load %arg15[%swap3A_291, %swap3A_292] : memref<8x512xf32, #tpu.memory_space<vmem>>, vector<1x512xf32>
    tpu.vector_store %arg15[%swap3A_291, %swap3A_292], %add3A_290 {strides = array<i32>} : memref<8x512xf32, #tpu.memory_space<vmem>>, vector<1x512xf32>,
    %get3A_294 = arith.constant 4 : index
    %get3A_295 = arith.constant 0 : index
    %get3A_296 = vector.load %arg16[%get3A_294, %get3A_295] : memref<8x512xf32, #tpu.memory_space<vmem>>, vector<1x512xf32>
    %reduce_sum3A_297 = arith.constant dense<0.000000e+00> : vector<512xf32>
    %reduce_sum3A_298 = vector.multi_reduction <add>, %convert_element_type3A_271, %reduce_sum3A_297 [0] : vector<64x512xf32> to vector<512xf32>
    %broadcast_in_dim3A_299 = vector.shape_cast %reduce_sum3A_298 : vector<512xf32> to vector<1x512xf32>
    %add3A_300 = arith.addf %get3A_296, %broadcast_in_dim3A_299 : vector<1x512xf32>
    %swap3A_301 = arith.constant 4 : index
    %swap3A_302 = arith.constant 0 : index
    %swap3A_303 = vector.load %arg16[%swap3A_301, %swap3A_302] : memref<8x512xf32, #tpu.memory_space<vmem>>, vector<1x512xf32>
    tpu.vector_store %arg16[%swap3A_301, %swap3A_302], %add3A_300 {strides = array<i32>} : memref<8x512xf32, #tpu.memory_space<vmem>>, vector<1x512xf32>,
    %eq3A_304 = arith.constant 5 : i32
    %eq3A_305 = vector.broadcast %eq3A_304 : i32 to vector<64x512xi32>
    %eq3A_306 = arith.cmpi eq, %get3A_48, %eq3A_305 : vector<64x512xi32>
    %convert_element_type3A_307 = arith.extui %eq3A_306 : vector<64x512xi1> to vector<64x512xi32>
    %convert_element_type3A_308 = arith.sitofp %convert_element_type3A_307 : vector<64x512xi32> to vector<64x512xf32>
    %get3A_309 = arith.constant 5 : index
    %get3A_310 = arith.constant 0 : index
    %get3A_311 = vector.load %arg14[%get3A_309, %get3A_310] : memref<8x512xf32, #tpu.memory_space<vmem>>, vector<1x512xf32>
    %mul3A_312 = arith.mulf %convert_element_type3A_308, %add3A_54 : vector<64x512xf32>
    %reduce_sum3A_313 = arith.constant dense<0.000000e+00> : vector<512xf32>
    %reduce_sum3A_314 = vector.multi_reduction <add>, %mul3A_312, %reduce_sum3A_313 [0] : vector<64x512xf32> to vector<512xf32>
    %broadcast_in_dim3A_315 = vector.shape_cast %reduce_sum3A_314 : vector<512xf32> to vector<1x512xf32>
    %add3A_316 = arith.addf %get3A_311, %broadcast_in_dim3A_315 : vector<1x512xf32>
    %swap3A_317 = arith.constant 5 : index
    %swap3A_318 = arith.constant 0 : index
    %swap3A_319 = vector.load %arg14[%swap3A_317, %swap3A_318] : memref<8x512xf32, #tpu.memory_space<vmem>>, vector<1x512xf32>
    tpu.vector_store %arg14[%swap3A_317, %swap3A_318], %add3A_316 {strides = array<i32>} : memref<8x512xf32, #tpu.memory_space<vmem>>, vector<1x512xf32>,
    %get3A_320 = arith.constant 5 : index
    %get3A_321 = arith.constant 0 : index
    %get3A_322 = vector.load %arg15[%get3A_320, %get3A_321] : memref<8x512xf32, #tpu.memory_space<vmem>>, vector<1x512xf32>
    %mul3A_323 = arith.mulf %convert_element_type3A_308, %add3A_55 : vector<64x512xf32>
    %reduce_sum3A_324 = arith.constant dense<0.000000e+00> : vector<512xf32>
    %reduce_sum3A_325 = vector.multi_reduction <add>, %mul3A_323, %reduce_sum3A_324 [0] : vector<64x512xf32> to vector<512xf32>
    %broadcast_in_dim3A_326 = vector.shape_cast %reduce_sum3A_325 : vector<512xf32> to vector<1x512xf32>
    %add3A_327 = arith.addf %get3A_322, %broadcast_in_dim3A_326 : vector<1x512xf32>
    %swap3A_328 = arith.constant 5 : index
    %swap3A_329 = arith.constant 0 : index
    %swap3A_330 = vector.load %arg15[%swap3A_328, %swap3A_329] : memref<8x512xf32, #tpu.memory_space<vmem>>, vector<1x512xf32>
    tpu.vector_store %arg15[%swap3A_328, %swap3A_329], %add3A_327 {strides = array<i32>} : memref<8x512xf32, #tpu.memory_space<vmem>>, vector<1x512xf32>,
    %get3A_331 = arith.constant 5 : index
    %get3A_332 = arith.constant 0 : index
    %get3A_333 = vector.load %arg16[%get3A_331, %get3A_332] : memref<8x512xf32, #tpu.memory_space<vmem>>, vector<1x512xf32>
    %reduce_sum3A_334 = arith.constant dense<0.000000e+00> : vector<512xf32>
    %reduce_sum3A_335 = vector.multi_reduction <add>, %convert_element_type3A_308, %reduce_sum3A_334 [0] : vector<64x512xf32> to vector<512xf32>
    %broadcast_in_dim3A_336 = vector.shape_cast %reduce_sum3A_335 : vector<512xf32> to vector<1x512xf32>
    %add3A_337 = arith.addf %get3A_333, %broadcast_in_dim3A_336 : vector<1x512xf32>
    %swap3A_338 = arith.constant 5 : index
    %swap3A_339 = arith.constant 0 : index
    %swap3A_340 = vector.load %arg16[%swap3A_338, %swap3A_339] : memref<8x512xf32, #tpu.memory_space<vmem>>, vector<1x512xf32>
    tpu.vector_store %arg16[%swap3A_338, %swap3A_339], %add3A_337 {strides = array<i32>} : memref<8x512xf32, #tpu.memory_space<vmem>>, vector<1x512xf32>,
    %eq3A_341 = arith.constant 6 : i32
    %eq3A_342 = vector.broadcast %eq3A_341 : i32 to vector<64x512xi32>
    %eq3A_343 = arith.cmpi eq, %get3A_48, %eq3A_342 : vector<64x512xi32>
    %convert_element_type3A_344 = arith.extui %eq3A_343 : vector<64x512xi1> to vector<64x512xi32>
    %convert_element_type3A_345 = arith.sitofp %convert_element_type3A_344 : vector<64x512xi32> to vector<64x512xf32>
    %get3A_346 = arith.constant 6 : index
    %get3A_347 = arith.constant 0 : index
    %get3A_348 = vector.load %arg14[%get3A_346, %get3A_347] : memref<8x512xf32, #tpu.memory_space<vmem>>, vector<1x512xf32>
    %mul3A_349 = arith.mulf %convert_element_type3A_345, %add3A_54 : vector<64x512xf32>
    %reduce_sum3A_350 = arith.constant dense<0.000000e+00> : vector<512xf32>
    %reduce_sum3A_351 = vector.multi_reduction <add>, %mul3A_349, %reduce_sum3A_350 [0] : vector<64x512xf32> to vector<512xf32>
    %broadcast_in_dim3A_352 = vector.shape_cast %reduce_sum3A_351 : vector<512xf32> to vector<1x512xf32>
    %add3A_353 = arith.addf %get3A_348, %broadcast_in_dim3A_352 : vector<1x512xf32>
    %swap3A_354 = arith.constant 6 : index
    %swap3A_355 = arith.constant 0 : index
    %swap3A_356 = vector.load %arg14[%swap3A_354, %swap3A_355] : memref<8x512xf32, #tpu.memory_space<vmem>>, vector<1x512xf32>
    tpu.vector_store %arg14[%swap3A_354, %swap3A_355], %add3A_353 {strides = array<i32>} : memref<8x512xf32, #tpu.memory_space<vmem>>, vector<1x512xf32>,
    %get3A_357 = arith.constant 6 : index
    %get3A_358 = arith.constant 0 : index
    %get3A_359 = vector.load %arg15[%get3A_357, %get3A_358] : memref<8x512xf32, #tpu.memory_space<vmem>>, vector<1x512xf32>
    %mul3A_360 = arith.mulf %convert_element_type3A_345, %add3A_55 : vector<64x512xf32>
    %reduce_sum3A_361 = arith.constant dense<0.000000e+00> : vector<512xf32>
    %reduce_sum3A_362 = vector.multi_reduction <add>, %mul3A_360, %reduce_sum3A_361 [0] : vector<64x512xf32> to vector<512xf32>
    %broadcast_in_dim3A_363 = vector.shape_cast %reduce_sum3A_362 : vector<512xf32> to vector<1x512xf32>
    %add3A_364 = arith.addf %get3A_359, %broadcast_in_dim3A_363 : vector<1x512xf32>
    %swap3A_365 = arith.constant 6 : index
    %swap3A_366 = arith.constant 0 : index
    %swap3A_367 = vector.load %arg15[%swap3A_365, %swap3A_366] : memref<8x512xf32, #tpu.memory_space<vmem>>, vector<1x512xf32>
    tpu.vector_store %arg15[%swap3A_365, %swap3A_366], %add3A_364 {strides = array<i32>} : memref<8x512xf32, #tpu.memory_space<vmem>>, vector<1x512xf32>,
    %get3A_368 = arith.constant 6 : index
    %get3A_369 = arith.constant 0 : index
    %get3A_370 = vector.load %arg16[%get3A_368, %get3A_369] : memref<8x512xf32, #tpu.memory_space<vmem>>, vector<1x512xf32>
    %reduce_sum3A_371 = arith.constant dense<0.000000e+00> : vector<512xf32>
    %reduce_sum3A_372 = vector.multi_reduction <add>, %convert_element_type3A_345, %reduce_sum3A_371 [0] : vector<64x512xf32> to vector<512xf32>
    %broadcast_in_dim3A_373 = vector.shape_cast %reduce_sum3A_372 : vector<512xf32> to vector<1x512xf32>
    %add3A_374 = arith.addf %get3A_370, %broadcast_in_dim3A_373 : vector<1x512xf32>
    %swap3A_375 = arith.constant 6 : index
    %swap3A_376 = arith.constant 0 : index
    %swap3A_377 = vector.load %arg16[%swap3A_375, %swap3A_376] : memref<8x512xf32, #tpu.memory_space<vmem>>, vector<1x512xf32>
    tpu.vector_store %arg16[%swap3A_375, %swap3A_376], %add3A_374 {strides = array<i32>} : memref<8x512xf32, #tpu.memory_space<vmem>>, vector<1x512xf32>,
    %eq3A_378 = arith.constant 7 : i32
    %eq3A_379 = vector.broadcast %eq3A_378 : i32 to vector<64x512xi32>
    %eq3A_380 = arith.cmpi eq, %get3A_48, %eq3A_379 : vector<64x512xi32>
    %convert_element_type3A_381 = arith.extui %eq3A_380 : vector<64x512xi1> to vector<64x512xi32>
    %convert_element_type3A_382 = arith.sitofp %convert_element_type3A_381 : vector<64x512xi32> to vector<64x512xf32>
    %get3A_383 = arith.constant 7 : index
    %get3A_384 = arith.constant 0 : index
    %get3A_385 = vector.load %arg14[%get3A_383, %get3A_384] : memref<8x512xf32, #tpu.memory_space<vmem>>, vector<1x512xf32>
    %mul3A_386 = arith.mulf %convert_element_type3A_382, %add3A_54 : vector<64x512xf32>
    %reduce_sum3A_387 = arith.constant dense<0.000000e+00> : vector<512xf32>
    %reduce_sum3A_388 = vector.multi_reduction <add>, %mul3A_386, %reduce_sum3A_387 [0] : vector<64x512xf32> to vector<512xf32>
    %broadcast_in_dim3A_389 = vector.shape_cast %reduce_sum3A_388 : vector<512xf32> to vector<1x512xf32>
    %add3A_390 = arith.addf %get3A_385, %broadcast_in_dim3A_389 : vector<1x512xf32>
    %swap3A_391 = arith.constant 7 : index
    %swap3A_392 = arith.constant 0 : index
    %swap3A_393 = vector.load %arg14[%swap3A_391, %swap3A_392] : memref<8x512xf32, #tpu.memory_space<vmem>>, vector<1x512xf32>
    tpu.vector_store %arg14[%swap3A_391, %swap3A_392], %add3A_390 {strides = array<i32>} : memref<8x512xf32, #tpu.memory_space<vmem>>, vector<1x512xf32>,
    %get3A_394 = arith.constant 7 : index
    %get3A_395 = arith.constant 0 : index
    %get3A_396 = vector.load %arg15[%get3A_394, %get3A_395] : memref<8x512xf32, #tpu.memory_space<vmem>>, vector<1x512xf32>
    %mul3A_397 = arith.mulf %convert_element_type3A_382, %add3A_55 : vector<64x512xf32>
    %reduce_sum3A_398 = arith.constant dense<0.000000e+00> : vector<512xf32>
    %reduce_sum3A_399 = vector.multi_reduction <add>, %mul3A_397, %reduce_sum3A_398 [0] : vector<64x512xf32> to vector<512xf32>
    %broadcast_in_dim3A_400 = vector.shape_cast %reduce_sum3A_399 : vector<512xf32> to vector<1x512xf32>
    %add3A_401 = arith.addf %get3A_396, %broadcast_in_dim3A_400 : vector<1x512xf32>
    %swap3A_402 = arith.constant 7 : index
    %swap3A_403 = arith.constant 0 : index
    %swap3A_404 = vector.load %arg15[%swap3A_402, %swap3A_403] : memref<8x512xf32, #tpu.memory_space<vmem>>, vector<1x512xf32>
    tpu.vector_store %arg15[%swap3A_402, %swap3A_403], %add3A_401 {strides = array<i32>} : memref<8x512xf32, #tpu.memory_space<vmem>>, vector<1x512xf32>,
    %get3A_405 = arith.constant 7 : index
    %get3A_406 = arith.constant 0 : index
    %get3A_407 = vector.load %arg16[%get3A_405, %get3A_406] : memref<8x512xf32, #tpu.memory_space<vmem>>, vector<1x512xf32>
    %reduce_sum3A_408 = arith.constant dense<0.000000e+00> : vector<512xf32>
    %reduce_sum3A_409 = vector.multi_reduction <add>, %convert_element_type3A_382, %reduce_sum3A_408 [0] : vector<64x512xf32> to vector<512xf32>
    %broadcast_in_dim3A_410 = vector.shape_cast %reduce_sum3A_409 : vector<512xf32> to vector<1x512xf32>
    %add3A_411 = arith.addf %get3A_407, %broadcast_in_dim3A_410 : vector<1x512xf32>
    %swap3A_412 = arith.constant 7 : index
    %swap3A_413 = arith.constant 0 : index
    %swap3A_414 = vector.load %arg16[%swap3A_412, %swap3A_413] : memref<8x512xf32, #tpu.memory_space<vmem>>, vector<1x512xf32>
    tpu.vector_store %arg16[%swap3A_412, %swap3A_413], %add3A_411 {strides = array<i32>} : memref<8x512xf32, #tpu.memory_space<vmem>>, vector<1x512xf32>,
    %eq3A_415 = arith.constant 7 : i32
    %eq3A_416 = arith.cmpi eq, %arg1, %eq3A_415 : i32
    %convert_element_type3A_417 = arith.extui %eq3A_416 : i1 to i32
    %cond3A_418 = arith.constant 0 : i32
    %cond3A_419 = arith.cmpi ne, %convert_element_type3A_417, %cond3A_418 : i32
    scf.if %cond3A_419 {
      %get3A_428 = arith.constant 0 : index
      %get3A_429 = arith.constant 0 : index
      %get3A_430 = vector.load %arg14[%get3A_428, %get3A_429] : memref<8x512xf32, #tpu.memory_space<vmem>>, vector<8x512xf32>
      %swap3A_431 = arith.constant 0 : index
      %swap3A_432 = arith.constant 0 : index
      %swap3A_433 = arith.constant 0 : index
      %swap3A_434 = vector.load %arg10[%swap3A_431, %swap3A_432, %swap3A_433] : memref<1x8x512xf32, #tpu.memory_space<vmem>>, vector<1x8x512xf32>
      %swap3A_435 = vector.shape_cast %swap3A_434 : vector<1x8x512xf32> to vector<8x512xf32>
      %swap3A_436 = vector.shape_cast %get3A_430 : vector<8x512xf32> to vector<1x8x512xf32>
      tpu.vector_store %arg10[%swap3A_431, %swap3A_432, %swap3A_433], %swap3A_436 {strides = array<i32>} : memref<1x8x512xf32, #tpu.memory_space<vmem>>, vector<1x8x512xf32>,
      %get3A_437 = arith.constant 0 : index
      %get3A_438 = arith.constant 0 : index
      %get3A_439 = vector.load %arg15[%get3A_437, %get3A_438] : memref<8x512xf32, #tpu.memory_space<vmem>>, vector<8x512xf32>
      %swap3A_440 = arith.constant 0 : index
      %swap3A_441 = arith.constant 0 : index
      %swap3A_442 = arith.constant 0 : index
      %swap3A_443 = vector.load %arg11[%swap3A_440, %swap3A_441, %swap3A_442] : memref<1x8x512xf32, #tpu.memory_space<vmem>>, vector<1x8x512xf32>
      %swap3A_444 = vector.shape_cast %swap3A_443 : vector<1x8x512xf32> to vector<8x512xf32>
      %swap3A_445 = vector.shape_cast %get3A_439 : vector<8x512xf32> to vector<1x8x512xf32>
      tpu.vector_store %arg11[%swap3A_440, %swap3A_441, %swap3A_442], %swap3A_445 {strides = array<i32>} : memref<1x8x512xf32, #tpu.memory_space<vmem>>, vector<1x8x512xf32>,
      %get3A_446 = arith.constant 0 : index
      %get3A_447 = arith.constant 0 : index
      %get3A_448 = vector.load %arg16[%get3A_446, %get3A_447] : memref<8x512xf32, #tpu.memory_space<vmem>>, vector<8x512xf32>
      %swap3A_449 = arith.constant 0 : index
      %swap3A_450 = arith.constant 0 : index
      %swap3A_451 = arith.constant 0 : index
      %swap3A_452 = vector.load %arg12[%swap3A_449, %swap3A_450, %swap3A_451] : memref<1x8x512xf32, #tpu.memory_space<vmem>>, vector<1x8x512xf32>
      %swap3A_453 = vector.shape_cast %swap3A_452 : vector<1x8x512xf32> to vector<8x512xf32>
      %swap3A_454 = vector.shape_cast %get3A_448 : vector<8x512xf32> to vector<1x8x512xf32>
      tpu.vector_store %arg12[%swap3A_449, %swap3A_450, %swap3A_451], %swap3A_454 {strides = array<i32>} : memref<1x8x512xf32, #tpu.memory_space<vmem>>, vector<1x8x512xf32>,
    } else {
    }
    %eq3A_420 = arith.constant 3 : i32
    %eq3A_421 = arith.cmpi eq, %arg0, %eq3A_420 : i32
    %eq3A_422 = arith.constant 7 : i32
    %eq3A_423 = arith.cmpi eq, %arg1, %eq3A_422 : i32
    %and3A_424 = arith.andi %eq3A_421, %eq3A_423 : i1
    %convert_element_type3A_425 = arith.extui %and3A_424 : i1 to i32
    %cond3A_426 = arith.constant 0 : i32
    %cond3A_427 = arith.cmpi ne, %convert_element_type3A_425, %cond3A_426 : i32
    scf.if %cond3A_427 {
      %get3A_428 = arith.constant 0 : index
      %get3A_429 = arith.constant 0 : index
      %get3A_430 = vector.load %arg13[%get3A_428, %get3A_429] : memref<8x512xf32, #tpu.memory_space<vmem>>, vector<8x512xf32>
      %swap3A_431 = arith.constant 0 : index
      %swap3A_432 = arith.constant 0 : index
      %swap3A_433 = vector.load %arg9[%swap3A_431, %swap3A_432] : memref<8x512xf32, #tpu.memory_space<vmem>>, vector<8x512xf32>
      tpu.vector_store %arg9[%swap3A_431, %swap3A_432], %get3A_430 {strides = array<i32>} : memref<8x512xf32, #tpu.memory_space<vmem>>, vector<8x512xf32>,
    } else {
    }
    return
  }
  func.func @transform_0(%arg0: i32, %arg1: i32) -> (i32, i32, i32, i32) {
    %c0_i32 = arith.constant 0 : i32
    %c0_i32_0 = arith.constant 0 : i32
    %c0_i32_1 = arith.constant 0 : i32
    return %arg0, %c0_i32, %arg1, %c0_i32_0 : i32, i32, i32, i32
  }
  func.func @transform_1(%arg0: i32, %arg1: i32) -> (i32, i32, i32, i32) {
    %c1_i32 = arith.constant 1 : i32
    %c0_i32 = arith.constant 0 : i32
    %c0_i32_0 = arith.constant 0 : i32
    return %arg0, %c1_i32, %arg1, %c0_i32 : i32, i32, i32, i32
  }
  func.func @transform_2(%arg0: i32, %arg1: i32) -> (i32, i32, i32, i32) {
    %c0_i32 = arith.constant 0 : i32
    %c0_i32_0 = arith.constant 0 : i32
    %c0_i32_1 = arith.constant 0 : i32
    return %arg0, %c0_i32, %arg1, %c0_i32_0 : i32, i32, i32, i32
  }
  func.func @transform_3(%arg0: i32, %arg1: i32) -> (i32, i32, i32, i32) {
    %c1_i32 = arith.constant 1 : i32
    %c0_i32 = arith.constant 0 : i32
    %c0_i32_0 = arith.constant 0 : i32
    return %arg0, %c1_i32, %arg1, %c0_i32 : i32, i32, i32, i32
  }
  func.func @transform_4(%arg0: i32, %arg1: i32) -> (i32, i32, i32, i32) {
    %c0_i32 = arith.constant 0 : i32
    %c0_i32_0 = arith.constant 0 : i32
    %c0_i32_1 = arith.constant 0 : i32
    return %arg0, %c0_i32, %arg1, %c0_i32_0 : i32, i32, i32, i32
  }
  func.func @transform_5(%arg0: i32, %arg1: i32) -> (i32, i32, i32, i32) {
    %c1_i32 = arith.constant 1 : i32
    %c0_i32 = arith.constant 0 : i32
    %c0_i32_0 = arith.constant 0 : i32
    return %arg0, %c1_i32, %arg1, %c0_i32 : i32, i32, i32, i32
  }
  func.func @transform_6(%arg0: i32, %arg1: i32) -> (i32, i32, i32) {
    %c0_i32 = arith.constant 0 : i32
    %c0_i32_0 = arith.constant 0 : i32
    return %arg0, %arg1, %c0_i32 : i32, i32, i32
  }
  func.func @transform_7(%arg0: i32, %arg1: i32) -> (i32, i32) {
    %c0_i32 = arith.constant 0 : i32
    %c0_i32_0 = arith.constant 0 : i32
    %c0_i32_1 = arith.constant 0 : i32
    return %c0_i32, %c0_i32_0 : i32, i32
  }
  func.func @transform_8(%arg0: i32, %arg1: i32) -> (i32, i32, i32) {
    %c0_i32 = arith.constant 0 : i32
    %c0_i32_0 = arith.constant 0 : i32
    %c0_i32_1 = arith.constant 0 : i32
    return %arg0, %c0_i32, %c0_i32_0 : i32, i32, i32
  }
  func.func @transform_9(%arg0: i32, %arg1: i32) -> (i32, i32, i32) {
    %c0_i32 = arith.constant 0 : i32
    %c0_i32_0 = arith.constant 0 : i32
    %c0_i32_1 = arith.constant 0 : i32
    return %arg0, %c0_i32, %c0_i32_0 : i32, i32, i32
  }
  func.func @transform_10(%arg0: i32, %arg1: i32) -> (i32, i32, i32) {
    %c0_i32 = arith.constant 0 : i32
    %c0_i32_0 = arith.constant 0 : i32
    %c0_i32_1 = arith.constant 0 : i32
    return %arg0, %c0_i32, %c0_i32_0 : i32, i32, i32
  }
}

</mosaic_0001>

<sc_bundles>
// kernel: kernel.4.cloned.1.call-start
scs
__scs_entry_jumppad:
0x0: {  	(pc) =	sbr.rel $0x88, $3  }
0x1: {  	(tag) =	ssettag $0x0;
	lr =	simm.s32 $0x1  }
0x2: {  	[smem:$0x3F9C] =	sst lr;
	_ =	strace $0xD0000000  }
0x3: {  	_ = 	snop  }
0x4: {  	_ = 	snop  }
0x5: {  	_ = 	snop  }
0x6: {  	_ = 	snop  }
0x7: {  	_ = 	snop  }
__scs_overlays_trampoline_lowered:
0x8: {  	[smem:$0x3FAB] =	sst s0  }
0x9: {  	[smem:$0x3FAC] =	sst s1  }
0xa: {  	[smem:$0x3FAD] =	sst s2  }
0xb: {  	[smem:$0x3FAE] =	sst s3  }
0xc: {  	[smem:$0x3FAF] =	sst s4  }
0xd: {  	[smem:$0x3FB0] =	sst s5  }
0xe: {  	[smem:$0x3FB1] =	sst s6  }
0xf: {  	[smem:$0x3FB2] =	sst s7  }
0x10: {  	[smem:$0x3FB3] =	sst s8  }
0x11: {  	[smem:$0x3FB4] =	sst s9;
	s0 =	simm.s32 @!p0 $0x0  }
0x12: {  	s1 =	sld [smem:$0x3F9A];
	s0 =	simm.s32 @p0 $0x1  }
0x13: {  	[smem:$0x3FB5] =	sst s0;
	s0 =	simm.s32 @!p1 $0x0  }
0x14: {  	s2 =	sld [smem:$0x3F99];
	s0 =	simm.s32 @p1 $0x1  }
0x15: {  	[smem:$0x3FB6] =	sst s0;
	s0 =	simm.s32 @!p2 $0x0  }
0x16: {  	s3 =	sld [smem:$0x3FDB];
	s0 =	simm.s32 @p2 $0x1  }
0x17: {  	s4 =	simm.s32 $0x1BF5;
	[smem:$0x3FB8] =	sst s0  }
0x18: {  	s0 =	sld [smem:$0x3F9B];
	_ =	swait.ge [sflag:s4], $0x0  }
0x19: {  	s7 =	sld [smem:$0x3F9C]  }
0x1a: {  	s8 =	sadd.s32 $0xFFFFE003, lr  }
0x1b: {  	s9 =	sadd.s32 $0xFFFFFEF7, lr;
	s5 =	simm.s32 $0xFFFFFFFF;
	p2 =	slt.u32 s8, $0xFFFFF086  }
0x1c: {  	p1 =	slt.u32 s9, $0xF7A;
	s5 =	simm.s32 @!p2 $0x0  }
0x1d: {  	s5 =	simm.s32 @p1 $0x1;
	p0 =	seq.s32 s7, s2  }
0x1e: {  	s7 =	smul.u32 @!p0 $0xF7A, s2;
	p2 =	seq.s32 @!p0 s5, $0x0  }
0x1f: {  	s9 =	smul.u32 $0xF7A, s1;
	s8 =	simm.s32 @!p0 $0x1BF5;
	p2 =	por !p2, p0  }
0x20: {  	[sflag:s8] =	ssyncset.s32 @!p0 $0xFFFFF086;
	s6 =	sadd.s32 @!p0 s3, s7;
	s7 =	simm.s32 @!p0 $0x108  }
0x21: {  	s3 =	sadd.s32 s3, s9;
	s6 =	sadd.s32 @!p0 $0x88, s6;
	s7 =	simm.s32 @p2 $0x1082  }
0x22: {  	[simem:s7], [sflag:s8] =	dma.local @!p0 [hbm:s6], $0xF7A  }
0x23: {  	s9 =	sor.u32 $0xD0000000, s2;
	s6 =	simm.s32 $0x108;
	_ =	swait.ge @!p0 [sflag:s8], $0x0  }
0x24: {  	s3 =	sadd.s32 $0x88, s3;
	s6 =	simm.s32 @!p1 $0x1082;
	[sflag:s4] =	ssyncset.s32 $0xFFFFF086  }
0x25: {  	[simem:s6], [sflag:s4] =	dma.local [hbm:s3], $0xF7A  }
0x26: {  	[smem:$0x3F9C] =	sst s1;
	(tag) =	ssettag s2;
	_ =	strace s9  }
0x27: {  	s1 =	sld [smem:$0x3FAC]  }
0x28: {  	s2 =	sld [smem:$0x3FAD]  }
0x29: {  	s4 =	sld [smem:$0x3FAF]  }
0x2a: {  	p0 =	seq.s32 s5, $0x0;
	s5 =	sld [smem:$0x3FB0]  }
0x2b: {  	s6 =	sld [smem:$0x3FB1]  }
0x2c: {  	s7 =	sld [smem:$0x3FB2]  }
0x2d: {  	s3 =	simm.s32 $0x108;
	s8 =	sld [smem:$0x3FB3]  }
0x2e: {  	s3 =	simm.s32 @!p0 $0x1082;
	s9 =	sld [smem:$0x3FB4]  }
0x2f: {  	lr =	sadd.s32 s0, s3;
	s0 =	sld [smem:$0x3FAB]  }
0x30: {  	s3 =	sld [smem:$0x3FAE]  }
0x31: {  	[smem:$0x3FB7] =	sst s10  }
0x32: {  	s10 =	sld [smem:$0x3FB5];
	_ =	sdelay $0x3  }
0x33: {  	p0 =	seq.s32 s10, $0x1;
	s10 =	sld [smem:$0x3FB7];
	_ =	sdelay $0x3  }
0x34: {  	[smem:$0x3FB7] =	sst s10  }
0x35: {  	s10 =	sld [smem:$0x3FB6];
	_ =	sdelay $0x3  }
0x36: {  	p1 =	seq.s32 s10, $0x1;
	s10 =	sld [smem:$0x3FB7];
	_ =	sdelay $0x3  }
0x37: {  	[smem:$0x3FB7] =	sst s10  }
0x38: {  	s10 =	sld [smem:$0x3FB8]  }
0x39: {  	_ = 	snop;
	(pc) =	sbr.ind lr, $3  }
0x3a: {  	_ = 	snop  }
0x3b: {  	_ = 	snop  }
0x3c: {  	p2 =	seq.s32 s10, $0x1;
	s10 =	sld [smem:$0x3FB7]  }
0x3d: {  	_ =	shalt  }
0x3e: {  	_ =	shalt  }
0x3f: {  	_ =	shalt  }
0x40: {  	_ =	shalt  }
0x41: {  	_ =	shalt  }
0x42: {  	_ =	shalt  }
0x43: {  	_ =	shalt  }
0x44: {  	_ =	shalt  }
0x45: {  	_ =	shalt  }
0x46: {  	_ =	shalt  }
0x47: {  	_ =	shalt  }
0x48: {  	_ =	shalt  }
0x49: {  	_ =	shalt  }
0x4a: {  	_ =	shalt  }
0x4b: {  	_ =	shalt  }
0x4c: {  	_ =	shalt  }
0x4d: {  	_ =	shalt  }
0x4e: {  	_ =	shalt  }
0x4f: {  	_ =	shalt  }
0x50: {  	_ =	shalt  }
0x51: {  	_ =	shalt  }
0x52: {  	_ =	shalt  }
0x53: {  	_ =	shalt  }
0x54: {  	_ =	shalt  }
0x55: {  	_ =	shalt  }
0x56: {  	_ =	shalt  }
0x57: {  	_ =	shalt  }
0x58: {  	_ =	shalt  }
0x59: {  	_ =	shalt  }
0x5a: {  	_ =	shalt  }
0x5b: {  	_ =	shalt  }
0x5c: {  	_ =	shalt  }
0x5d: {  	_ =	shalt  }
0x5e: {  	_ =	shalt  }
0x5f: {  	_ =	shalt  }
0x60: {  	_ =	shalt  }
0x61: {  	_ =	shalt  }
0x62: {  	_ =	shalt  }
0x63: {  	_ =	shalt  }
0x64: {  	_ =	shalt  }
0x65: {  	_ =	shalt  }
0x66: {  	_ =	shalt  }
0x67: {  	_ =	shalt  }
0x68: {  	_ =	shalt  }
0x69: {  	_ =	shalt  }
0x6a: {  	_ =	shalt  }
0x6b: {  	_ =	shalt  }
0x6c: {  	_ =	shalt  }
0x6d: {  	_ =	shalt  }
0x6e: {  	_ =	shalt  }
0x6f: {  	_ =	shalt  }
0x70: {  	_ =	shalt  }
0x71: {  	_ =	shalt  }
0x72: {  	_ =	shalt  }
0x73: {  	_ =	shalt  }
0x74: {  	_ =	shalt  }
0x75: {  	_ =	shalt  }
0x76: {  	_ =	shalt  }
0x77: {  	_ =	shalt  }
0x78: {  	_ =	shalt  }
0x79: {  	_ =	shalt  }
0x7a: {  	_ =	shalt  }
0x7b: {  	_ =	shalt  }
0x7c: {  	_ =	shalt  }
0x7d: {  	_ =	shalt  }
0x7e: {  	_ =	shalt  }
0x7f: {  	_ =	shalt  }
0x80: {  	_ =	shalt  }
0x81: {  	_ =	shalt  }
0x82: {  	_ =	shalt  }
0x83: {  	_ =	shalt  }
0x84: {  	_ =	shalt  }
0x85: {  	_ =	shalt  }
0x86: {  	_ =	shalt  }
0x87: {  	_ =	shalt  }
.Lfunc_end0:
.L_simem_size_0:
called_computation_lowered:
.L_overlay_start_0:
0x88: {  	s2 =	sld [smem:$0x3FD9]  }
0x89: {  	s3 =	sld [smem:$0x3FFE];
	_ =	sdelay $0x1  }
0x8a: {  	s1 =	srdreg.scid  }
0x8b: {  	s0 =	sand.u32 $0x1, s1  }
0x8c: {  	s16 =	sshll.u32 s0, $0xA;
	s2 =	sadd.s32 s3, s2  }
0x8d: {  	s2 =	sadd.s32 s2, s16  }
0x8e: {  	[smem:$0x3FC3] =	sst s2  }
0x8f: {  	_ = 	snop  }
0x90: {  	(tm) =	ssettm $0x1  }
0x91: {  	s17 =	sld [smem:$0x3FFB];
	_ =	sdelay $0x3  }
0x92: {  	_ =	strace s17  }
0x93: {  	s2 =	sld [smem:$0x3FFC];
	_ =	sdelay $0x3  }
0x94: {  	_ =	strace s2  }
0x95: {  	s2 =	sld [smem:$0x3FFD];
	_ =	sdelay $0x3  }
0x96: {  	_ =	strace s2  }
0x97: {  	_ =	strace $0x8FFFFFFF  }
0x98: {  	s18 =	sld [smem:$0x3FDB];
	_ =	sdelay $0x1  }
0x99: {  	s19 =	simm.s32 $_scs_section_size  }
0x9a: {  	s4 =	simm.s32 $_size__tile_overlayer_lowered;
	s5 =	simm.s32 $_tile_overlayer_lowered  }
0x9b: {  	s22 =	simm.s32 $0x1BFF;
	s21 =	sshll.u32 s5, $0x1;
	s2 =	sadd.s32 s19, s18  }
0x9c: {  	s6 =	simm.s32 $0x0;
	s20 =	sshll.u32 s4, $0x1;
	s4 =	sadd.s32 s21, s2  }
0x9d: {  	[timem:s6], [sflag:s22] =	dma.local [hbm:s4], s20  }
0x9e: {  	_ =	swait.ge [sflag:s22], s20  }
0x9f: {  	s3 =	ssub.s32 $0x0, s20;
	[sflag:s22] =	ssyncset.done $0x0  }
0xa0: {  	[sflag:s22] =	ssyncadd.s32 s3;
	_ =	sdelay $0x1  }
0xa1: {  	s23 =	simm.s32 $0x1B8B  }
0xa2: {  	_ =	swait.ge [sflag:s23], $0x1  }
0xa3: {  	[sflag:s23] =	ssyncset.done $0x0  }
0xa4: {  	s25 =	simm.s32 $0x1B8E;
	s24 =	sld [smem:$0x3FFE];
	[sflag:s23] =	ssyncadd.s32 $0xFFFFFFFF  }
0xa5: {  	s26 =	simm.s32 $execute0_lowered;
	[smem:$0x3FD2] =	sst s25  }
0xa6: {  	s4 =	sshll.u32 s26, $0x1;
	_ =	strace $0x80000046;
	[dreg:$0x1] =	wrdreg $0xFFFFFFFF  }
0xa7: {  	s28 =	simm.s32 $_size_execute0_lowered;
	s2 =	sadd.s32 s2, s4;
	[dreg:$0x0] =	wrdreg $0x0  }
0xa8: {  	s4 =	sshll.u32 s28, $0x1;
	[dreg:$0x2] =	wrdreg s2  }
0xa9: {  	[dreg:$0x3] =	wrdreg s4  }
0xaa: {  	[dreg:$0x4] =	wrdreg $0xC0  }
0xab: {  	_ =	task [dreg:s6], $0x5FFFF  }
0xac: {  	[dreg:$0x1] =	wrdreg $0xFFFFFFFF  }
0xad: {  	[dreg:$0x0] =	wrdreg $0x60  }
0xae: {  	[dreg:$0x2] =	wrdreg s24  }
0xaf: {  	[dreg:$0x3] =	wrdreg $0xE0800  }
0xb0: {  	[dreg:$0x4] =	wrdreg $0x9  }
0xb1: {  	_ =	task.clear_ibuf [dreg:s6], $0x5FFFF;
	_ =	strace $0x90000046  }
0xb2: {  	s29 =	simm.s32 $0x9;
	_ =	strace $0x80000048  }
0xb3: {  	_ =	swait.ge [sflag:s29], $0x1  }
0xb4: {  	[sflag:s29] =	ssyncadd.s32 $0xFFFFFFFF  }
0xb5: {  	_ =	strace $0x90000048  }
0xb6: {  	_ =	sfence  }
0xb7: {  	s30 =	sld [smem:$0x0];
	_ =	sdelay $0x2  }
0xb8: {  	s31 =	sshll.u32 s1, $0xD;
	s1 =	sshrl.u32 s1, $0x2  }
0xb9: {  	s3 =	sand.u32 $0x4000, s31;
	s1 =	sadd.s32 s1, s30  }
0xba: {  	s0 =	sor.u32 s3, s0;
	s1 =	sshll.u32 s1, $0x11  }
0xbb: {  	s0 =	sor.u32 s1, s0  }
0xbc: {  	s0 =	sadd.s32 $0x8F2B, s0  }
0xbd: {  	[sflag:s0] =	ssyncadd.remote.s32 $0x1  }
0xbe: {  	_ =	sfence.sel $0xFFFF  }
0xbf: {  	[dreg:$0x0] =	wrdreg $0xFFFFFFFF;
	(pc) =	sbr.abs _section_cstart, $3  }
0xc0: {  	[dreg:$0x1] =	wrdreg $0xFFFFFFFF  }
0xc1: {  	_ =	task.clear_ibuf [dreg:s6], $0x2FFFF;
	_ =	strace $0x9FFFFFFF  }
0xc2: {  	(tm) =	ssettm $0x7FFFFFFF  }
0xc3: {  	_ =	shalt  }
tec
execute0_lowered:
.L_overlay_start_1:
0x0: {  	(tag) =	ssettag $0x1  }
0x1: {  	s1 =	rddreg [dreg:$0x0]  }
0x2: {  	s2 =	rddreg [dreg:$0x1];
	s3 =	simm.s32 $0x0  }
0x3: {  	s0 =	srdreg.scid;
	s9 =	stileid.u32;
	s28 =	simm.s32 $0x2800  }
0x4: {  	s29 =	simm.s32 $0x2;
	s31 =	simm.s32 $0x3;
	[smem:$0x7FF] =	sst s3  }
0x5: {  	s0 =	sand.u32 $0x1, s0;
	s5 =	sshll.u32 s9, $0x4;
	s25 =	sand.u32 $0x7, s9  }
0x6: {  	p0 =	sne.s32 s9, $0x0;
	_ =	strace $0x80000047;
	s4 =	sshll.u32 s0, $0x10  }
0x7: {  	s6 =	sshll.u32 s0, $0x4;
	s5 =	sand.u32 $0x70, s5;
	s20 =	ssub.s32 $0x2, s0  }
0x8: {  	s0 =	smul.u32 $0x80400, s0;
	s11 =	sadd.s32 s4, s1;
	s4 =	sadd.s32 $0x20000, s1  }
0x9: {  	s12 =	sor.u32 s9, s6;
	s13 =	sadd.s32 s5, s1;
	s7 =	sshrl.u32 s20, $0x1  }
0xa: {  	s5 =	sshll.u32 s12, $0xF;
	s14 =	ssub.s32 s20, s7;
	s16 =	sshll.u32 s12, $0xC  }
0xb: {  	s11 =	sadd.s32 $0x60000, s11;
	s23 =	sshll.u32 s12, $0x4;
	s12 =	sshll.u32 s25, $0xF  }
0xc: {  	s25 =	simm.s32 $0x800;
	s8 =	sand.u32 $0xC0000, s5;
	s21 =	sand.u32 $0x40000, s5  }
0xd: {  	[dreg:$0x4] =	wrdreg s11;
	s11 =	sand.u32 $0x180, s23;
	s26 =	smax.u32 s14, $0x1  }
0xe: {  	s17 =	sor.u32 $0x30, s12;
	s30 =	sor.u32 $0x800, s12;
	s23 =	simm.s32 $0x1  }
0xf: {  	s6 =	sadd.s32 s5, s8;
	s15 =	sadd.s32 s0, s21;
	[dreg:$0x9] =	wrdreg s26  }
0x10: {  	s0 =	sadd.s32 s0, s2;
	s11 =	sadd.s32 s11, s13;
	[dreg:$0xa] =	wrdreg s30  }
0x11: {  	s7 =	sadd.s32 $0x40000, s6;
	s8 =	sshrl.u32 s6, $0x3;
	s11 =	sadd.s32 $0x80200, s11  }
0x12: {  	s0 =	sshrl.u32 @!p0 s0, $0x3;
	s10 =	sshrl.u32 s7, $0x3;
	[dreg:$0x8] =	wrdreg s11  }
0x13: {  	s8 =	sadd.s32 s4, s8;
	[dreg:$0xb] =	wrdreg s0;
	s10 =	sadd.s32 s4, s10  }
0x14: {  	s21 =	sor.u32 $0x1000, s12;
	s22 =	sadd.s32 $0x100, s8;
	[dreg:$0x3] =	wrdreg s10  }
0x15: {  	s24 =	sadd.s32 $0x8100, s8;
	s10 =	sadd.s32 s1, s16;
	[dreg:$0x5] =	wrdreg s22  }
0x16: {  	s26 =	simm.s32 $0x1800;
	[dreg:$0x6] =	wrdreg s24;
	s16 =	sadd.s32 $0x100, s10  }
0x17: {  	v1 =	vlaneseq.u32;
	v2 =	vimm.f32 $0.0e+00;
	v0 =	vmov s15;
	s0 =	simm.s32 $0x0;
	s24 =	simm.s32 $0x80;
	[dreg:$0x7] =	wrdreg s16  }
.LBB2_1:
0x18: {  	[tilespmem:s3], [sflag:$0x1] =	stream.linear.gather [hbm4b:s8+s3], $0x800, $0x38;
	[tilespmem:$0x1E0C0] =	vst v63  }
0x19: {  	s9 =	rddreg [dreg:$0x3]  }
0x1a: {  	s11 =	simm.s32 $0x1000;
	s12 =	rddreg [dreg:$0xb]  }
0x1b: {  	[tilespmem:s11], [sflag:$0x1] =	stream.linear.gather [hbm4b:s9+s3], $0x800, $0x38;
	[tilespmem:$0x1E0C0] =	vst v63  }
0x1c: {  	s20 =	simm.s32 $0x2000;
	s9 =	simm.s32 @!p0 $0x1C03;
	s11 =	rddreg [dreg:$0x4]  }
0x1d: {  	[tilespmem:s20], [sflag:$0x1] =	stream.linear.gather [hbm4b:s10+s3], $0x800, $0x38;
	[tilespmem:$0x1E0C0] =	vst v63  }
0x1e: {  	[spmem:s12], [sflag:s9] =	dma.local @!p0 [hbm:s11], $0x10080  }
0x1f: {  	s9 =	simm.s32 @!p0 $0x3  }
0x20: {  	_ =	swait.ge @!p0 [sflag:s9], $0x10080  }
0x21: {  	[sflag:s9] =	ssyncset.done @!p0 $0x0  }
0x22: {  	[sflag:s9] =	ssyncadd.s32 @!p0 $0xFFFEFF80  }
0x23: {  	[bflag:$0x0] =	sbarrier.arrive $0xFFFF  }
0x24: {  	_ =	swait.ge [sflag:s23], $0x800  }
0x25: {  	[sflag:s23] =	ssyncset.done $0x0  }
0x26: {  	[sflag:s23] =	ssyncadd.s32 $0xFFFFF800  }
0x27: {  	_ =	swait.ge [sflag:s23], $0x800  }
0x28: {  	[sflag:s23] =	ssyncset.done $0x0  }
0x29: {  	[sflag:s23] =	ssyncadd.s32 $0xFFFFF800  }
0x2a: {  	_ =	swait.ge [sflag:s23], $0x800  }
0x2b: {  	[sflag:s23] =	ssyncset.done $0x0  }
0x2c: {  	s9 =	simm.s32 $0x0;
	[sflag:s23] =	ssyncadd.s32 $0xFFFFF800  }
0x2d: {  	v3 =	vld [tilespmem:s9+$0x1030]  }
0x2e: {  	v4 =	vld [tilespmem:s9+$0x1000]  }
0x2f: {  	v8 =	vld [tilespmem:s9+$0x1010]  }
0x30: {  	v10 =	vld [tilespmem:s9+$0x1020]  }
0x31: {  	s22 =	sadd.s32 $0xFFFFFFD0, s17;
	s30 =	sadd.s32 $0xFFFFFFE0, s17;
	v5 =	vmov s17;
	v6 =	vor.u32 s17, v1;
	v15 =	vld [tilespmem:s9+$0x2030]  }
0x32: {  	s13 =	sadd.s32 $0xFFFFFFF0, s17;
	v7 =	vmov s22;
	v9 =	vmov s30;
	v5 =	vshrl.u32 v5, $0x9;
	v16 =	vld [tilespmem:s9+$0x30]  }
0x33: {  	v11 =	vmov s13;
	v6 =	vand.u32 $0x1FF, v6;
	v7 =	vshrl.u32 v7, $0x9;
	v20 =	vld [tilespmem:s9+$0x2000]  }
0x34: {  	v5 =	vcvt.s32.f32 v5;
	v9 =	vshrl.u32 v9, $0x9;
	v6 =	vcvt.s32.f32 v6;
	v21 =	vld [tilespmem:s9+$0x2010]  }
0x35: {  	v11 =	vshrl.u32 v11, $0x9;
	v7 =	vcvt.s32.f32 v7;
	v9 =	vcvt.s32.f32 v9;
	v23 =	vld [tilespmem:s9+$0x2020]  }
0x36: {  	v11 =	vcvt.s32.f32 v11;
	v3 =	vadd.f32 v5, v3;
	v5 =	vor.u32 s22, v1  }
0x37: {  	v4 =	vadd.f32 v7, v4;
	v7 =	vor.u32 s30, v1;
	v8 =	vadd.f32 v9, v8  }
0x38: {  	v9 =	vor.u32 s13, v1;
	v10 =	vadd.f32 v11, v10;
	vm0 =	vgt.s32 v15, $0x0  }
0x39: {  	v6 =	vadd.f32 v6, v16;
	vm15 =	vgt.s32 v20, $0x0;
	vm1 =	vgt.s32 v21, $0x0  }
0x3a: {  	vm2 =	vgt.s32 v23, $0x0;
	v5 =	vand.u32 $0x1CF, v5;
	v7 =	vand.u32 $0x1FF, v7  }
0x3b: {  	v12 =	vld [tilespmem:s9+$0x0];
	v9 =	vand.u32 $0x1FF, v9;
	v15 =	vsel vm0, $0x3F800000, v2;
	v3 =	vmax.f32 v3, $0.0e+00  }
0x3c: {  	v14 =	vld [tilespmem:s9+$0x20];
	v4 =	vmax.f32 v4, $0.0e+00;
	v5 =	vcvt.s32.f32 v5;
	v8 =	vmax.f32 v8, $0.0e+00  }
0x3d: {  	v11 =	vld [tilespmem:s9+$0x10];
	v10 =	vmax.f32 v10, $0.0e+00;
	v7 =	vcvt.s32.f32 v7;
	v9 =	vcvt.s32.f32 v9  }
0x3e: {  	v6 =	vmax.f32 v6, $0.0e+00;
	v3 =	vmin.f32 v3, $5.110000000e+02;
	v4 =	vmin.f32 v4, $5.110000000e+02  }
0x3f: {  	v8 =	vmin.f32 v8, $5.110000000e+02;
	v10 =	vmin.f32 v10, $5.110000000e+02;
	v6 =	vmin.f32 v6, $5.110000000e+02  }
0x40: {  	v13 =	vtrunc.f32 v3;
	v18 =	vtrunc.f32 v4;
	v5 =	vadd.f32 v5, v12  }
0x41: {  	v12 =	vtrunc.f32 v8;
	v9 =	vadd.f32 v9, v14;
	v24 =	vtrunc.f32 v6  }
0x42: {  	v13 =	vcvt.f32.s32 v13;
	v7 =	vadd.f32 v7, v11;
	v14 =	vcvt.f32.s32 v18  }
0x43: {  	v12 =	vcvt.f32.s32 v12;
	v24 =	vcvt.f32.s32 v24;
	v5 =	vmax.f32 v5, $0.0e+00  }
0x44: {  	v9 =	vmax.f32 v9, $0.0e+00;
	v17 =	vcvt.s32.f32 v13;
	v7 =	vmax.f32 v7, $0.0e+00  }
0x45: {  	v5 =	vmin.f32 v5, $5.110000000e+02;
	v18 =	vcvt.s32.f32 v12;
	v9 =	vmin.f32 v9, $5.110000000e+02  }
0x46: {  	v62 =	vcvt.s32.f32 v24;
	v63 =	vshll.u32 v14, $0x9;
	v29 =	vshll.u32 v12, $0x9  }
0x47: {  	v12 =	vsel vm15, $0x3F800000, v2;
	v31 =	vshll.u32 v13, $0x9;
	v24 =	vadd.s32 v24, v0  }
0x48: {  	v22 =	vtrunc.f32 v5;
	v3 =	vsub.f32 v3, v17;
	v17 =	vtrunc.f32 v10  }
0x49: {  	v8 =	vsub.f32 v8, v18;
	v18 =	vtrunc.f32 v9;
	v22 =	vcvt.f32.s32 v22  }
0x4a: {  	v7 =	vmin.f32 v7, $5.110000000e+02;
	v16 =	vcvt.f32.s32 v17;
	v17 =	vcvt.s32.f32 v14  }
0x4b: {  	v18 =	vcvt.f32.s32 v18;
	v11 =	vsub.f32 $1.000000000e+00, v3;
	v25 =	vcvt.s32.f32 v22  }
0x4c: {  	v26 =	vsub.f32 $1.000000000e+00, v8;
	v22 =	vadd.s32 v22, v0;
	v19 =	vcvt.s32.f32 v16  }
0x4d: {  	v4 =	vsub.f32 v4, v17;
	v17 =	vtrunc.f32 v7;
	v28 =	vcvt.s32.f32 v18  }
0x4e: {  	v16 =	vshll.u32 v16, $0x9;
	v30 =	vadd.s32 v18, v0;
	v18 =	vsel vm1, $0x3F800000, v2  }
0x4f: {  	v11 =	vmul.f32 v11, v15;
	v17 =	vcvt.f32.s32 v17;
	v14 =	vsub.f32 v5, v25  }
0x50: {  	v5 =	vmul.f32 v26, v18;
	v10 =	vsub.f32 v10, v19;
	v19 =	vsub.f32 $1.000000000e+00, v4  }
0x51: {  	v4 =	vmul.f32 v4, v12;
	v20 =	vcvt.s32.f32 v17;
	v17 =	vadd.s32 v17, v0  }
0x52: {  	[tilespmem:s9+$0xC010] =	vst v5;
	v5 =	vadd.s32 v63, v22;
	v27 =	vsub.f32 $1.000000000e+00, v10;
	v13 =	vmul.f32 v19, v12  }
0x53: {  	v19 =	vsel vm2, $0x3F800000, v2;
	[tilespmem:s9+$0xD000] =	vst v4;
	v4 =	vadd.s32 v31, v24;
	v12 =	vsub.f32 v7, v20  }
0x54: {  	[tilespmem:s9+$0xC030] =	vst v11;
	v7 =	vmul.f32 v8, v18;
	v18 =	vmul.f32 v3, v15;
	v3 =	vadd.s32 v29, v17  }
0x55: {  	v17 =	vsub.f32 v6, v62;
	v15 =	vadd.s32 $0x1, v5;
	v11 =	vmul.f32 v27, v19;
	[tilespmem:s9+$0xC000] =	vst v13  }
0x56: {  	v6 =	vadd.s32 v16, v30;
	v16 =	vadd.s32 $0x200, v5;
	v19 =	vmul.f32 v10, v19;
	[tilespmem:s9+$0xD010] =	vst v7  }
0x57: {  	v13 =	vsub.f32 v9, v28;
	v10 =	vadd.s32 $0x1, v3;
	v9 =	vadd.s32 $0x200, v3;
	[tilespmem:s9+$0xC020] =	vst v11  }
0x58: {  	s11 =	simm.s32 $0x0;
	s12 =	simm.s32 $0x100;
	s13 =	smov.u32 s17;
	v8 =	vadd.s32 $0x201, v3;
	v7 =	vadd.s32 $0x1, v6;
	v11 =	vadd.s32 $0x201, v5;
	[tilespmem:s9+$0xD020] =	vst v19  }
.LBB2_2:
0x59: {  	s18 =	sshra.s32 s12, $0x2;
	s11 =	sadd.s32 $0x4, s11;
	v19 =	vadd.s32 $0x200, v6;
	v20 =	vadd.s32 $0x201, v6;
	v21 =	vadd.s32 $0x1, v4;
	[tilespmem:s9+$0xD030] =	vst v18  }
0x5a: {  	v22 =	vadd.s32 $0x201, v4;
	s13 =	sadd.s32 $0x40, s13;
	v18 =	vld [tilespmem:s18+$0x1030];
	p1 =	slt.u32 s11, $0x7C;
	[tilespmem:s9+$0xB000] =	vst v14;
	v14 =	vadd.s32 $0x200, v4  }
0x5b: {  	s15 =	sadd.s32 $0xFFFFFFD0, s13;
	s19 =	sadd.s32 $0xFFFFFFE0, s13;
	s20 =	sadd.s32 $0xFFFFFFF0, s13;
	v24 =	vmov s13;
	v25 =	vor.u32 s13, v1;
	v23 =	vld [tilespmem:s18+$0x1000];
	[tilespmem:s9+$0xB010] =	vst v12  }
0x5c: {  	v12 =	vmov s15;
	v27 =	vmov s19;
	v24 =	vshrl.u32 v24, $0x9;
	v26 =	vld [tilespmem:s18+$0x1010];
	[tilespmem:s9+$0xB020] =	vst v13  }
0x5d: {  	v28 =	vmov s20;
	v12 =	vshrl.u32 v12, $0x9;
	v24 =	vcvt.s32.f32 v24;
	v13 =	vld [tilespmem:s18+$0x1020];
	[tilespmem:s9+$0xB030] =	vst v17  }
0x5e: {  	v27 =	vshrl.u32 v27, $0x9;
	v28 =	vshrl.u32 v28, $0x9;
	v12 =	vcvt.s32.f32 v12;
	v17 =	vld [tilespmem:s18+$0x0];
	[tilespmem:s9+$0x3800] =	vst v15  }
0x5f: {  	v27 =	vcvt.s32.f32 v27;
	v28 =	vcvt.s32.f32 v28;
	v15 =	vld [tilespmem:s18+$0x10];
	v18 =	vadd.f32 v24, v18;
	[tilespmem:s9+$0x4000] =	vst v16  }
0x60: {  	v16 =	vor.u32 s15, v1;
	v12 =	vadd.f32 v12, v23;
	v23 =	vor.u32 s19, v1;
	v24 =	vld [tilespmem:s18+$0x20];
	[tilespmem:s9+$0x4800] =	vst v11  }
0x61: {  	v11 =	vadd.f32 v27, v26;
	v26 =	vor.u32 s20, v1;
	v27 =	vld [tilespmem:s18+$0x30];
	v18 =	vmax.f32 v18, $0.0e+00;
	[tilespmem:s9+$0x3810] =	vst v10  }
0x62: {  	v16 =	vand.u32 $0x1CF, v16;
	v10 =	vld [tilespmem:s18+$0x2000];
	v13 =	vadd.f32 v28, v13;
	v18 =	vmin.f32 v18, $5.110000000e+02;
	[tilespmem:s9+$0x4010] =	vst v9  }
0x63: {  	v23 =	vand.u32 $0x1FF, v23;
	v26 =	vand.u32 $0x1FF, v26;
	v9 =	vld [tilespmem:s18+$0x2010];
	v28 =	vtrunc.f32 v18;
	[tilespmem:s9+$0x4810] =	vst v8  }
0x64: {  	v25 =	vand.u32 $0x1FF, v25;
	v8 =	vmax.f32 v12, $0.0e+00;
	v12 =	vld [tilespmem:s18+$0x2020];
	v28 =	vcvt.f32.s32 v28;
	[tilespmem:s9+$0x3820] =	vst v7  }
0x65: {  	v11 =	vmax.f32 v11, $0.0e+00;
	v7 =	vcvt.s32.f32 v16;
	v13 =	vmax.f32 v13, $0.0e+00;
	v16 =	vld [tilespmem:s18+$0x2030];
	[tilespmem:s9+$0x4020] =	vst v19  }
0x66: {  	v8 =	vmin.f32 v8, $5.110000000e+02;
	v19 =	vcvt.s32.f32 v23;
	v23 =	vcvt.s32.f32 v28;
	[tilespmem:s9+$0x4820] =	vst v20  }
0x67: {  	v25 =	vcvt.s32.f32 v25;
	v11 =	vmin.f32 v11, $5.110000000e+02;
	v20 =	vcvt.s32.f32 v26;
	[tilespmem:s9+$0x3830] =	vst v21  }
0x68: {  	v13 =	vmin.f32 v13, $5.110000000e+02;
	v21 =	vtrunc.f32 v8;
	v18 =	vsub.f32 v18, v23;
	[tilespmem:s9+$0x4030] =	vst v14  }
0x69: {  	v7 =	vadd.f32 v7, v17;
	v17 =	vtrunc.f32 v13;
	v14 =	vtrunc.f32 v11;
	[tilespmem:s9+$0x4830] =	vst v22  }
0x6a: {  	v15 =	vadd.f32 v19, v15;
	vm0 =	vgt.s32 v16, $0x0;
	v16 =	vsub.f32 $1.000000000e+00, v18;
	[tilespmem:s9+$0x3000] =	vst v5  }
0x6b: {  	v19 =	vadd.f32 v25, v27;
	v5 =	vadd.f32 v20, v24;
	v20 =	vsel vm0, $0x3F800000, v2;
	[tilespmem:s9+$0x3010] =	vst v3  }
0x6c: {  	v3 =	vmax.f32 v7, $0.0e+00;
	v7 =	vcvt.f32.s32 v21;
	v16 =	vmul.f32 v16, v20;
	[tilespmem:s9+$0x3020] =	vst v6  }
0x6d: {  	v14 =	vcvt.f32.s32 v14;
	v6 =	vmax.f32 v15, $0.0e+00;
	v15 =	vcvt.f32.s32 v17;
	[tilespmem:s9+$0x3030] =	vst v4;
	s9 =	smov.u32 s18  }
0x6e: {  	v5 =	vmax.f32 v5, $0.0e+00;
	v17 =	vmax.f32 v19, $0.0e+00;
	v4 =	vcvt.s32.f32 v7;
	[tilespmem:s9+$0xC030] =	vst v16  }
0x6f: {  	v3 =	vmin.f32 v3, $5.110000000e+02;
	v16 =	vcvt.s32.f32 v14;
	v19 =	vcvt.s32.f32 v15  }
0x70: {  	v6 =	vmin.f32 v6, $5.110000000e+02;
	v5 =	vmin.f32 v5, $5.110000000e+02;
	v17 =	vmin.f32 v17, $5.110000000e+02  }
0x71: {  	v21 =	vtrunc.f32 v3;
	v4 =	vsub.f32 v8, v4;
	v8 =	vtrunc.f32 v6  }
0x72: {  	v22 =	vtrunc.f32 v17;
	v11 =	vsub.f32 v11, v16;
	v16 =	vtrunc.f32 v5  }
0x73: {  	v21 =	vcvt.f32.s32 v21;
	v8 =	vcvt.f32.s32 v8;
	v19 =	vsub.f32 v13, v19  }
0x74: {  	v22 =	vcvt.f32.s32 v22;
	v13 =	vsub.f32 $1.000000000e+00, v4;
	v16 =	vcvt.f32.s32 v16  }
0x75: {  	v23 =	vcvt.s32.f32 v21;
	v24 =	vsub.f32 $1.000000000e+00, v11;
	v25 =	vsub.f32 $1.000000000e+00, v19  }
0x76: {  	vm0 =	vgt.s32 v10, $0x0;
	v10 =	vcvt.s32.f32 v8;
	v26 =	vcvt.s32.f32 v16  }
0x77: {  	vm1 =	vgt.s32 v9, $0x0;
	vm2 =	vgt.s32 v12, $0x0;
	v9 =	vcvt.s32.f32 v22  }
0x78: {  	v27 =	vshll.u32 v14, $0x9;
	v7 =	vshll.u32 v7, $0x9;
	v21 =	vadd.s32 v21, v0  }
0x79: {  	v29 =	vshll.u32 v15, $0x9;
	v8 =	vadd.s32 v8, v0;
	v16 =	vadd.s32 v16, v0  }
0x7a: {  	v28 =	vshll.u32 v28, $0x9;
	v12 =	vsel vm0, $0x3F800000, v2;
	v22 =	vadd.s32 v22, v0  }
0x7b: {  	v30 =	vsel vm2, $0x3F800000, v2;
	v15 =	vsel vm1, $0x3F800000, v2;
	v13 =	vmul.f32 v13, v12  }
0x7c: {  	v14 =	vsub.f32 v3, v23;
	v3 =	vmul.f32 v24, v15;
	v23 =	vmul.f32 v25, v30  }
0x7d: {  	v4 =	vmul.f32 v4, v12;
	v12 =	vsub.f32 v6, v10;
	v24 =	vmul.f32 v11, v15;
	[tilespmem:s9+$0xC000] =	vst v13  }
.Ltmp0:
0x7e: {  	v18 =	vmul.f32 v18, v20;
	v19 =	vmul.f32 v19, v30;
	v13 =	vsub.f32 v5, v26;
	[tilespmem:s9+$0xC010] =	vst v3;
	(pc) =	sbr.rel @p1 .LBB2_2-.Ltmp0, $4  }
0x7f: {  	v17 =	vsub.f32 v17, v9;
	v5 =	vadd.s32 v7, v21;
	v3 =	vadd.s32 v27, v8;
	[tilespmem:s9+$0xC020] =	vst v23  }
0x80: {  	v6 =	vadd.s32 v29, v16;
	v15 =	vadd.s32 $0x1, v5;
	[tilespmem:s9+$0xD000] =	vst v4;
	v4 =	vadd.s32 v28, v22  }
0x81: {  	v16 =	vadd.s32 $0x200, v5;
	v11 =	vadd.s32 $0x201, v5;
	v10 =	vadd.s32 $0x1, v3;
	[tilespmem:s9+$0xD010] =	vst v24  }
0x82: {  	s12 =	sadd.s32 $0x100, s12;
	v7 =	vadd.s32 $0x1, v6;
	v9 =	vadd.s32 $0x200, v3;
	v8 =	vadd.s32 $0x201, v3;
	[tilespmem:s9+$0xD020] =	vst v19  }
0x83: {  	[tilespmem:s9+$0xD030] =	vst v18  }
0x84: {  	[tilespmem:s9+$0xB000] =	vst v14  }
0x85: {  	[tilespmem:s9+$0xB010] =	vst v12  }
0x86: {  	[tilespmem:s9+$0xB020] =	vst v13  }
0x87: {  	[tilespmem:s9+$0xB030] =	vst v17  }
0x88: {  	[tilespmem:s9+$0x3800] =	vst v15  }
0x89: {  	[tilespmem:s9+$0x4000] =	vst v16  }
0x8a: {  	[tilespmem:s9+$0x4800] =	vst v11  }
0x8b: {  	[tilespmem:s9+$0x3810] =	vst v10  }
0x8c: {  	[tilespmem:s9+$0x4010] =	vst v9  }
0x8d: {  	[tilespmem:s9+$0x4810] =	vst v8  }
0x8e: {  	[tilespmem:s9+$0x3820] =	vst v7  }
0x8f: {  	[tilespmem:s9+$0x3000] =	vst v5  }
0x90: {  	[tilespmem:s9+$0x3010] =	vst v3  }
0x91: {  	[tilespmem:s9+$0x3020] =	vst v6  }
0x92: {  	v59 =	vadd.s32 $0x200, v6;
	[tilespmem:s9+$0x3030] =	vst v4  }
0x93: {  	v60 =	vadd.s32 $0x201, v6;
	[tilespmem:s9+$0x4020] =	vst v59  }
0x94: {  	v61 =	vadd.s32 $0x1, v4;
	[tilespmem:s9+$0x4820] =	vst v60  }
0x95: {  	v62 =	vadd.s32 $0x200, v4;
	[tilespmem:s9+$0x3830] =	vst v61  }
0x96: {  	v63 =	vadd.s32 $0x201, v4;
	s18 =	simm.s32 $0x7000;
	[tilespmem:s9+$0x4030] =	vst v62  }
0x97: {  	s11 =	simm.s32 $0x3000;
	s19 =	simm.s32 $0x7800;
	s20 =	simm.s32 $0x3800;
	[tilespmem:s9+$0x4830] =	vst v63  }
0x98: {  	[tilespmem:s18], [sflag:$0x2] =	stream.indirect.gather [spmem:s2], $0x1, s11, s24, $0xb8;
	[tilespmem:$0x1E0C0] =	vst v63  }
0x99: {  	s22 =	simm.s32 $0x8000;
	s30 =	simm.s32 $0x4000;
	s12 =	simm.s32 $0x8800  }
0x9a: {  	[tilespmem:s19], [sflag:$0x2] =	stream.indirect.gather [spmem:s2], $0x1, s20, s24, $0xb8;
	[tilespmem:$0x1E0C0] =	vst v63  }
0x9b: {  	s13 =	simm.s32 $0x4800;
	s9 =	simm.s32 $0x80;
	s11 =	simm.s32 $0x400  }
0x9c: {  	[tilespmem:s22], [sflag:$0x2] =	stream.indirect.gather [spmem:s2], $0x1, s30, s24, $0xb8;
	[tilespmem:$0x1E0C0] =	vst v63  }
.LBB2_4:
0x9d: {  	[tilespmem:s12], [sflag:$0x2] =	stream.indirect.gather [spmem:s2], $0x1, s13, s24, $0xb8;
	[tilespmem:$0x1E0C0] =	vst v63  }
0x9e: {  	s13 =	smov.u32 s9;
	s9 =	smov.u32 s11;
	p1 =	sne.s32 s11, $0x1E00  }
0x9f: {  	s9 =	sshra.s32 s11, $0x2;
	s12 =	sadd.s32 $0x7000, s13;
	s15 =	sadd.s32 $0x3000, s13  }
0xa0: {  	[tilespmem:s12], [sflag:$0x2] =	stream.indirect.gather [spmem:s2], $0x1, s15, s24, $0xb8;
	[tilespmem:$0x1E0C0] =	vst v63  }
.Ltmp1:
0xa1: {  	s12 =	sadd.s32 $0x7800, s13;
	s15 =	sadd.s32 $0x3800, s13;
	(pc) =	sbr.rel @p1 .LBB2_4-.Ltmp1, $4  }
0xa2: {  	[tilespmem:s12], [sflag:$0x2] =	stream.indirect.gather [spmem:s2], $0x1, s15, s24, $0xb8;
	[tilespmem:$0x1E0C0] =	vst v63  }
0xa3: {  	s18 =	sadd.s32 $0x4000, s13;
	s15 =	sadd.s32 $0x200, s11;
	s12 =	sadd.s32 $0x8000, s13  }
0xa4: {  	[tilespmem:s12], [sflag:$0x2] =	stream.indirect.gather [spmem:s2], $0x1, s18, s24, $0xb8;
	[tilespmem:$0x1E0C0] =	vst v63  }
0xa5: {  	s11 =	smov.u32 s15;
	s12 =	sadd.s32 $0x8800, s13;
	s13 =	sadd.s32 $0x4800, s13  }
0xa6: {  	[tilespmem:s12], [sflag:$0x2] =	stream.indirect.gather [spmem:s2], $0x1, s13, s24, $0xb8;
	[tilespmem:$0x1E0C0] =	vst v63  }
0xa7: {  	s11 =	sadd.s32 $0x7000, s9;
	s19 =	sadd.s32 $0x3000, s9  }
0xa8: {  	[tilespmem:s11], [sflag:$0x2] =	stream.indirect.gather [spmem:s2], $0x1, s19, s24, $0xb8;
	[tilespmem:$0x1E0C0] =	vst v63  }
0xa9: {  	s20 =	sadd.s32 $0x7800, s9;
	s22 =	sadd.s32 $0x3800, s9  }
0xaa: {  	[tilespmem:s20], [sflag:$0x2] =	stream.indirect.gather [spmem:s2], $0x1, s22, s24, $0xb8;
	[tilespmem:$0x1E0C0] =	vst v63  }
0xab: {  	s13 =	sadd.s32 $0x8000, s9;
	s14 =	sadd.s32 $0x4000, s9  }
0xac: {  	[tilespmem:s13], [sflag:$0x2] =	stream.indirect.gather [spmem:s2], $0x1, s14, s24, $0xb8;
	[tilespmem:$0x1E0C0] =	vst v63  }
0xad: {  	s15 =	sadd.s32 $0x8800, s9;
	s16 =	sadd.s32 $0x4800, s9;
	s18 =	rddreg [dreg:$0x5]  }
0xae: {  	[tilespmem:s15], [sflag:$0x2] =	stream.indirect.gather [spmem:s2], $0x1, s16, s24, $0xb8;
	[tilespmem:$0x1E0C0] =	vst v63  }
0xaf: {  	s30 =	rddreg [dreg:$0xa];
	s20 =	simm.s32 $0x0  }
0xb0: {  	[tilespmem:s25], [sflag:$0x1] =	stream.linear.gather [hbm4b:s18+s20], $0x800, $0x38;
	[tilespmem:$0x1E0C0] =	vst v63  }
0xb1: {  	s19 =	rddreg [dreg:$0x6]  }
0xb2: {  	[tilespmem:s26], [sflag:$0x1] =	stream.linear.gather [hbm4b:s19+s20], $0x800, $0x38;
	[tilespmem:$0x1E0C0] =	vst v63  }
0xb3: {  	s22 =	rddreg [dreg:$0x7];
	s19 =	smov.u32 s21  }
0xb4: {  	v3 =	vimm.f32 $0.0e+00;
	[tilespmem:s28], [sflag:$0x1] =	stream.linear.gather [hbm4b:s22+s20], $0x800, $0x38;
	[tilespmem:$0x1E0C0] =	vst v63  }
.LBB2_6:
0xb5: {  	_ =	swait.ge [sflag:s23], $0x800  }
0xb6: {  	[sflag:s23] =	ssyncset.done $0x0  }
0xb7: {  	[sflag:s23] =	ssyncadd.s32 $0xFFFFF800  }
0xb8: {  	_ =	swait.ge [sflag:s23], $0x800  }
0xb9: {  	[sflag:s23] =	ssyncset.done $0x0  }
0xba: {  	[sflag:s23] =	ssyncadd.s32 $0xFFFFF800  }
0xbb: {  	_ =	swait.ge [sflag:s23], $0x800  }
0xbc: {  	[sflag:s23] =	ssyncset.done $0x0  }
0xbd: {  	s11 =	simm.s32 $0x0;
	[sflag:s23] =	ssyncadd.s32 $0xFFFFF800  }
0xbe: {  	v6 =	vld [tilespmem:s11+$0x1830]  }
0xbf: {  	v7 =	vld [tilespmem:s11+$0x1800]  }
0xc0: {  	v4 =	vmov s30;
	v5 =	vor.u32 s30, v1;
	s9 =	sadd.s32 $0x10, s30;
	s12 =	sadd.s32 $0x30, s30;
	v10 =	vld [tilespmem:s11+$0x1810]  }
0xc1: {  	s13 =	sadd.s32 $0x20, s30;
	v4 =	vshrl.u32 v4, $0x9;
	v8 =	vmov s9;
	v9 =	vmov s12;
	v12 =	vld [tilespmem:s11+$0x1820]  }
0xc2: {  	v11 =	vmov s13;
	v13 =	vor.u32 s9, v1;
	v14 =	vor.u32 s13, v1;
	v17 =	vld [tilespmem:s11+$0x2830]  }
0xc3: {  	v15 =	vor.u32 s12, v1;
	v5 =	vand.u32 $0x1FF, v5;
	v9 =	vshrl.u32 v9, $0x9;
	v21 =	vld [tilespmem:s11+$0x2800]  }
0xc4: {  	v8 =	vshrl.u32 v8, $0x9;
	v4 =	vcvt.s32.f32 v4;
	v9 =	vcvt.s32.f32 v9;
	v22 =	vld [tilespmem:s11+$0x2810]  }
0xc5: {  	v11 =	vshrl.u32 v11, $0x9;
	v5 =	vcvt.s32.f32 v5;
	v8 =	vcvt.s32.f32 v8;
	v24 =	vld [tilespmem:s11+$0x2820]  }
0xc6: {  	v11 =	vcvt.s32.f32 v11;
	v6 =	vadd.f32 v9, v6;
	v4 =	vadd.f32 v4, v7  }
0xc7: {  	v7 =	vand.u32 $0x1FF, v13;
	v9 =	vand.u32 $0x1FF, v14;
	v8 =	vadd.f32 v8, v10  }
0xc8: {  	v16 =	vld [tilespmem:s11+$0x830];
	v10 =	vand.u32 $0x1FF, v15;
	v11 =	vadd.f32 v11, v12;
	vm0 =	vgt.s32 v17, $0x0  }
0xc9: {  	v13 =	vld [tilespmem:s11+$0x800];
	vm15 =	vgt.s32 v21, $0x0;
	vm1 =	vgt.s32 v22, $0x0;
	v7 =	vcvt.s32.f32 v7  }
0xca: {  	v14 =	vld [tilespmem:s11+$0x810];
	vm2 =	vgt.s32 v24, $0x0;
	v9 =	vcvt.s32.f32 v9;
	v10 =	vcvt.s32.f32 v10  }
0xcb: {  	v12 =	vld [tilespmem:s11+$0x820];
	v32 =	vsel vm2, $0x3F800000, v2;
	v6 =	vmax.f32 v6, $0.0e+00;
	v4 =	vmax.f32 v4, $0.0e+00  }
0xcc: {  	v8 =	vmax.f32 v8, $0.0e+00;
	v11 =	vmax.f32 v11, $0.0e+00;
	v6 =	vmin.f32 v6, $5.110000000e+02  }
0xcd: {  	v4 =	vmin.f32 v4, $5.110000000e+02;
	v8 =	vmin.f32 v8, $5.110000000e+02;
	v11 =	vmin.f32 v11, $5.110000000e+02  }
0xce: {  	v10 =	vadd.f32 v10, v16;
	v15 =	vtrunc.f32 v6;
	v19 =	vtrunc.f32 v4  }
0xcf: {  	v20 =	vtrunc.f32 v8;
	v15 =	vcvt.f32.s32 v15;
	v5 =	vadd.f32 v5, v13  }
0xd0: {  	v13 =	vtrunc.f32 v11;
	v7 =	vadd.f32 v7, v14;
	v9 =	vadd.f32 v9, v12  }
0xd1: {  	v14 =	vcvt.f32.s32 v20;
	v10 =	vmax.f32 v10, $0.0e+00;
	v13 =	vcvt.f32.s32 v13  }
0xd2: {  	v10 =	vmin.f32 v10, $5.110000000e+02;
	v18 =	vcvt.s32.f32 v15;
	v5 =	vmax.f32 v5, $0.0e+00  }
0xd3: {  	v7 =	vmax.f32 v7, $0.0e+00;
	v9 =	vmax.f32 v9, $0.0e+00;
	v17 =	vcvt.s32.f32 v14  }
0xd4: {  	v25 =	vtrunc.f32 v10;
	v14 =	vshll.u32 v14, $0x9;
	v15 =	vshll.u32 v15, $0x9  }
0xd5: {  	v5 =	vmin.f32 v5, $5.110000000e+02;
	v20 =	vcvt.s32.f32 v13;
	v7 =	vmin.f32 v7, $5.110000000e+02  }
0xd6: {  	v9 =	vmin.f32 v9, $5.110000000e+02;
	v25 =	vcvt.f32.s32 v25;
	v13 =	vshll.u32 v13, $0x9  }
0xd7: {  	v6 =	vsub.f32 v6, v18;
	v18 =	vcvt.f32.s32 v19;
	v19 =	vsel vm0, $0x3F800000, v2  }
0xd8: {  	v23 =	vtrunc.f32 v5;
	v8 =	vsub.f32 v8, v17;
	v17 =	vtrunc.f32 v9  }
0xd9: {  	v23 =	vcvt.f32.s32 v23;
	v11 =	vsub.f32 v11, v20;
	v17 =	vcvt.f32.s32 v17  }
0xda: {  	v22 =	vcvt.s32.f32 v25;
	v25 =	vadd.s32 v25, v0;
	v12 =	vsub.f32 $1.000000000e+00, v6  }
0xdb: {  	v16 =	vcvt.s32.f32 v18;
	v27 =	vsub.f32 $1.000000000e+00, v8;
	v61 =	vshll.u32 v18, $0x9  }
0xdc: {  	v63 =	vmul.f32 v6, v19;
	v26 =	vcvt.s32.f32 v23;
	v28 =	vsub.f32 $1.000000000e+00, v11  }
0xdd: {  	v29 =	vcvt.s32.f32 v17;
	v23 =	vadd.s32 v23, v0;
	v31 =	vadd.s32 v17, v0  }
0xde: {  	v12 =	vmul.f32 v12, v19;
	v4 =	vsub.f32 v4, v16;
	v16 =	vtrunc.f32 v7  }
0xdf: {  	v6 =	vadd.s32 v61, v23;
	v16 =	vcvt.f32.s32 v16;
	v18 =	vsub.f32 v5, v26  }
0xe0: {  	v19 =	vadd.s32 $0x1, v6;
	v20 =	vsub.f32 $1.000000000e+00, v4;
	[tilespmem:s11+$0xC830] =	vst v12;
	v12 =	vmul.f32 v28, v32  }
0xe1: {  	v21 =	vcvt.s32.f32 v16;
	v30 =	vadd.s32 v16, v0;
	v16 =	vsel vm15, $0x3F800000, v2  }
0xe2: {  	[tilespmem:s11+$0xD830] =	vst v63;
	v17 =	vmul.f32 v20, v16;
	v20 =	vsel vm1, $0x3F800000, v2;
	v62 =	vmul.f32 v4, v16  }
0xe3: {  	v16 =	vsub.f32 v9, v29;
	v9 =	vmul.f32 v11, v32;
	v4 =	vadd.s32 v14, v30;
	[tilespmem:s11+$0xC820] =	vst v12  }
0xe4: {  	v5 =	vmul.f32 v27, v20;
	v8 =	vmul.f32 v8, v20;
	v20 =	vadd.s32 $0x200, v6;
	[tilespmem:s11+$0xC800] =	vst v17  }
0xe5: {  	v14 =	vadd.s32 $0x1, v4;
	v12 =	vadd.s32 $0x201, v4;
	v17 =	vsub.f32 v7, v21;
	[tilespmem:s11+$0xD800] =	vst v62  }
0xe6: {  	v21 =	vsub.f32 v10, v22;
	v7 =	vadd.s32 v13, v31;
	v13 =	vadd.s32 $0x200, v4;
	[tilespmem:s11+$0xD820] =	vst v9  }
0xe7: {  	s18 =	smov.u32 s30;
	[tilespmem:s11+$0xC810] =	vst v5;
	v5 =	vadd.s32 v15, v25;
	v15 =	vadd.s32 $0x201, v6;
	v10 =	vadd.s32 $0x1, v7  }
0xe8: {  	s9 =	sshll.u32 s20, $0xC;
	s12 =	simm.s32 $0x0;
	s13 =	simm.s32 $0x100;
	[tilespmem:s11+$0xD810] =	vst v8;
	v11 =	vadd.s32 $0x200, v7;
	v9 =	vadd.s32 $0x201, v7;
	v8 =	vadd.s32 $0x1, v5  }
.LBB2_7:
0xe9: {  	s15 =	sshra.s32 s13, $0x2;
	s12 =	sadd.s32 $0x4, s12;
	[tilespmem:s11+$0xB800] =	vst v18;
	v18 =	vadd.s32 $0x200, v5;
	v22 =	vadd.s32 $0x201, v5;
	s18 =	sadd.s32 $0x40, s18  }
0xea: {  	v23 =	vmov s18;
	v24 =	vor.u32 s18, v1;
	s16 =	sadd.s32 $0x10, s18;
	v25 =	vld [tilespmem:s15+$0x1830];
	s22 =	sadd.s32 $0x30, s18;
	p1 =	slt.u32 s12, $0x7C;
	[tilespmem:s11+$0xB810] =	vst v17  }
0xeb: {  	s14 =	sadd.s32 $0x20, s18;
	v17 =	vld [tilespmem:s15+$0x1800];
	v23 =	vshrl.u32 v23, $0x9;
	v26 =	vmov s16;
	v27 =	vmov s22;
	[tilespmem:s11+$0xB820] =	vst v16  }
0xec: {  	v28 =	vmov s14;
	v16 =	vld [tilespmem:s15+$0x1810];
	v26 =	vshrl.u32 v26, $0x9;
	v27 =	vshrl.u32 v27, $0x9;
	[tilespmem:s11+$0xB830] =	vst v21  }
0xed: {  	v28 =	vshrl.u32 v28, $0x9;
	v21 =	vcvt.s32.f32 v26;
	v26 =	vld [tilespmem:s15+$0x1820];
	v27 =	vcvt.s32.f32 v27;
	[tilespmem:s11+$0x5800] =	vst v19  }
0xee: {  	v29 =	vor.u32 s16, v1;
	v23 =	vcvt.s32.f32 v23;
	v28 =	vcvt.s32.f32 v28;
	v19 =	vld [tilespmem:s15+$0x800];
	[tilespmem:s11+$0x6000] =	vst v20  }
0xef: {  	v30 =	vor.u32 s14, v1;
	v31 =	vor.u32 s22, v1;
	v20 =	vld [tilespmem:s15+$0x810];
	v25 =	vadd.f32 v27, v25;
	[tilespmem:s11+$0x6800] =	vst v15  }
0xf0: {  	v27 =	vand.u32 $0x1FF, v30;
	v15 =	vadd.f32 v23, v17;
	v17 =	vand.u32 $0x1FF, v29;
	v23 =	vld [tilespmem:s15+$0x820];
	[tilespmem:s11+$0x5810] =	vst v14  }
0xf1: {  	v14 =	vadd.f32 v21, v16;
	v16 =	vld [tilespmem:s15+$0x830];
	v21 =	vand.u32 $0x1FF, v31;
	v25 =	vmax.f32 v25, $0.0e+00;
	[tilespmem:s11+$0x6010] =	vst v13  }
0xf2: {  	v24 =	vand.u32 $0x1FF, v24;
	v13 =	vld [tilespmem:s15+$0x2800];
	v26 =	vadd.f32 v28, v26;
	v25 =	vmin.f32 v25, $5.110000000e+02;
	[tilespmem:s11+$0x6810] =	vst v12  }
0xf3: {  	v12 =	vmax.f32 v15, $0.0e+00;
	v15 =	vld [tilespmem:s15+$0x2810];
	v14 =	vmax.f32 v14, $0.0e+00;
	v28 =	vtrunc.f32 v25;
	[tilespmem:s11+$0x5820] =	vst v10  }
0xf4: {  	v10 =	vcvt.s32.f32 v17;
	v17 =	vld [tilespmem:s15+$0x2820];
	v26 =	vmax.f32 v26, $0.0e+00;
	v28 =	vcvt.f32.s32 v28;
	[tilespmem:s11+$0x6020] =	vst v11  }
0xf5: {  	v21 =	vcvt.s32.f32 v21;
	v11 =	vmin.f32 v12, $5.110000000e+02;
	v12 =	vcvt.s32.f32 v27;
	v27 =	vld [tilespmem:s15+$0x2830];
	[tilespmem:s11+$0x6820] =	vst v9  }
0xf6: {  	v14 =	vmin.f32 v14, $5.110000000e+02;
	v9 =	vcvt.s32.f32 v24;
	v24 =	vcvt.s32.f32 v28;
	[tilespmem:s11+$0x5830] =	vst v8  }
0xf7: {  	v29 =	vtrunc.f32 v14;
	v26 =	vmin.f32 v26, $5.110000000e+02;
	v8 =	vtrunc.f32 v11;
	[tilespmem:s11+$0x6030] =	vst v18  }
0xf8: {  	v9 =	vadd.f32 v9, v19;
	v18 =	vtrunc.f32 v26;
	v19 =	vsub.f32 v25, v24;
	[tilespmem:s11+$0x6830] =	vst v22  }
0xf9: {  	v10 =	vadd.f32 v10, v20;
	v12 =	vadd.f32 v12, v23;
	v8 =	vcvt.f32.s32 v8;
	[tilespmem:s11+$0x5000] =	vst v6  }
0xfa: {  	v6 =	vadd.f32 v21, v16;
	vm0 =	vgt.s32 v27, $0x0;
	v16 =	vsub.f32 $1.000000000e+00, v19;
	[tilespmem:s11+$0x5010] =	vst v4  }
0xfb: {  	v18 =	vcvt.f32.s32 v18;
	v4 =	vcvt.f32.s32 v29;
	v20 =	vsel vm0, $0x3F800000, v2;
	[tilespmem:s11+$0x5020] =	vst v7  }
0xfc: {  	v7 =	vmax.f32 v9, $0.0e+00;
	v9 =	vmax.f32 v10, $0.0e+00;
	v10 =	vmul.f32 v16, v20;
	[tilespmem:s11+$0x5030] =	vst v5;
	s11 =	smov.u32 s15  }
0xfd: {  	v12 =	vmax.f32 v12, $0.0e+00;
	v6 =	vmax.f32 v6, $0.0e+00;
	v5 =	vcvt.s32.f32 v8  }
0xfe: {  	v21 =	vcvt.s32.f32 v18;
	v7 =	vmin.f32 v7, $5.110000000e+02;
	v16 =	vcvt.s32.f32 v4;
	[tilespmem:s11+$0xC830] =	vst v10  }
0xff: {  	v9 =	vmin.f32 v9, $5.110000000e+02;
	v10 =	vmin.f32 v12, $5.110000000e+02;
	v12 =	vmin.f32 v6, $5.110000000e+02  }
0x100: {  	v6 =	vtrunc.f32 v7;
	v5 =	vsub.f32 v11, v5;
	v11 =	vtrunc.f32 v9  }
0x101: {  	v14 =	vsub.f32 v14, v16;
	v16 =	vtrunc.f32 v10;
	v22 =	vtrunc.f32 v12  }
0x102: {  	v21 =	vsub.f32 v26, v21;
	v6 =	vcvt.f32.s32 v6;
	v11 =	vcvt.f32.s32 v11  }
0x103: {  	v23 =	vsub.f32 $1.000000000e+00, v5;
	v16 =	vcvt.f32.s32 v16;
	v22 =	vcvt.f32.s32 v22  }
0x104: {  	v26 =	vsub.f32 $1.000000000e+00, v21;
	v25 =	vsub.f32 $1.000000000e+00, v14;
	v24 =	vcvt.s32.f32 v6  }
0x105: {  	vm0 =	vgt.s32 v13, $0x0;
	v13 =	vcvt.s32.f32 v11;
	v27 =	vcvt.s32.f32 v16  }
0x106: {  	vm1 =	vgt.s32 v15, $0x0;
	vm2 =	vgt.s32 v17, $0x0;
	v15 =	vcvt.s32.f32 v22  }
0x107: {  	v8 =	vshll.u32 v8, $0x9;
	v4 =	vshll.u32 v4, $0x9;
	v6 =	vadd.s32 v6, v0  }
0x108: {  	v29 =	vshll.u32 v18, $0x9;
	v11 =	vadd.s32 v11, v0;
	v30 =	vadd.s32 v16, v0  }
0x109: {  	v28 =	vshll.u32 v28, $0x9;
	v16 =	vsel vm0, $0x3F800000, v2;
	v22 =	vadd.s32 v22, v0  }
0x10a: {  	v31 =	vsel vm2, $0x3F800000, v2;
	v17 =	vmul.f32 v23, v16;
	v23 =	vsel vm1, $0x3F800000, v2  }
0x10b: {  	v18 =	vsub.f32 v7, v24;
	v24 =	vmul.f32 v26, v31;
	v7 =	vmul.f32 v25, v23  }
0x10c: {  	v5 =	vmul.f32 v5, v16;
	[tilespmem:s11+$0xC800] =	vst v17;
	v17 =	vsub.f32 v9, v13;
	v9 =	vmul.f32 v14, v23  }
0x10d: {  	v16 =	vsub.f32 v10, v27;
	v25 =	vmul.f32 v19, v20;
	v23 =	vmul.f32 v21, v31;
	[tilespmem:s11+$0xC810] =	vst v7  }
.Ltmp2:
0x10e: {  	v6 =	vadd.s32 v8, v6;
	v4 =	vadd.s32 v4, v11;
	v21 =	vsub.f32 v12, v15;
	[tilespmem:s11+$0xC820] =	vst v24;
	(pc) =	sbr.rel @p1 .LBB2_7-.Ltmp2, $4  }
0x10f: {  	v19 =	vadd.s32 $0x1, v6;
	v7 =	vadd.s32 v29, v30;
	[tilespmem:s11+$0xD800] =	vst v5;
	v5 =	vadd.s32 v28, v22  }
0x110: {  	v20 =	vadd.s32 $0x200, v6;
	v15 =	vadd.s32 $0x201, v6;
	v14 =	vadd.s32 $0x1, v4;
	[tilespmem:s11+$0xD810] =	vst v9  }
0x111: {  	v13 =	vadd.s32 $0x200, v4;
	v12 =	vadd.s32 $0x201, v4;
	v10 =	vadd.s32 $0x1, v7;
	[tilespmem:s11+$0xD820] =	vst v23  }
0x112: {  	s13 =	sadd.s32 $0x100, s13;
	v11 =	vadd.s32 $0x200, v7;
	v9 =	vadd.s32 $0x201, v7;
	v8 =	vadd.s32 $0x1, v5;
	[tilespmem:s11+$0xD830] =	vst v25  }
0x113: {  	[tilespmem:s11+$0xB800] =	vst v18  }
0x114: {  	[tilespmem:s11+$0xB810] =	vst v17  }
0x115: {  	[tilespmem:s11+$0xB820] =	vst v16  }
0x116: {  	[tilespmem:s11+$0xB830] =	vst v21  }
0x117: {  	[tilespmem:s11+$0x5800] =	vst v19  }
0x118: {  	[tilespmem:s11+$0x6000] =	vst v20  }
0x119: {  	[tilespmem:s11+$0x6800] =	vst v15  }
0x11a: {  	[tilespmem:s11+$0x5810] =	vst v14  }
0x11b: {  	[tilespmem:s11+$0x6010] =	vst v13  }
0x11c: {  	[tilespmem:s11+$0x6810] =	vst v12  }
0x11d: {  	[tilespmem:s11+$0x5820] =	vst v10  }
0x11e: {  	[tilespmem:s11+$0x6020] =	vst v11  }
0x11f: {  	[tilespmem:s11+$0x6820] =	vst v9  }
0x120: {  	[tilespmem:s11+$0x5830] =	vst v8  }
0x121: {  	[tilespmem:s11+$0x5000] =	vst v6  }
0x122: {  	[tilespmem:s11+$0x5010] =	vst v4  }
0x123: {  	[tilespmem:s11+$0x5020] =	vst v7  }
0x124: {  	v62 =	vadd.s32 $0x200, v5;
	[tilespmem:s11+$0x5030] =	vst v5  }
0x125: {  	v63 =	vadd.s32 $0x201, v5;
	s14 =	simm.s32 $0x9000;
	[tilespmem:s11+$0x6030] =	vst v62  }
0x126: {  	s12 =	simm.s32 $0x5000;
	s15 =	simm.s32 $0x9800;
	s16 =	simm.s32 $0x5800;
	[tilespmem:s11+$0x6830] =	vst v63  }
0x127: {  	[tilespmem:s14], [sflag:$0x2] =	stream.indirect.gather [spmem:s2], $0x1, s12, s24, $0xb8;
	[tilespmem:$0x1E0C0] =	vst v63  }
0x128: {  	s18 =	simm.s32 $0xA000;
	s22 =	simm.s32 $0x6000;
	s13 =	simm.s32 $0xA800  }
0x129: {  	[tilespmem:s15], [sflag:$0x2] =	stream.indirect.gather [spmem:s2], $0x1, s16, s24, $0xb8;
	[tilespmem:$0x1E0C0] =	vst v63  }
0x12a: {  	s11 =	simm.s32 $0x80;
	s12 =	simm.s32 $0x400;
	s15 =	simm.s32 $0x6800  }
0x12b: {  	[tilespmem:s18], [sflag:$0x2] =	stream.indirect.gather [spmem:s2], $0x1, s22, s24, $0xb8;
	[tilespmem:$0x1E0C0] =	vst v63  }
.LBB2_9:
0x12c: {  	[tilespmem:s13], [sflag:$0x2] =	stream.indirect.gather [spmem:s2], $0x1, s15, s24, $0xb8;
	[tilespmem:$0x1E0C0] =	vst v63  }
0x12d: {  	s14 =	smov.u32 s11;
	s11 =	smov.u32 s12;
	p1 =	sne.s32 s12, $0x1E00  }
0x12e: {  	s11 =	sshra.s32 s12, $0x2;
	s13 =	sadd.s32 $0x9000, s14;
	s15 =	sadd.s32 $0x5000, s14  }
0x12f: {  	[tilespmem:s13], [sflag:$0x2] =	stream.indirect.gather [spmem:s2], $0x1, s15, s24, $0xb8;
	[tilespmem:$0x1E0C0] =	vst v63  }
.Ltmp3:
0x130: {  	s13 =	sadd.s32 $0x9800, s14;
	s15 =	sadd.s32 $0x5800, s14;
	(pc) =	sbr.rel @p1 .LBB2_9-.Ltmp3, $4  }
0x131: {  	[tilespmem:s13], [sflag:$0x2] =	stream.indirect.gather [spmem:s2], $0x1, s15, s24, $0xb8;
	[tilespmem:$0x1E0C0] =	vst v63  }
0x132: {  	s16 =	sadd.s32 $0x200, s12;
	s13 =	sadd.s32 $0xA000, s14;
	s15 =	sadd.s32 $0x6000, s14  }
0x133: {  	[tilespmem:s13], [sflag:$0x2] =	stream.indirect.gather [spmem:s2], $0x1, s15, s24, $0xb8;
	[tilespmem:$0x1E0C0] =	vst v63  }
0x134: {  	s12 =	smov.u32 s16;
	s13 =	sadd.s32 $0xA800, s14;
	s15 =	sadd.s32 $0x6800, s14  }
0x135: {  	[tilespmem:s13], [sflag:$0x2] =	stream.indirect.gather [spmem:s2], $0x1, s15, s24, $0xb8;
	[tilespmem:$0x1E0C0] =	vst v63  }
0x136: {  	s12 =	sadd.s32 $0x9000, s11;
	s14 =	sadd.s32 $0x5000, s11  }
0x137: {  	[tilespmem:s12], [sflag:$0x2] =	stream.indirect.gather [spmem:s2], $0x1, s14, s24, $0xb8;
	[tilespmem:$0x1E0C0] =	vst v63  }
0x138: {  	s15 =	sadd.s32 $0x9800, s11;
	s16 =	sadd.s32 $0x5800, s11;
	s18 =	sadd.s32 $0xA000, s11  }
0x139: {  	[tilespmem:s15], [sflag:$0x2] =	stream.indirect.gather [spmem:s2], $0x1, s16, s24, $0xb8;
	[tilespmem:$0x1E0C0] =	vst v63  }
0x13a: {  	s22 =	sadd.s32 $0x6000, s11;
	p1 =	seq.s32 s20, $0x7;
	s16 =	sshll.u32 s20, $0x1  }
0x13b: {  	s14 =	sadd.s32 $0xA800, s11;
	s15 =	sadd.s32 $0x6800, s11;
	s11 =	sadd.s32 $0x2, s16  }
0x13c: {  	[tilespmem:s18], [sflag:$0x2] =	stream.indirect.gather [spmem:s2], $0x1, s22, s24, $0xb8;
	[tilespmem:$0x1E0C0] =	vst v63  }
0x13d: {  	s11 =	sshll.u32 @!p1 s11, $0xB  }
0x13e: {  	s12 =	sadd.s32 @!p1 s6, s11  }
0x13f: {  	[tilespmem:s14], [sflag:$0x2] =	stream.indirect.gather [spmem:s2], $0x1, s15, s24, $0xb8;
	[tilespmem:$0x1E0C0] =	vst v63  }
0x140: {  	s12 =	sshrl.u32 @!p1 s12, $0x3  }
0x141: {  	s13 =	sadd.s32 @!p1 s7, s11;
	s14 =	simm.s32 @!p1 $0x0;
	s12 =	sadd.s32 @!p1 s4, s12  }
0x142: {  	[tilespmem:s14], [sflag:$0x1] =	stream.linear.gather @!p1 [hbm4b:s12+s14], $0x800, $0x38;
	[tilespmem:$0x1E0C0] =	vst v63  }
0x143: {  	s11 =	sadd.s32 @!p1 s5, s11;
	s12 =	sshrl.u32 @!p1 s13, $0x3  }
0x144: {  	s11 =	sshrl.u32 @!p1 s11, $0x3;
	s13 =	simm.s32 @!p1 $0x1000;
	s12 =	sadd.s32 @!p1 s4, s12  }
0x145: {  	[tilespmem:s13], [sflag:$0x1] =	stream.linear.gather @!p1 [hbm4b:s12+s14], $0x800, $0x38;
	[tilespmem:$0x1E0C0] =	vst v63  }
0x146: {  	s11 =	sadd.s32 @!p1 s1, s11;
	s12 =	simm.s32 @!p1 $0x2000  }
0x147: {  	[tilespmem:s12], [sflag:$0x1] =	stream.linear.gather @!p1 [hbm4b:s11+s14], $0x800, $0x38;
	[tilespmem:$0x1E0C0] =	vst v63  }
0x148: {  	_ =	swait.ge [sflag:s29], $0x800  }
0x149: {  	[sflag:s29] =	ssyncset.done $0x0  }
0x14a: {  	[sflag:s29] =	ssyncadd.s32 $0xFFFFF800  }
0x14b: {  	_ =	swait.ge [sflag:s29], $0x800  }
0x14c: {  	[sflag:s29] =	ssyncset.done $0x0  }
0x14d: {  	[sflag:s29] =	ssyncadd.s32 $0xFFFFF800  }
0x14e: {  	_ =	swait.ge [sflag:s29], $0x800  }
0x14f: {  	[sflag:s29] =	ssyncset.done $0x0  }
0x150: {  	[sflag:s29] =	ssyncadd.s32 $0xFFFFF800  }
0x151: {  	_ =	swait.ge [sflag:s29], $0x800  }
0x152: {  	[sflag:s29] =	ssyncset.done $0x0  }
0x153: {  	s18 =	simm.s32 $0x0;
	[sflag:s29] =	ssyncadd.s32 $0xFFFFF800  }
0x154: {  	v4 =	vld [tilespmem:s18+$0xB000]  }
0x155: {  	v6 =	vld [tilespmem:s18+$0x7000]  }
0x156: {  	v7 =	vld [tilespmem:s18+$0x7800]  }
0x157: {  	v9 =	vld [tilespmem:s18+$0x8000]  }
0x158: {  	v10 =	vld [tilespmem:s18+$0x8800]  }
0x159: {  	v12 =	vld [tilespmem:s18+$0xD000];
	v11 =	vsub.f32 $1.000000000e+00, v4  }
0x15a: {  	s22 =	simm.s32 $0x10;
	v13 =	vld [tilespmem:s18+$0xC000]  }
0x15b: {  	v5 =	vld [tilespmem:s22+$0xB000];
	v7 =	vmul.f32 v7, v4;
	v14 =	vmul.f32 v11, v6  }
0x15c: {  	v8 =	vld [tilespmem:s22+$0x7800]  }
0x15d: {  	v4 =	vmul.f32 v10, v4;
	v6 =	vld [tilespmem:s22+$0x7000];
	v11 =	vmul.f32 v9, v11;
	v14 =	vadd.f32 v7, v14  }
0x15e: {  	v9 =	vld [tilespmem:s22+$0x8800]  }
0x15f: {  	v7 =	vld [tilespmem:s22+$0x8000];
	v15 =	vadd.f32 v4, v11;
	v13 =	vmul.f32 v13, v14  }
0x160: {  	v4 =	vld [tilespmem:s22+$0xD000];
	v11 =	vsub.f32 $1.000000000e+00, v5  }
0x161: {  	s11 =	simm.s32 $0x20;
	s12 =	simm.s32 $0xC0;
	v10 =	vld [tilespmem:s22+$0xC000];
	v12 =	vmul.f32 v12, v15;
	v3 =	vadd.f32 v13, v3  }
.LBB2_11:
0x162: {  	p2 =	sne.s32 s12, $0x1FC0;
	v13 =	vld [tilespmem:s11+$0xB000];
	v16 =	vmul.f32 v11, v6;
	v15 =	vmul.f32 v8, v5  }
0x163: {  	v6 =	vld [tilespmem:s11+$0x7000];
	v3 =	vadd.f32 v12, v3  }
.Ltmp4:
0x164: {  	v11 =	vmul.f32 v7, v11;
	v8 =	vld [tilespmem:s11+$0x7800];
	v12 =	vadd.f32 v15, v16;
	v16 =	vmul.f32 v9, v5;
	(pc) =	sbr.rel @p2 .LBB2_11-.Ltmp4, $4  }
0x165: {  	v7 =	vld [tilespmem:s11+$0x8000];
	v14 =	vmov v4  }
0x166: {  	v9 =	vld [tilespmem:s11+$0x8800];
	v15 =	vadd.f32 v16, v11;
	v12 =	vmul.f32 v10, v12  }
0x167: {  	v11 =	vsub.f32 $1.000000000e+00, v13;
	v4 =	vld [tilespmem:s11+$0xD000];
	v5 =	vmov v13  }
0x168: {  	v10 =	vld [tilespmem:s11+$0xC000];
	s11 =	sshra.s32 s12, $0x2;
	s12 =	sadd.s32 $0x40, s12;
	v3 =	vadd.f32 v12, v3;
	v12 =	vmul.f32 v14, v15  }
0x169: {  	v13 =	vld [tilespmem:s11+$0xB000]  }
0x16a: {  	v14 =	vld [tilespmem:s11+$0x7000]  }
0x16b: {  	v6 =	vmul.f32 v11, v6;
	v8 =	vmul.f32 v8, v5;
	v15 =	vld [tilespmem:s11+$0x7800]  }
0x16c: {  	v57 =	vld [tilespmem:s11+$0x8800]  }
0x16d: {  	v16 =	vld [tilespmem:s11+$0x8000];
	v6 =	vadd.f32 v8, v6  }
0x16e: {  	v7 =	vmul.f32 v7, v11;
	v5 =	vmul.f32 v9, v5;
	v58 =	vsub.f32 $1.000000000e+00, v13  }
0x16f: {  	v59 =	vld [tilespmem:s11+$0xC000];
	v3 =	vadd.f32 v12, v3;
	v6 =	vmul.f32 v10, v6  }
0x170: {  	v5 =	vadd.f32 v5, v7;
	v61 =	vmul.f32 v15, v13;
	v60 =	vmul.f32 v58, v14  }
0x171: {  	v62 =	vld [tilespmem:s11+$0xD000];
	v8 =	vmul.f32 v57, v13;
	v3 =	vadd.f32 v6, v3  }
0x172: {  	v4 =	vmul.f32 v4, v5;
	v63 =	vmul.f32 v16, v58;
	v5 =	vadd.f32 v61, v60;
	_ =	sdelay $0x1  }
.Ltmp5:
0x173: {  	v3 =	vadd.f32 v4, v3;
	v4 =	vadd.f32 v8, v63;
	v5 =	vmul.f32 v59, v5;
	(pc) =	sbr.rel @p1 .LBB2_18-.Ltmp5, $3  }
0x174: {  	_ = 	snop  }
0x175: {  	v4 =	vmul.f32 v62, v4;
	v3 =	vadd.f32 v5, v3;
	_ =	sdelay $0x1  }
0x176: {  	v3 =	vadd.f32 v4, v3  }
0x177: {  	_ =	swait.ge [sflag:s23], $0x800  }
0x178: {  	[sflag:s23] =	ssyncset.done $0x0  }
0x179: {  	[sflag:s23] =	ssyncadd.s32 $0xFFFFF800  }
0x17a: {  	_ =	swait.ge [sflag:s23], $0x800  }
0x17b: {  	[sflag:s23] =	ssyncset.done $0x0  }
0x17c: {  	[sflag:s23] =	ssyncadd.s32 $0xFFFFF800  }
0x17d: {  	_ =	swait.ge [sflag:s23], $0x800  }
0x17e: {  	[sflag:s23] =	ssyncset.done $0x0  }
0x17f: {  	s11 =	simm.s32 $0x0;
	[sflag:s23] =	ssyncadd.s32 $0xFFFFF800  }
0x180: {  	v6 =	vld [tilespmem:s11+$0x1030]  }
0x181: {  	v7 =	vld [tilespmem:s11+$0x1000]  }
0x182: {  	v4 =	vmov s19;
	v5 =	vor.u32 s19, v1;
	s12 =	sadd.s32 $0x10, s19;
	s13 =	sadd.s32 $0x30, s19;
	v10 =	vld [tilespmem:s11+$0x1010]  }
0x183: {  	s14 =	sadd.s32 $0x20, s19;
	v4 =	vshrl.u32 v4, $0x9;
	v8 =	vmov s12;
	v9 =	vmov s13;
	v12 =	vld [tilespmem:s11+$0x1020]  }
0x184: {  	v11 =	vmov s14;
	v13 =	vor.u32 s12, v1;
	v14 =	vor.u32 s14, v1;
	v17 =	vld [tilespmem:s11+$0x2030]  }
0x185: {  	v15 =	vor.u32 s13, v1;
	v5 =	vand.u32 $0x1CF, v5;
	v9 =	vshrl.u32 v9, $0x9;
	v21 =	vld [tilespmem:s11+$0x2000]  }
0x186: {  	v8 =	vshrl.u32 v8, $0x9;
	v4 =	vcvt.s32.f32 v4;
	v9 =	vcvt.s32.f32 v9;
	v22 =	vld [tilespmem:s11+$0x2010]  }
0x187: {  	v11 =	vshrl.u32 v11, $0x9;
	v5 =	vcvt.s32.f32 v5;
	v8 =	vcvt.s32.f32 v8;
	v24 =	vld [tilespmem:s11+$0x2020]  }
0x188: {  	v11 =	vcvt.s32.f32 v11;
	v6 =	vadd.f32 v9, v6;
	v4 =	vadd.f32 v4, v7  }
0x189: {  	v7 =	vand.u32 $0x1FF, v13;
	v9 =	vand.u32 $0x1FF, v14;
	v8 =	vadd.f32 v8, v10  }
0x18a: {  	v16 =	vld [tilespmem:s11+$0x30];
	v10 =	vand.u32 $0x1FF, v15;
	v11 =	vadd.f32 v11, v12;
	vm0 =	vgt.s32 v17, $0x0  }
0x18b: {  	v13 =	vld [tilespmem:s11+$0x0];
	vm15 =	vgt.s32 v21, $0x0;
	vm1 =	vgt.s32 v22, $0x0;
	v7 =	vcvt.s32.f32 v7  }
0x18c: {  	v14 =	vld [tilespmem:s11+$0x10];
	vm2 =	vgt.s32 v24, $0x0;
	v9 =	vcvt.s32.f32 v9;
	v10 =	vcvt.s32.f32 v10  }
0x18d: {  	v12 =	vld [tilespmem:s11+$0x20];
	v32 =	vsel vm2, $0x3F800000, v2;
	v6 =	vmax.f32 v6, $0.0e+00;
	v4 =	vmax.f32 v4, $0.0e+00  }
0x18e: {  	v8 =	vmax.f32 v8, $0.0e+00;
	v11 =	vmax.f32 v11, $0.0e+00;
	v6 =	vmin.f32 v6, $5.110000000e+02  }
0x18f: {  	v4 =	vmin.f32 v4, $5.110000000e+02;
	v8 =	vmin.f32 v8, $5.110000000e+02;
	v11 =	vmin.f32 v11, $5.110000000e+02  }
0x190: {  	v10 =	vadd.f32 v10, v16;
	v15 =	vtrunc.f32 v6;
	v19 =	vtrunc.f32 v4  }
0x191: {  	v20 =	vtrunc.f32 v8;
	v15 =	vcvt.f32.s32 v15;
	v5 =	vadd.f32 v5, v13  }
0x192: {  	v13 =	vtrunc.f32 v11;
	v7 =	vadd.f32 v7, v14;
	v9 =	vadd.f32 v9, v12  }
0x193: {  	v14 =	vcvt.f32.s32 v20;
	v10 =	vmax.f32 v10, $0.0e+00;
	v13 =	vcvt.f32.s32 v13  }
0x194: {  	v10 =	vmin.f32 v10, $5.110000000e+02;
	v18 =	vcvt.s32.f32 v15;
	v5 =	vmax.f32 v5, $0.0e+00  }
0x195: {  	v7 =	vmax.f32 v7, $0.0e+00;
	v9 =	vmax.f32 v9, $0.0e+00;
	v17 =	vcvt.s32.f32 v14  }
0x196: {  	v25 =	vtrunc.f32 v10;
	v14 =	vshll.u32 v14, $0x9;
	v15 =	vshll.u32 v15, $0x9  }
0x197: {  	v5 =	vmin.f32 v5, $5.110000000e+02;
	v20 =	vcvt.s32.f32 v13;
	v7 =	vmin.f32 v7, $5.110000000e+02  }
0x198: {  	v9 =	vmin.f32 v9, $5.110000000e+02;
	v25 =	vcvt.f32.s32 v25;
	v13 =	vshll.u32 v13, $0x9  }
0x199: {  	v6 =	vsub.f32 v6, v18;
	v18 =	vcvt.f32.s32 v19;
	v19 =	vsel vm0, $0x3F800000, v2  }
0x19a: {  	v23 =	vtrunc.f32 v5;
	v8 =	vsub.f32 v8, v17;
	v17 =	vtrunc.f32 v9  }
0x19b: {  	v23 =	vcvt.f32.s32 v23;
	v11 =	vsub.f32 v11, v20;
	v17 =	vcvt.f32.s32 v17  }
0x19c: {  	v22 =	vcvt.s32.f32 v25;
	v25 =	vadd.s32 v25, v0;
	v12 =	vsub.f32 $1.000000000e+00, v6  }
0x19d: {  	v16 =	vcvt.s32.f32 v18;
	v27 =	vsub.f32 $1.000000000e+00, v8;
	v61 =	vshll.u32 v18, $0x9  }
0x19e: {  	v63 =	vmul.f32 v6, v19;
	v26 =	vcvt.s32.f32 v23;
	v28 =	vsub.f32 $1.000000000e+00, v11  }
0x19f: {  	v29 =	vcvt.s32.f32 v17;
	v23 =	vadd.s32 v23, v0;
	v31 =	vadd.s32 v17, v0  }
0x1a0: {  	v12 =	vmul.f32 v12, v19;
	v4 =	vsub.f32 v4, v16;
	v16 =	vtrunc.f32 v7  }
0x1a1: {  	v6 =	vadd.s32 v61, v23;
	v16 =	vcvt.f32.s32 v16;
	v18 =	vsub.f32 v5, v26  }
0x1a2: {  	v19 =	vadd.s32 $0x1, v6;
	v20 =	vsub.f32 $1.000000000e+00, v4;
	[tilespmem:s11+$0xC030] =	vst v12;
	v12 =	vmul.f32 v28, v32  }
0x1a3: {  	v21 =	vcvt.s32.f32 v16;
	v30 =	vadd.s32 v16, v0;
	v16 =	vsel vm15, $0x3F800000, v2  }
0x1a4: {  	[tilespmem:s11+$0xD030] =	vst v63;
	v17 =	vmul.f32 v20, v16;
	v20 =	vsel vm1, $0x3F800000, v2;
	v62 =	vmul.f32 v4, v16  }
0x1a5: {  	v16 =	vsub.f32 v9, v29;
	v9 =	vmul.f32 v11, v32;
	v4 =	vadd.s32 v14, v30;
	[tilespmem:s11+$0xC020] =	vst v12  }
0x1a6: {  	v5 =	vmul.f32 v27, v20;
	v8 =	vmul.f32 v8, v20;
	v20 =	vadd.s32 $0x200, v6;
	[tilespmem:s11+$0xC000] =	vst v17  }
0x1a7: {  	v14 =	vadd.s32 $0x1, v4;
	v12 =	vadd.s32 $0x201, v4;
	v17 =	vsub.f32 v7, v21;
	[tilespmem:s11+$0xD000] =	vst v62  }
0x1a8: {  	v21 =	vsub.f32 v10, v22;
	v7 =	vadd.s32 v13, v31;
	v13 =	vadd.s32 $0x200, v4;
	[tilespmem:s11+$0xD020] =	vst v9  }
0x1a9: {  	[tilespmem:s11+$0xC010] =	vst v5;
	v5 =	vadd.s32 v15, v25;
	v15 =	vadd.s32 $0x201, v6;
	v11 =	vadd.s32 $0x1, v7  }
0x1aa: {  	s18 =	smov.u32 s19;
	s12 =	simm.s32 $0x0;
	s13 =	simm.s32 $0x100;
	[tilespmem:s11+$0xD010] =	vst v8;
	v10 =	vadd.s32 $0x200, v7;
	v9 =	vadd.s32 $0x201, v7;
	v8 =	vadd.s32 $0x1, v5  }
.LBB2_14:
0x1ab: {  	s15 =	sshra.s32 s13, $0x2;
	s12 =	sadd.s32 $0x4, s12;
	[tilespmem:s11+$0xB000] =	vst v18;
	v18 =	vadd.s32 $0x200, v5;
	v22 =	vadd.s32 $0x201, v5;
	s18 =	sadd.s32 $0x40, s18  }
0x1ac: {  	v23 =	vmov s18;
	v24 =	vor.u32 s18, v1;
	s14 =	sadd.s32 $0x10, s18;
	v25 =	vld [tilespmem:s15+$0x1030];
	s16 =	sadd.s32 $0x30, s18;
	p1 =	slt.u32 s12, $0x7C;
	[tilespmem:s11+$0xB010] =	vst v17  }
0x1ad: {  	s22 =	sadd.s32 $0x20, s18;
	v17 =	vld [tilespmem:s15+$0x1000];
	v23 =	vshrl.u32 v23, $0x9;
	v26 =	vmov s14;
	v27 =	vmov s16;
	[tilespmem:s11+$0xB020] =	vst v16  }
0x1ae: {  	v28 =	vmov s22;
	v16 =	vld [tilespmem:s15+$0x1010];
	v26 =	vshrl.u32 v26, $0x9;
	v27 =	vshrl.u32 v27, $0x9;
	[tilespmem:s11+$0xB030] =	vst v21  }
0x1af: {  	v28 =	vshrl.u32 v28, $0x9;
	v21 =	vcvt.s32.f32 v26;
	v26 =	vld [tilespmem:s15+$0x1020];
	v27 =	vcvt.s32.f32 v27;
	[tilespmem:s11+$0x3800] =	vst v19  }
0x1b0: {  	v29 =	vor.u32 s14, v1;
	v23 =	vcvt.s32.f32 v23;
	v28 =	vcvt.s32.f32 v28;
	v19 =	vld [tilespmem:s15+$0x0];
	[tilespmem:s11+$0x4000] =	vst v20  }
0x1b1: {  	v30 =	vor.u32 s22, v1;
	v31 =	vor.u32 s16, v1;
	v20 =	vld [tilespmem:s15+$0x10];
	v25 =	vadd.f32 v27, v25;
	[tilespmem:s11+$0x4800] =	vst v15  }
0x1b2: {  	v27 =	vand.u32 $0x1FF, v30;
	v15 =	vadd.f32 v23, v17;
	v17 =	vand.u32 $0x1FF, v29;
	v23 =	vld [tilespmem:s15+$0x20];
	[tilespmem:s11+$0x3810] =	vst v14  }
0x1b3: {  	v14 =	vadd.f32 v21, v16;
	v16 =	vld [tilespmem:s15+$0x30];
	v21 =	vand.u32 $0x1FF, v31;
	v25 =	vmax.f32 v25, $0.0e+00;
	[tilespmem:s11+$0x4010] =	vst v13  }
0x1b4: {  	v24 =	vand.u32 $0x1CF, v24;
	v13 =	vld [tilespmem:s15+$0x2000];
	v26 =	vadd.f32 v28, v26;
	v25 =	vmin.f32 v25, $5.110000000e+02;
	[tilespmem:s11+$0x4810] =	vst v12  }
0x1b5: {  	v12 =	vmax.f32 v15, $0.0e+00;
	v15 =	vld [tilespmem:s15+$0x2010];
	v14 =	vmax.f32 v14, $0.0e+00;
	v28 =	vtrunc.f32 v25;
	[tilespmem:s11+$0x3820] =	vst v11  }
0x1b6: {  	v11 =	vcvt.s32.f32 v17;
	v17 =	vld [tilespmem:s15+$0x2020];
	v26 =	vmax.f32 v26, $0.0e+00;
	v28 =	vcvt.f32.s32 v28;
	[tilespmem:s11+$0x4020] =	vst v10  }
0x1b7: {  	v21 =	vcvt.s32.f32 v21;
	v10 =	vmin.f32 v12, $5.110000000e+02;
	v12 =	vcvt.s32.f32 v27;
	v27 =	vld [tilespmem:s15+$0x2030];
	[tilespmem:s11+$0x4820] =	vst v9  }
0x1b8: {  	v14 =	vmin.f32 v14, $5.110000000e+02;
	v9 =	vcvt.s32.f32 v24;
	v24 =	vcvt.s32.f32 v28;
	[tilespmem:s11+$0x3830] =	vst v8  }
0x1b9: {  	v29 =	vtrunc.f32 v14;
	v26 =	vmin.f32 v26, $5.110000000e+02;
	v8 =	vtrunc.f32 v10;
	[tilespmem:s11+$0x4030] =	vst v18  }
0x1ba: {  	v9 =	vadd.f32 v9, v19;
	v18 =	vtrunc.f32 v26;
	v19 =	vsub.f32 v25, v24;
	[tilespmem:s11+$0x4830] =	vst v22  }
0x1bb: {  	v11 =	vadd.f32 v11, v20;
	v12 =	vadd.f32 v12, v23;
	v8 =	vcvt.f32.s32 v8;
	[tilespmem:s11+$0x3000] =	vst v6  }
0x1bc: {  	v6 =	vadd.f32 v21, v16;
	vm0 =	vgt.s32 v27, $0x0;
	v16 =	vsub.f32 $1.000000000e+00, v19;
	[tilespmem:s11+$0x3010] =	vst v4  }
0x1bd: {  	v18 =	vcvt.f32.s32 v18;
	v4 =	vcvt.f32.s32 v29;
	v20 =	vsel vm0, $0x3F800000, v2;
	[tilespmem:s11+$0x3020] =	vst v7  }
0x1be: {  	v7 =	vmax.f32 v9, $0.0e+00;
	v9 =	vmax.f32 v11, $0.0e+00;
	v11 =	vmul.f32 v16, v20;
	[tilespmem:s11+$0x3030] =	vst v5;
	s11 =	smov.u32 s15  }
0x1bf: {  	v12 =	vmax.f32 v12, $0.0e+00;
	v6 =	vmax.f32 v6, $0.0e+00;
	v5 =	vcvt.s32.f32 v8  }
0x1c0: {  	v21 =	vcvt.s32.f32 v18;
	v7 =	vmin.f32 v7, $5.110000000e+02;
	v16 =	vcvt.s32.f32 v4;
	[tilespmem:s11+$0xC030] =	vst v11  }
0x1c1: {  	v9 =	vmin.f32 v9, $5.110000000e+02;
	v11 =	vmin.f32 v12, $5.110000000e+02;
	v12 =	vmin.f32 v6, $5.110000000e+02  }
0x1c2: {  	v6 =	vtrunc.f32 v7;
	v5 =	vsub.f32 v10, v5;
	v10 =	vtrunc.f32 v9  }
0x1c3: {  	v14 =	vsub.f32 v14, v16;
	v16 =	vtrunc.f32 v11;
	v22 =	vtrunc.f32 v12  }
0x1c4: {  	v21 =	vsub.f32 v26, v21;
	v6 =	vcvt.f32.s32 v6;
	v10 =	vcvt.f32.s32 v10  }
0x1c5: {  	v23 =	vsub.f32 $1.000000000e+00, v5;
	v16 =	vcvt.f32.s32 v16;
	v22 =	vcvt.f32.s32 v22  }
0x1c6: {  	v26 =	vsub.f32 $1.000000000e+00, v21;
	v25 =	vsub.f32 $1.000000000e+00, v14;
	v24 =	vcvt.s32.f32 v6  }
0x1c7: {  	vm0 =	vgt.s32 v13, $0x0;
	v13 =	vcvt.s32.f32 v10;
	v27 =	vcvt.s32.f32 v16  }
0x1c8: {  	vm1 =	vgt.s32 v15, $0x0;
	vm2 =	vgt.s32 v17, $0x0;
	v15 =	vcvt.s32.f32 v22  }
0x1c9: {  	v8 =	vshll.u32 v8, $0x9;
	v4 =	vshll.u32 v4, $0x9;
	v6 =	vadd.s32 v6, v0  }
0x1ca: {  	v29 =	vshll.u32 v18, $0x9;
	v10 =	vadd.s32 v10, v0;
	v30 =	vadd.s32 v16, v0  }
0x1cb: {  	v28 =	vshll.u32 v28, $0x9;
	v16 =	vsel vm0, $0x3F800000, v2;
	v22 =	vadd.s32 v22, v0  }
0x1cc: {  	v31 =	vsel vm2, $0x3F800000, v2;
	v17 =	vmul.f32 v23, v16;
	v23 =	vsel vm1, $0x3F800000, v2  }
0x1cd: {  	v18 =	vsub.f32 v7, v24;
	v24 =	vmul.f32 v26, v31;
	v7 =	vmul.f32 v25, v23  }
0x1ce: {  	v5 =	vmul.f32 v5, v16;
	[tilespmem:s11+$0xC000] =	vst v17;
	v17 =	vsub.f32 v9, v13;
	v9 =	vmul.f32 v14, v23  }
0x1cf: {  	v16 =	vsub.f32 v11, v27;
	v25 =	vmul.f32 v19, v20;
	v23 =	vmul.f32 v21, v31;
	[tilespmem:s11+$0xC010] =	vst v7  }
.Ltmp6:
0x1d0: {  	v6 =	vadd.s32 v8, v6;
	v4 =	vadd.s32 v4, v10;
	v21 =	vsub.f32 v12, v15;
	[tilespmem:s11+$0xC020] =	vst v24;
	(pc) =	sbr.rel @p1 .LBB2_14-.Ltmp6, $4  }
0x1d1: {  	v19 =	vadd.s32 $0x1, v6;
	v7 =	vadd.s32 v29, v30;
	[tilespmem:s11+$0xD000] =	vst v5;
	v5 =	vadd.s32 v28, v22  }
0x1d2: {  	v20 =	vadd.s32 $0x200, v6;
	v15 =	vadd.s32 $0x201, v6;
	v14 =	vadd.s32 $0x1, v4;
	[tilespmem:s11+$0xD010] =	vst v9  }
0x1d3: {  	v13 =	vadd.s32 $0x200, v4;
	v12 =	vadd.s32 $0x201, v4;
	v11 =	vadd.s32 $0x1, v7;
	[tilespmem:s11+$0xD020] =	vst v23  }
0x1d4: {  	s13 =	sadd.s32 $0x100, s13;
	v10 =	vadd.s32 $0x200, v7;
	v9 =	vadd.s32 $0x201, v7;
	v8 =	vadd.s32 $0x1, v5;
	[tilespmem:s11+$0xD030] =	vst v25  }
0x1d5: {  	[tilespmem:s11+$0xB000] =	vst v18  }
0x1d6: {  	[tilespmem:s11+$0xB010] =	vst v17  }
0x1d7: {  	[tilespmem:s11+$0xB020] =	vst v16  }
0x1d8: {  	[tilespmem:s11+$0xB030] =	vst v21  }
0x1d9: {  	[tilespmem:s11+$0x3800] =	vst v19  }
0x1da: {  	[tilespmem:s11+$0x4000] =	vst v20  }
0x1db: {  	[tilespmem:s11+$0x4800] =	vst v15  }
0x1dc: {  	[tilespmem:s11+$0x3810] =	vst v14  }
0x1dd: {  	[tilespmem:s11+$0x4010] =	vst v13  }
0x1de: {  	[tilespmem:s11+$0x4810] =	vst v12  }
0x1df: {  	[tilespmem:s11+$0x3820] =	vst v11  }
0x1e0: {  	[tilespmem:s11+$0x4020] =	vst v10  }
0x1e1: {  	[tilespmem:s11+$0x4820] =	vst v9  }
0x1e2: {  	[tilespmem:s11+$0x3830] =	vst v8  }
0x1e3: {  	[tilespmem:s11+$0x3000] =	vst v6  }
0x1e4: {  	[tilespmem:s11+$0x3010] =	vst v4  }
0x1e5: {  	[tilespmem:s11+$0x3020] =	vst v7  }
0x1e6: {  	v62 =	vadd.s32 $0x200, v5;
	[tilespmem:s11+$0x3030] =	vst v5  }
0x1e7: {  	v63 =	vadd.s32 $0x201, v5;
	s14 =	simm.s32 $0x7000;
	[tilespmem:s11+$0x4030] =	vst v62  }
0x1e8: {  	s12 =	simm.s32 $0x3000;
	s15 =	simm.s32 $0x7800;
	s16 =	simm.s32 $0x3800;
	[tilespmem:s11+$0x4830] =	vst v63  }
0x1e9: {  	[tilespmem:s14], [sflag:$0x2] =	stream.indirect.gather [spmem:s2], $0x1, s12, s24, $0xb8;
	[tilespmem:$0x1E0C0] =	vst v63  }
0x1ea: {  	s18 =	simm.s32 $0x8000;
	s22 =	simm.s32 $0x4000;
	s13 =	simm.s32 $0x8800  }
0x1eb: {  	[tilespmem:s15], [sflag:$0x2] =	stream.indirect.gather [spmem:s2], $0x1, s16, s24, $0xb8;
	[tilespmem:$0x1E0C0] =	vst v63  }
0x1ec: {  	s11 =	simm.s32 $0x80;
	s12 =	simm.s32 $0x400;
	s15 =	simm.s32 $0x4800  }
0x1ed: {  	[tilespmem:s18], [sflag:$0x2] =	stream.indirect.gather [spmem:s2], $0x1, s22, s24, $0xb8;
	[tilespmem:$0x1E0C0] =	vst v63  }
.LBB2_16:
0x1ee: {  	[tilespmem:s13], [sflag:$0x2] =	stream.indirect.gather [spmem:s2], $0x1, s15, s24, $0xb8;
	[tilespmem:$0x1E0C0] =	vst v63  }
0x1ef: {  	s14 =	smov.u32 s11;
	s11 =	smov.u32 s12;
	p1 =	sne.s32 s12, $0x1E00  }
0x1f0: {  	s11 =	sshra.s32 s12, $0x2;
	s13 =	sadd.s32 $0x7000, s14;
	s15 =	sadd.s32 $0x3000, s14  }
0x1f1: {  	[tilespmem:s13], [sflag:$0x2] =	stream.indirect.gather [spmem:s2], $0x1, s15, s24, $0xb8;
	[tilespmem:$0x1E0C0] =	vst v63  }
.Ltmp7:
0x1f2: {  	s13 =	sadd.s32 $0x7800, s14;
	s15 =	sadd.s32 $0x3800, s14;
	(pc) =	sbr.rel @p1 .LBB2_16-.Ltmp7, $4  }
0x1f3: {  	[tilespmem:s13], [sflag:$0x2] =	stream.indirect.gather [spmem:s2], $0x1, s15, s24, $0xb8;
	[tilespmem:$0x1E0C0] =	vst v63  }
0x1f4: {  	s16 =	sadd.s32 $0x200, s12;
	s13 =	sadd.s32 $0x8000, s14;
	s15 =	sadd.s32 $0x4000, s14  }
0x1f5: {  	[tilespmem:s13], [sflag:$0x2] =	stream.indirect.gather [spmem:s2], $0x1, s15, s24, $0xb8;
	[tilespmem:$0x1E0C0] =	vst v63  }
0x1f6: {  	s12 =	smov.u32 s16;
	s13 =	sadd.s32 $0x8800, s14;
	s15 =	sadd.s32 $0x4800, s14  }
0x1f7: {  	[tilespmem:s13], [sflag:$0x2] =	stream.indirect.gather [spmem:s2], $0x1, s15, s24, $0xb8;
	[tilespmem:$0x1E0C0] =	vst v63  }
0x1f8: {  	s12 =	sadd.s32 $0x7000, s11;
	s14 =	sadd.s32 $0x3000, s11;
	s15 =	sadd.s32 $0x7800, s11  }
0x1f9: {  	[tilespmem:s12], [sflag:$0x2] =	stream.indirect.gather [spmem:s2], $0x1, s14, s24, $0xb8;
	[tilespmem:$0x1E0C0] =	vst v63  }
0x1fa: {  	s16 =	sadd.s32 $0x3800, s11;
	s18 =	sadd.s32 $0x8000, s11;
	s9 =	sadd.s32 $0x1800, s9  }
0x1fb: {  	[tilespmem:s15], [sflag:$0x2] =	stream.indirect.gather [spmem:s2], $0x1, s16, s24, $0xb8;
	[tilespmem:$0x1E0C0] =	vst v63  }
0x1fc: {  	s22 =	sadd.s32 $0x4000, s11;
	s14 =	sadd.s32 $0x8800, s11;
	s16 =	sadd.s32 s6, s9  }
0x1fd: {  	[tilespmem:s18], [sflag:$0x2] =	stream.indirect.gather [spmem:s2], $0x1, s22, s24, $0xb8;
	[tilespmem:$0x1E0C0] =	vst v63  }
0x1fe: {  	s15 =	sadd.s32 $0x4800, s11;
	s11 =	sshrl.u32 s16, $0x3;
	s18 =	sadd.s32 s7, s9  }
0x1ff: {  	[tilespmem:s14], [sflag:$0x2] =	stream.indirect.gather [spmem:s2], $0x1, s15, s24, $0xb8;
	[tilespmem:$0x1E0C0] =	vst v63  }
0x200: {  	s11 =	sadd.s32 s4, s11;
	s9 =	sadd.s32 s5, s9;
	s22 =	sshrl.u32 s18, $0x3  }
0x201: {  	[tilespmem:s25], [sflag:$0x1] =	stream.linear.gather [hbm4b:s11+s3], $0x800, $0x38;
	[tilespmem:$0x1E0C0] =	vst v63  }
0x202: {  	s9 =	sshrl.u32 s9, $0x3;
	s11 =	sadd.s32 s4, s22  }
0x203: {  	[tilespmem:s26], [sflag:$0x1] =	stream.linear.gather [hbm4b:s11+s3], $0x800, $0x38;
	[tilespmem:$0x1E0C0] =	vst v63  }
0x204: {  	s9 =	sadd.s32 s1, s9  }
0x205: {  	[tilespmem:s28], [sflag:$0x1] =	stream.linear.gather [hbm4b:s9+s3], $0x800, $0x38;
	[tilespmem:$0x1E0C0] =	vst v63  }
.LBB2_18:
0x206: {  	_ =	swait.ge [sflag:s29], $0x800  }
0x207: {  	[sflag:s29] =	ssyncset.done $0x0  }
0x208: {  	[sflag:s29] =	ssyncadd.s32 $0xFFFFF800  }
0x209: {  	_ =	swait.ge [sflag:s29], $0x800  }
0x20a: {  	[sflag:s29] =	ssyncset.done $0x0  }
0x20b: {  	[sflag:s29] =	ssyncadd.s32 $0xFFFFF800  }
0x20c: {  	_ =	swait.ge [sflag:s29], $0x800  }
0x20d: {  	[sflag:s29] =	ssyncset.done $0x0  }
0x20e: {  	[sflag:s29] =	ssyncadd.s32 $0xFFFFF800  }
0x20f: {  	_ =	swait.ge [sflag:s29], $0x800  }
0x210: {  	[sflag:s29] =	ssyncset.done $0x0  }
0x211: {  	s9 =	simm.s32 $0x0;
	[sflag:s29] =	ssyncadd.s32 $0xFFFFF800  }
0x212: {  	v4 =	vld [tilespmem:s9+$0xB800]  }
0x213: {  	v6 =	vld [tilespmem:s9+$0x9000]  }
0x214: {  	v7 =	vld [tilespmem:s9+$0x9800]  }
0x215: {  	v9 =	vld [tilespmem:s9+$0xA000]  }
0x216: {  	v10 =	vld [tilespmem:s9+$0xA800]  }
0x217: {  	v12 =	vld [tilespmem:s9+$0xD800];
	v11 =	vsub.f32 $1.000000000e+00, v4  }
0x218: {  	s12 =	simm.s32 $0x10;
	v13 =	vld [tilespmem:s9+$0xC800]  }
0x219: {  	v5 =	vld [tilespmem:s12+$0xB800];
	v7 =	vmul.f32 v7, v4;
	v14 =	vmul.f32 v11, v6  }
0x21a: {  	v8 =	vld [tilespmem:s12+$0x9800]  }
0x21b: {  	v4 =	vmul.f32 v10, v4;
	v6 =	vld [tilespmem:s12+$0x9000];
	v11 =	vmul.f32 v9, v11;
	v14 =	vadd.f32 v7, v14  }
0x21c: {  	v9 =	vld [tilespmem:s12+$0xA800]  }
0x21d: {  	v7 =	vld [tilespmem:s12+$0xA000];
	v15 =	vadd.f32 v4, v11;
	v13 =	vmul.f32 v13, v14  }
0x21e: {  	v4 =	vld [tilespmem:s12+$0xD800];
	v11 =	vsub.f32 $1.000000000e+00, v5  }
0x21f: {  	s11 =	simm.s32 $0xC0;
	s9 =	simm.s32 $0x20;
	v10 =	vld [tilespmem:s12+$0xC800];
	v12 =	vmul.f32 v12, v15;
	v3 =	vadd.f32 v13, v3  }
.LBB2_19:
0x220: {  	p1 =	sne.s32 s11, $0x1FC0;
	v13 =	vld [tilespmem:s9+$0xB800];
	v16 =	vmul.f32 v11, v6;
	v15 =	vmul.f32 v8, v5  }
0x221: {  	v6 =	vld [tilespmem:s9+$0x9000];
	v3 =	vadd.f32 v12, v3  }
.Ltmp8:
0x222: {  	v11 =	vmul.f32 v7, v11;
	v8 =	vld [tilespmem:s9+$0x9800];
	v12 =	vadd.f32 v15, v16;
	v16 =	vmul.f32 v9, v5;
	(pc) =	sbr.rel @p1 .LBB2_19-.Ltmp8, $4  }
0x223: {  	v7 =	vld [tilespmem:s9+$0xA000];
	v14 =	vmov v4  }
0x224: {  	v9 =	vld [tilespmem:s9+$0xA800];
	v15 =	vadd.f32 v16, v11;
	v12 =	vmul.f32 v10, v12  }
0x225: {  	v11 =	vsub.f32 $1.000000000e+00, v13;
	v4 =	vld [tilespmem:s9+$0xD800];
	v5 =	vmov v13  }
0x226: {  	v10 =	vld [tilespmem:s9+$0xC800];
	s9 =	sshra.s32 s11, $0x2;
	s11 =	sadd.s32 $0x40, s11;
	v3 =	vadd.f32 v12, v3;
	v12 =	vmul.f32 v14, v15  }
0x227: {  	v13 =	vld [tilespmem:s9+$0xB800]  }
0x228: {  	v14 =	vld [tilespmem:s9+$0x9000]  }
0x229: {  	v6 =	vmul.f32 v11, v6;
	v8 =	vmul.f32 v8, v5;
	v15 =	vld [tilespmem:s9+$0x9800]  }
0x22a: {  	v57 =	vld [tilespmem:s9+$0xA800]  }
0x22b: {  	v16 =	vld [tilespmem:s9+$0xA000];
	v6 =	vadd.f32 v8, v6  }
0x22c: {  	v7 =	vmul.f32 v7, v11;
	v5 =	vmul.f32 v9, v5;
	v58 =	vsub.f32 $1.000000000e+00, v13  }
0x22d: {  	v59 =	vld [tilespmem:s9+$0xC800];
	v3 =	vadd.f32 v12, v3;
	v6 =	vmul.f32 v10, v6  }
0x22e: {  	v5 =	vadd.f32 v5, v7;
	v61 =	vmul.f32 v15, v13;
	v60 =	vmul.f32 v58, v14  }
0x22f: {  	v62 =	vld [tilespmem:s9+$0xD800];
	v8 =	vmul.f32 v57, v13;
	v3 =	vadd.f32 v6, v3  }
0x230: {  	s20 =	sadd.s32 $0x1, s20;
	v4 =	vmul.f32 v4, v5;
	v63 =	vmul.f32 v16, v58;
	v5 =	vadd.f32 v61, v60  }
0x231: {  	p1 =	sne.s32 s20, $0x8  }
.Ltmp9:
0x232: {  	v3 =	vadd.f32 v4, v3;
	v4 =	vadd.f32 v8, v63;
	v5 =	vmul.f32 v59, v5;
	(pc) =	sbr.rel @p1 .LBB2_6-.Ltmp9, $3  }
0x233: {  	_ = 	snop  }
0x234: {  	v4 =	vmul.f32 v62, v4;
	v3 =	vadd.f32 v5, v3;
	_ =	sdelay $0x1  }
0x235: {  	s30 =	sadd.s32 $0x1000, s30;
	s19 =	sadd.s32 $0x1000, s19;
	v3 =	vadd.f32 v4, v3  }
0x236: {  	_ = 	snop  }
0x237: {  	s9 =	rddreg [dreg:$0x8];
	s11 =	simm.s32 $0xE000;
	[tilespmem:$0xE000] =	vst v3  }
0x238: {  	[hbm4b:s9+s3] =	stream.linear.scatter [tilespmem:s11], [sflag:$0x3], $0x80, $0x38;
	[tilespmem:$0x1E0C0] =	vst v63  }
0x239: {  	_ =	swait.ge [sflag:s31], $0x80  }
0x23a: {  	s0 =	sadd.s32 $0x1, s0;
	s30 =	rddreg [dreg:$0x9]  }
0x23b: {  	p1 =	sne.s32 s0, s30  }
.Ltmp10:
0x23c: {  	_ = 	snop;
	(pc) =	sbr.rel @p1 .LBB2_1-.Ltmp10, $3  }
0x23d: {  	_ =	sdelay $0x1  }
0x23e: {  	[sflag:s31] =	ssyncset.done $0x0  }
0x23f: {  	[sflag:s31] =	ssyncadd.s32 $0xFFFFFF80  }
0x240: {  	_ =	sfence.sel $0x180000  }
0x241: {  	[bflag:$0x0] =	sbarrier.arrive $0xFFFF  }
0x242: {  	_ =	strace $0x90000047  }
0x243: {  	[bflag:$0x2] =	sbarrier.arrive $0xFFFF  }
0x244: {  	s0 =	rddreg [dreg:$0x2]  }
0x245: {  	s0 =	sadd.s32 @!p0 $0x100000, s0  }
0x246: {  	[sflag:s0] =	ssyncadd.tile.s32 @!p0 $0x1;
	_ =	shalt  }
.Lfunc_end2:
_tile_overlayer_lowered:
.L_overlay_start_2:
0x247: {  	(tag) =	ssettag $0x2  }
0x248: {  	s0 =	rddreg [dreg:$0x0];
	s2 =	stileid.u32  }
0x249: {  	s1 =	rddreg [dreg:$0x1];
	p0 =	sne.s32 s2, $0x0  }
0x24a: {  	s3 =	rddreg [dreg:$0x2];
	[bflag:$0x3] =	sbarrier.arrive $0xFFFF;
	s2 =	simm.s32 @!p0 $0x1C03  }
0x24b: {  	[timem:s3], [sflag:s2] =	dma.local @!p0 [hbm:s0], s1  }
0x24c: {  	s0 =	simm.s32 @!p0 $0x3  }
0x24d: {  	_ =	swait.ge @!p0 [sflag:s0], s1  }
0x24e: {  	s1 =	ssub.s32 @!p0 $0x0, s1;
	[sflag:s0] =	ssyncset.done @!p0 $0x0  }
0x24f: {  	[sflag:s0] =	ssyncadd.s32 @!p0 s1  }
0x250: {  	[bflag:$0x3] =	sbarrier.arrive $0xFFFF  }
0x251: {  	_ =	shalt  }

</sc_bundles>
